<compile_context>
chip_gen: v7x
topology: tpu7x:2x2x1
jax: 0.10.2.dev20260603
libtpu: 0.0.44.dev20260713+nightly
codegen_flags: <defaults>
</compile_context>

<pallas_src>
import functools

import jax
import jax.numpy as jnp
from jax import lax
from jax.experimental import pallas as pl
from jax.experimental.pallas import tpu as pltpu
from jax.experimental.pallas import tpu_sc as plsc

N = 10000
E = 320000
D = 128

NC = 2
NS = 16
NW = NC * NS
C = 64
K0 = 175
K1 = 139
EPW = C * 175
EPAD = NS * C * (K0 + K1)
ZROWS = 640
ZPAD = NS * ZROWS

_HI = -65536


def _proj_body(h_ref, w2_ref, bias_ref, d_ref, ab16_ref, hp_ref):
  ab = (
      lax.dot_general(
          w2_ref[...], h_ref[...], (((1,), (1,)), ((), ())),
          preferred_element_type=jnp.float32,
      )
      + bias_ref[...]
  )
  abu = lax.bitcast_convert_type(ab, jnp.int32)
  ab16_ref[...] = (abu[0:1] & _HI) | lax.shift_right_logical(abu[1:2], 16)
  hp_ref[...] = h_ref[...] * d_ref[...]


def _add_body(p_ref, d_ref, out_ref):
  out_ref[...] = (p_ref[0] + p_ref[1]) * d_ref[...]


def _extract_ids(packed_v, cb, sidx_v, didx_v):
  for g in range(C // 16):
    v = packed_v[pl.ds(cb + g * 16, 16)]
    sidx_v[pl.ds(g * 16, 16)] = v & 0xFFFF
    didx_v[pl.ds(g * 16, 16)] = lax.shift_right_logical(v, 16)


def _compute_chunk(ab16_v, w_v, sidx_v, didx_v, rows_v):
  for g in range(C // 16):
    si = sidx_v[pl.ds(g * 16, 16)]
    di = didx_v[pl.ds(g * 16, 16)]
    pd = plsc.load_gather(ab16_v, [di])
    ps = plsc.load_gather(ab16_v, [si])
    a = plsc.bitcast(pd & _HI, jnp.float32)
    b = plsc.bitcast(lax.shift_left(ps, 16), jnp.float32)
    x = a + b
    t = 1.0 - 2.0 / (jnp.exp(jnp.abs(x) * 2.0) + 1.0)
    w_v[pl.ds(g * 16, 16)] = jnp.where(x < 0.0, -t, t)

  def scale(e, _):
    e2 = e * 2
    ws0 = plsc.load_gather(w_v, [jnp.full((16,), e2, jnp.int32)])
    ws1 = plsc.load_gather(w_v, [jnp.full((16,), e2 + 1, jnp.int32)])
    for j in range(8):
      rows_v[e2, pl.ds(j * 16, 16)] = rows_v[e2, pl.ds(j * 16, 16)] * ws0
    for j in range(8):
      rows_v[e2 + 1, pl.ds(j * 16, 16)] = (
          rows_v[e2 + 1, pl.ds(j * 16, 16)] * ws1)
    return 0

  lax.fori_loop(0, C // 2, scale, 0)


def _edge_body(packed_hbm, ab16_hbm, hp_hbm, out_hbm,
               packed_v, ab16_v, rows0, rows1, rows2, w_v,
               sidx0, sidx1, sidx2, didx0, didx1, didx2,
               semg0, semg1, semg2, sems0, sems1, sems2, z_sh):
  cid = lax.axis_index("c")
  sid = lax.axis_index("s")
  nchunk = jnp.where(cid == 0, K0, K1)
  base = pl.multiple_of(
      cid * (NS * C * K0) + sid * (C * nchunk), 8)

  pltpu.sync_copy(ab16_hbm, ab16_v)
  pltpu.sync_copy(packed_hbm.at[pl.ds(base, EPW)], packed_v)

  zeros16 = jnp.zeros((16,), jnp.float32)

  def zero_row(i, _):
    for j in range(8):
      rows0[i, pl.ds(j * 16, 16)] = zeros16
    return 0

  lax.fori_loop(0, C, zero_row, 0)
  for k in range(ZROWS // C):
    pltpu.sync_copy(rows0, z_sh.at[pl.ds(sid * ZROWS + k * C, C)])
  plsc.subcore_barrier()

  bufs = ((rows0, sidx0, didx0, semg0, sems0),
          (rows1, sidx1, didx1, semg1, sems1),
          (rows2, sidx2, didx2, semg2, sems2))

  _extract_ids(packed_v, 0, sidx0, didx0)
  pltpu.async_copy(hp_hbm.at[sidx0], rows0, semg0)
  _extract_ids(packed_v, C, sidx1, didx1)
  pltpu.async_copy(hp_hbm.at[sidx1], rows1, semg1)

  def step(i, cur, nx2):
    rows_c, sidx_c, didx_c, semg_c, sems_c = cur
    rows_n, sidx_n, didx_n, semg_n, sems_n = nx2

    @pl.when(i > 0)
    def _():
      pltpu.make_async_copy(rows_n, z_sh.at[didx_n], sems_n).wait()

    @pl.when(i + 2 < nchunk)
    def _():
      cb = pl.multiple_of((i + 2) * C, 8)
      _extract_ids(packed_v, cb, sidx_n, didx_n)
      pltpu.async_copy(hp_hbm.at[sidx_n], rows_n, semg_n)

    pltpu.make_async_copy(hp_hbm.at[sidx_c], rows_c, semg_c).wait()
    _compute_chunk(ab16_v, w_v, sidx_c, didx_c, rows_c)
    pltpu.async_copy(rows_c, z_sh.at[didx_c], sems_c, add=True)

  def chunk(i, _):
    r = lax.rem(i, 3)

    @pl.when(r == 0)
    def _():
      step(i, bufs[0], bufs[2])

    @pl.when(r == 1)
    def _():
      step(i, bufs[1], bufs[0])

    @pl.when(r == 2)
    def _():
      step(i, bufs[2], bufs[1])

    return 0

  lax.fori_loop(0, nchunk, chunk, 0)
  pltpu.make_async_copy(rows0, z_sh.at[didx0], sems0).wait()
  plsc.subcore_barrier()

  pltpu.sync_copy(
      z_sh.at[pl.ds(sid * ZROWS, ZROWS)],
      out_hbm.at[cid, pl.ds(sid * ZROWS, ZROWS)],
  )


_edge_call = functools.partial(
    pl.kernel,
    out_type=jax.ShapeDtypeStruct((NC, ZPAD, D), jnp.float32),
    mesh=plsc.VectorSubcoreMesh(
        core_axis_name="c", subcore_axis_name="s", num_cores=NC,
        num_subcores=NS,
    ),
    scratch_types=[
        pltpu.VMEM((EPW,), jnp.int32),
        pltpu.VMEM((N,), jnp.int32),
        pltpu.VMEM((C, D), jnp.float32),
        pltpu.VMEM((C, D), jnp.float32),
        pltpu.VMEM((C, D), jnp.float32),
        pltpu.VMEM((C,), jnp.float32),
        pltpu.VMEM((C,), jnp.int32),
        pltpu.VMEM((C,), jnp.int32),
        pltpu.VMEM((C,), jnp.int32),
        pltpu.VMEM((C,), jnp.int32),
        pltpu.VMEM((C,), jnp.int32),
        pltpu.VMEM((C,), jnp.int32),
        pltpu.SemaphoreType.DMA,
        pltpu.SemaphoreType.DMA,
        pltpu.SemaphoreType.DMA,
        pltpu.SemaphoreType.DMA,
        pltpu.SemaphoreType.DMA,
        pltpu.SemaphoreType.DMA,
        pltpu.VMEM_SHARED((ZPAD, D), jnp.float32),
    ],
    compiler_params=pltpu.CompilerParams(needs_layout_passes=False),
)(_edge_body)


@jax.jit
def kernel(h, edge_index, d, W_gate, b_gate):
  w2 = W_gate.reshape(2, D)
  bias = jnp.concatenate([b_gate, jnp.zeros((1,), jnp.float32)]).reshape(2, 1)
  d2 = d.reshape(N, 1)

  ab16, hp = pl.pallas_call(
      _proj_body,
      out_shape=(
          jax.ShapeDtypeStruct((1, N), jnp.int32),
          jax.ShapeDtypeStruct((N, D), jnp.float32),
      ),
  )(h, w2, bias, d2)

  packed = edge_index[0] | (edge_index[1] << 16)
  packed = jnp.concatenate(
      [packed, jnp.full((EPAD - E,), N << 16, jnp.int32)])

  partials = _edge_call(packed, ab16.reshape(N), hp)

  z = pl.pallas_call(
      _add_body,
      grid=(10,),
      in_specs=[
          pl.BlockSpec((2, N // 10, D), lambda i: (0, i, 0)),
          pl.BlockSpec((N // 10, 1), lambda i: (i, 0)),
      ],
      out_specs=pl.BlockSpec((N // 10, D), lambda i: (i, 0)),
      out_shape=jax.ShapeDtypeStruct((N, D), jnp.float32),
  )(partials, d2)
  return z

# --- scband reference (transcript-rebuilt; emitter-appended) ---
"""Pipeline reference for scband-falayer-1589137899749 (READ-ONLY COPY).

The authoritative reference and input builder live on the scoring server;
editing this copy changes nothing except your own understanding.
"""

import jax, jax.numpy as jnp
import numpy as np

N = 10000
E = 320000
D = 128


def setup_inputs(seed: int = 0) -> dict:
    key = jax.random.key(seed)
    k1, k2, k3, k4 = jax.random.split(key, 4)
    h = jax.random.normal(k1, (N, D), dtype=jnp.float32)
    edge_index = jax.random.randint(k2, (2, E), 0, N, dtype=jnp.int32)
    # node-wise degree normalization factors (d = 1/sqrt(deg) in FAGCN); positive scalars per node
    d = jax.random.uniform(k3, (N,), dtype=jnp.float32, minval=0.05, maxval=1.0)
    # gate: nn.Linear(2*in_dim, 1), xavier_normal_ with gain=1.414
    std = 1.414 * np.sqrt(2.0 / (2 * D + 1))
    W_gate = jax.random.normal(k4, (1, 2 * D), dtype=jnp.float32) * std
    b_gate = jnp.zeros((1,), dtype=jnp.float32)
    return {"h": h, "edge_index": edge_index, "d": d, "W_gate": W_gate, "b_gate": b_gate}


def reference(h, edge_index, d, W_gate, b_gate):
    # DGL FALayer forward (eval mode; dropout on e is identity):
    # edge_applying: g = tanh(gate([h_dst, h_src])); e = g * d_dst * d_src
    # update_all(u_mul_e('h','e'), sum) -> z[dst] += h_src * e
    src = edge_index[0]
    dst = edge_index[1]
    h_src = jnp.take(h, src, axis=0)            # [E, D] gather
    h_dst = jnp.take(h, dst, axis=0)            # [E, D] gather
    h2 = jnp.concatenate([h_dst, h_src], axis=1)  # [E, 2D]
    g = jnp.tanh(h2 @ W_gate.T + b_gate)[:, 0]    # [E]
    e = g * jnp.take(d, dst) * jnp.take(d, src)   # [E]
    m = h_src * e[:, None]                         # [E, D]
    z = jax.ops.segment_sum(m, dst, num_segments=N)  # scatter-add to dst nodes
    return z

if __name__ == "__main__":
    import jax
    _d = setup_inputs()
    print(jax.jit(kernel)(*tuple(_d.values())))

</pallas_src>

<mosaic_0001>
#map = affine_map<(d0, d1) -> (0)>
#map1 = affine_map<(d0, d1) -> (0, 0)>
#map2 = affine_map<(d0, d1) -> (0, 0, 0)>
module attributes {stable_mosaic.version = 14 : i64} {
  func.func @_edge_body(%arg0: i32, %arg1: i32, %arg2: memref<321536xi32, #tpu.memory_space<hbm>>, %arg3: memref<10000xi32, #tpu.memory_space<hbm>>, %arg4: memref<10000x128xf32, #tpu.memory_space<hbm>>, %arg5: memref<2x10240x128xf32, #tpu.memory_space<hbm>>, %arg6: memref<11200xi32, #tpu.memory_space<vmem>>, %arg7: memref<10000xi32, #tpu.memory_space<vmem>>, %arg8: memref<64x128xf32, #tpu.memory_space<vmem>>, %arg9: memref<64x128xf32, #tpu.memory_space<vmem>>, %arg10: memref<64x128xf32, #tpu.memory_space<vmem>>, %arg11: memref<64xf32, #tpu.memory_space<vmem>>, %arg12: memref<64xi32, #tpu.memory_space<vmem>>, %arg13: memref<64xi32, #tpu.memory_space<vmem>>, %arg14: memref<64xi32, #tpu.memory_space<vmem>>, %arg15: memref<64xi32, #tpu.memory_space<vmem>>, %arg16: memref<64xi32, #tpu.memory_space<vmem>>, %arg17: memref<64xi32, #tpu.memory_space<vmem>>, %arg18: memref<!tpu.dma_semaphore, #tpu.memory_space<semaphore_mem>>, %arg19: memref<!tpu.dma_semaphore, #tpu.memory_space<semaphore_mem>>, %arg20: memref<!tpu.dma_semaphore, #tpu.memory_space<semaphore_mem>>, %arg21: memref<!tpu.dma_semaphore, #tpu.memory_space<semaphore_mem>>, %arg22: memref<!tpu.dma_semaphore, #tpu.memory_space<semaphore_mem>>, %arg23: memref<!tpu.dma_semaphore, #tpu.memory_space<semaphore_mem>>, %arg24: memref<10240x128xf32, #tpu.memory_space<vmem_shared>>) attributes {dimension_semantics = [#tpu.dimension_semantics<core_parallel>, #tpu.dimension_semantics<subcore_parallel>], iteration_bounds = array<i64: 2, 16>, scalar_prefetch = 0 : i64, scratch_operands = 19 : i64, tpu.core_type = #tpu.core_type<sc_vector_subcore>, window_params = [{transform_indices = #map}, {transform_indices = #map}, {transform_indices = #map1}, {transform_indices = #map2}]} {
    %eq3A = arith.constant 0 : i32
    %eq3A_0 = arith.cmpi eq, %arg0, %eq3A : i32
    %jit3A = arith.constant 175 : i32
    %jit3A_1 = arith.constant 139 : i32
    %select_n3A = arith.select %eq3A_0, %jit3A, %jit3A_1 : i32
    %mul3A = arith.constant 179200 : i32
    %mul3A_2 = arith.muli %arg0, %mul3A : i32
    %mul3A_3 = arith.constant 64 : i32
    %mul3A_4 = arith.muli %mul3A_3, %select_n3A : i32
    %mul3A_5 = arith.muli %arg1, %mul3A_4 : i32
    %add3A = arith.addi %mul3A_2, %mul3A_5 : i32
    %multiple_of3A = tpu.assume_multiple %add3A, 8 : i32
    "tpu.region"() ({
      %run_scoped3A = tpu.sem_alloc : memref<!tpu.dma_semaphore, #tpu.memory_space<semaphore_mem>>
      tpu.enqueue_dma source(%arg3 : memref<10000xi32, #tpu.memory_space<hbm>>) target(%arg7 : memref<10000xi32, #tpu.memory_space<vmem>>) target_semaphore(%run_scoped3A : memref<!tpu.dma_semaphore, #tpu.memory_space<semaphore_mem>>)
      tpu.wait_dma2 semaphore(%run_scoped3A : memref<!tpu.dma_semaphore, #tpu.memory_space<semaphore_mem>>) src(%arg3 : memref<10000xi32, #tpu.memory_space<hbm>>) dst(%arg7 : memref<10000xi32, #tpu.memory_space<vmem>>)
      tpu.yield
    }) : () -> ()
    "tpu.region"() ({
      %run_scoped3A = tpu.sem_alloc : memref<!tpu.dma_semaphore, #tpu.memory_space<semaphore_mem>>
      %dma_start3A_168 = tpu.memref_slice %arg2[%multiple_of3A] : memref<321536xi32, #tpu.memory_space<hbm>> -> memref<11200xi32, #tpu.memory_space<hbm>>
      %dma_start3A_169 = tpu.memref_slice %arg2[%multiple_of3A] : memref<321536xi32, #tpu.memory_space<hbm>> -> memref<11200xi32, #tpu.memory_space<hbm>>
      tpu.enqueue_dma source(%dma_start3A_169 : memref<11200xi32, #tpu.memory_space<hbm>>) target(%arg6 : memref<11200xi32, #tpu.memory_space<vmem>>) target_semaphore(%run_scoped3A : memref<!tpu.dma_semaphore, #tpu.memory_space<semaphore_mem>>)
      %dma_wait3A_170 = tpu.memref_slice %arg2[%multiple_of3A] : memref<321536xi32, #tpu.memory_space<hbm>> -> memref<11200xi32, #tpu.memory_space<hbm>>
      %dma_wait3A_171 = tpu.memref_slice %arg2[%multiple_of3A] : memref<321536xi32, #tpu.memory_space<hbm>> -> memref<11200xi32, #tpu.memory_space<hbm>>
      tpu.wait_dma2 semaphore(%run_scoped3A : memref<!tpu.dma_semaphore, #tpu.memory_space<semaphore_mem>>) src(%dma_wait3A_171 : memref<11200xi32, #tpu.memory_space<hbm>>) dst(%arg6 : memref<11200xi32, #tpu.memory_space<vmem>>)
      tpu.yield
    }) : () -> ()
    %broadcast_in_dim3A = arith.constant 0.000000e+00 : f32
    %broadcast_in_dim3A_6 = vector.broadcast %broadcast_in_dim3A : f32 to vector<16xf32>
    %scan3A = arith.constant 0 : i32
    %scan3A_7 = arith.constant 0 : i32
    %scan3A_8 = arith.constant 64 : i32
    %scan3A_9 = arith.addi %scan3A_7, %scan3A_8 : i32
    %scan3A_10 = arith.constant 1 : i32
    %scan3A_11 = scf.for %scan3A_168 = %scan3A_7 to %scan3A_9 step %scan3A_10 iter_args(%scan3A_169 = %scan3A) -> (i32)  : i32 {
      %swap3A_170 = arith.index_cast %scan3A_168 : i32 to index
      %swap3A_171 = arith.constant 0 : index
      %swap3A_172 = tpu.vector_load %arg8[%swap3A_170, %swap3A_171] {strides = array<i32>} : memref<64x128xf32, #tpu.memory_space<vmem>>, vector<16xf32>,
      tpu.vector_store %arg8[%swap3A_170, %swap3A_171], %broadcast_in_dim3A_6 {strides = array<i32>} : memref<64x128xf32, #tpu.memory_space<vmem>>, vector<16xf32>,
      %swap3A_173 = arith.index_cast %scan3A_168 : i32 to index
      %swap3A_174 = arith.constant 16 : index
      %swap3A_175 = tpu.vector_load %arg8[%swap3A_173, %swap3A_174] {strides = array<i32>} : memref<64x128xf32, #tpu.memory_space<vmem>>, vector<16xf32>,
      tpu.vector_store %arg8[%swap3A_173, %swap3A_174], %broadcast_in_dim3A_6 {strides = array<i32>} : memref<64x128xf32, #tpu.memory_space<vmem>>, vector<16xf32>,
      %swap3A_176 = arith.index_cast %scan3A_168 : i32 to index
      %swap3A_177 = arith.constant 32 : index
      %swap3A_178 = tpu.vector_load %arg8[%swap3A_176, %swap3A_177] {strides = array<i32>} : memref<64x128xf32, #tpu.memory_space<vmem>>, vector<16xf32>,
      tpu.vector_store %arg8[%swap3A_176, %swap3A_177], %broadcast_in_dim3A_6 {strides = array<i32>} : memref<64x128xf32, #tpu.memory_space<vmem>>, vector<16xf32>,
      %swap3A_179 = arith.index_cast %scan3A_168 : i32 to index
      %swap3A_180 = arith.constant 48 : index
      %swap3A_181 = tpu.vector_load %arg8[%swap3A_179, %swap3A_180] {strides = array<i32>} : memref<64x128xf32, #tpu.memory_space<vmem>>, vector<16xf32>,
      tpu.vector_store %arg8[%swap3A_179, %swap3A_180], %broadcast_in_dim3A_6 {strides = array<i32>} : memref<64x128xf32, #tpu.memory_space<vmem>>, vector<16xf32>,
      %swap3A_182 = arith.index_cast %scan3A_168 : i32 to index
      %swap3A_183 = arith.constant 64 : index
      %swap3A_184 = tpu.vector_load %arg8[%swap3A_182, %swap3A_183] {strides = array<i32>} : memref<64x128xf32, #tpu.memory_space<vmem>>, vector<16xf32>,
      tpu.vector_store %arg8[%swap3A_182, %swap3A_183], %broadcast_in_dim3A_6 {strides = array<i32>} : memref<64x128xf32, #tpu.memory_space<vmem>>, vector<16xf32>,
      %swap3A_185 = arith.index_cast %scan3A_168 : i32 to index
      %swap3A_186 = arith.constant 80 : index
      %swap3A_187 = tpu.vector_load %arg8[%swap3A_185, %swap3A_186] {strides = array<i32>} : memref<64x128xf32, #tpu.memory_space<vmem>>, vector<16xf32>,
      tpu.vector_store %arg8[%swap3A_185, %swap3A_186], %broadcast_in_dim3A_6 {strides = array<i32>} : memref<64x128xf32, #tpu.memory_space<vmem>>, vector<16xf32>,
      %swap3A_188 = arith.index_cast %scan3A_168 : i32 to index
      %swap3A_189 = arith.constant 96 : index
      %swap3A_190 = tpu.vector_load %arg8[%swap3A_188, %swap3A_189] {strides = array<i32>} : memref<64x128xf32, #tpu.memory_space<vmem>>, vector<16xf32>,
      tpu.vector_store %arg8[%swap3A_188, %swap3A_189], %broadcast_in_dim3A_6 {strides = array<i32>} : memref<64x128xf32, #tpu.memory_space<vmem>>, vector<16xf32>,
      %swap3A_191 = arith.index_cast %scan3A_168 : i32 to index
      %swap3A_192 = arith.constant 112 : index
      %swap3A_193 = tpu.vector_load %arg8[%swap3A_191, %swap3A_192] {strides = array<i32>} : memref<64x128xf32, #tpu.memory_space<vmem>>, vector<16xf32>,
      tpu.vector_store %arg8[%swap3A_191, %swap3A_192], %broadcast_in_dim3A_6 {strides = array<i32>} : memref<64x128xf32, #tpu.memory_space<vmem>>, vector<16xf32>,
      %scan3A_194 = arith.constant 0 : i32
      scf.yield %scan3A_194 : i32
    }
    %scan3A_12 = arith.constant 64 : i32
    %mul3A_13 = arith.constant 640 : i32
    %mul3A_14 = arith.muli %arg1, %mul3A_13 : i32
    %add3A_15 = arith.constant 0 : i32
    %add3A_16 = arith.addi %mul3A_14, %add3A_15 : i32
    "tpu.region"() ({
      %run_scoped3A = tpu.sem_alloc : memref<!tpu.dma_semaphore, #tpu.memory_space<semaphore_mem>>
      %dma_start3A_168 = arith.constant 0 : i32
      %dma_start3A_169 = tpu.memref_slice %arg24[%add3A_16, %dma_start3A_168] : memref<10240x128xf32, #tpu.memory_space<vmem_shared>> -> memref<64x128xf32, #tpu.memory_space<vmem_shared>>
      %dma_start3A_170 = arith.constant 0 : i32
      %dma_start3A_171 = tpu.memref_slice %arg24[%add3A_16, %dma_start3A_170] : memref<10240x128xf32, #tpu.memory_space<vmem_shared>> -> memref<64x128xf32, #tpu.memory_space<vmem_shared>>
      tpu.enqueue_dma source(%arg8 : memref<64x128xf32, #tpu.memory_space<vmem>>) target(%dma_start3A_171 : memref<64x128xf32, #tpu.memory_space<vmem_shared>>) target_semaphore(%run_scoped3A : memref<!tpu.dma_semaphore, #tpu.memory_space<semaphore_mem>>)
      %dma_wait3A_172 = arith.constant 0 : i32
      %dma_wait3A_173 = tpu.memref_slice %arg24[%add3A_16, %dma_wait3A_172] : memref<10240x128xf32, #tpu.memory_space<vmem_shared>> -> memref<64x128xf32, #tpu.memory_space<vmem_shared>>
      %dma_wait3A_174 = arith.constant 0 : i32
      %dma_wait3A_175 = tpu.memref_slice %arg24[%add3A_16, %dma_wait3A_174] : memref<10240x128xf32, #tpu.memory_space<vmem_shared>> -> memref<64x128xf32, #tpu.memory_space<vmem_shared>>
      tpu.wait_dma2 semaphore(%run_scoped3A : memref<!tpu.dma_semaphore, #tpu.memory_space<semaphore_mem>>) src(%arg8 : memref<64x128xf32, #tpu.memory_space<vmem>>) dst(%dma_wait3A_175 : memref<64x128xf32, #tpu.memory_space<vmem_shared>>)
      tpu.yield
    }) : () -> ()
    %mul3A_17 = arith.constant 640 : i32
    %mul3A_18 = arith.muli %arg1, %mul3A_17 : i32
    %add3A_19 = arith.constant 64 : i32
    %add3A_20 = arith.addi %mul3A_18, %add3A_19 : i32
    "tpu.region"() ({
      %run_scoped3A = tpu.sem_alloc : memref<!tpu.dma_semaphore, #tpu.memory_space<semaphore_mem>>
      %dma_start3A_168 = arith.constant 0 : i32
      %dma_start3A_169 = tpu.memref_slice %arg24[%add3A_20, %dma_start3A_168] : memref<10240x128xf32, #tpu.memory_space<vmem_shared>> -> memref<64x128xf32, #tpu.memory_space<vmem_shared>>
      %dma_start3A_170 = arith.constant 0 : i32
      %dma_start3A_171 = tpu.memref_slice %arg24[%add3A_20, %dma_start3A_170] : memref<10240x128xf32, #tpu.memory_space<vmem_shared>> -> memref<64x128xf32, #tpu.memory_space<vmem_shared>>
      tpu.enqueue_dma source(%arg8 : memref<64x128xf32, #tpu.memory_space<vmem>>) target(%dma_start3A_171 : memref<64x128xf32, #tpu.memory_space<vmem_shared>>) target_semaphore(%run_scoped3A : memref<!tpu.dma_semaphore, #tpu.memory_space<semaphore_mem>>)
      %dma_wait3A_172 = arith.constant 0 : i32
      %dma_wait3A_173 = tpu.memref_slice %arg24[%add3A_20, %dma_wait3A_172] : memref<10240x128xf32, #tpu.memory_space<vmem_shared>> -> memref<64x128xf32, #tpu.memory_space<vmem_shared>>
      %dma_wait3A_174 = arith.constant 0 : i32
      %dma_wait3A_175 = tpu.memref_slice %arg24[%add3A_20, %dma_wait3A_174] : memref<10240x128xf32, #tpu.memory_space<vmem_shared>> -> memref<64x128xf32, #tpu.memory_space<vmem_shared>>
      tpu.wait_dma2 semaphore(%run_scoped3A : memref<!tpu.dma_semaphore, #tpu.memory_space<semaphore_mem>>) src(%arg8 : memref<64x128xf32, #tpu.memory_space<vmem>>) dst(%dma_wait3A_175 : memref<64x128xf32, #tpu.memory_space<vmem_shared>>)
      tpu.yield
    }) : () -> ()
    %mul3A_21 = arith.constant 640 : i32
    %mul3A_22 = arith.muli %arg1, %mul3A_21 : i32
    %add3A_23 = arith.constant 128 : i32
    %add3A_24 = arith.addi %mul3A_22, %add3A_23 : i32
    "tpu.region"() ({
      %run_scoped3A = tpu.sem_alloc : memref<!tpu.dma_semaphore, #tpu.memory_space<semaphore_mem>>
      %dma_start3A_168 = arith.constant 0 : i32
      %dma_start3A_169 = tpu.memref_slice %arg24[%add3A_24, %dma_start3A_168] : memref<10240x128xf32, #tpu.memory_space<vmem_shared>> -> memref<64x128xf32, #tpu.memory_space<vmem_shared>>
      %dma_start3A_170 = arith.constant 0 : i32
      %dma_start3A_171 = tpu.memref_slice %arg24[%add3A_24, %dma_start3A_170] : memref<10240x128xf32, #tpu.memory_space<vmem_shared>> -> memref<64x128xf32, #tpu.memory_space<vmem_shared>>
      tpu.enqueue_dma source(%arg8 : memref<64x128xf32, #tpu.memory_space<vmem>>) target(%dma_start3A_171 : memref<64x128xf32, #tpu.memory_space<vmem_shared>>) target_semaphore(%run_scoped3A : memref<!tpu.dma_semaphore, #tpu.memory_space<semaphore_mem>>)
      %dma_wait3A_172 = arith.constant 0 : i32
      %dma_wait3A_173 = tpu.memref_slice %arg24[%add3A_24, %dma_wait3A_172] : memref<10240x128xf32, #tpu.memory_space<vmem_shared>> -> memref<64x128xf32, #tpu.memory_space<vmem_shared>>
      %dma_wait3A_174 = arith.constant 0 : i32
      %dma_wait3A_175 = tpu.memref_slice %arg24[%add3A_24, %dma_wait3A_174] : memref<10240x128xf32, #tpu.memory_space<vmem_shared>> -> memref<64x128xf32, #tpu.memory_space<vmem_shared>>
      tpu.wait_dma2 semaphore(%run_scoped3A : memref<!tpu.dma_semaphore, #tpu.memory_space<semaphore_mem>>) src(%arg8 : memref<64x128xf32, #tpu.memory_space<vmem>>) dst(%dma_wait3A_175 : memref<64x128xf32, #tpu.memory_space<vmem_shared>>)
      tpu.yield
    }) : () -> ()
    %mul3A_25 = arith.constant 640 : i32
    %mul3A_26 = arith.muli %arg1, %mul3A_25 : i32
    %add3A_27 = arith.constant 192 : i32
    %add3A_28 = arith.addi %mul3A_26, %add3A_27 : i32
    "tpu.region"() ({
      %run_scoped3A = tpu.sem_alloc : memref<!tpu.dma_semaphore, #tpu.memory_space<semaphore_mem>>
      %dma_start3A_168 = arith.constant 0 : i32
      %dma_start3A_169 = tpu.memref_slice %arg24[%add3A_28, %dma_start3A_168] : memref<10240x128xf32, #tpu.memory_space<vmem_shared>> -> memref<64x128xf32, #tpu.memory_space<vmem_shared>>
      %dma_start3A_170 = arith.constant 0 : i32
      %dma_start3A_171 = tpu.memref_slice %arg24[%add3A_28, %dma_start3A_170] : memref<10240x128xf32, #tpu.memory_space<vmem_shared>> -> memref<64x128xf32, #tpu.memory_space<vmem_shared>>
      tpu.enqueue_dma source(%arg8 : memref<64x128xf32, #tpu.memory_space<vmem>>) target(%dma_start3A_171 : memref<64x128xf32, #tpu.memory_space<vmem_shared>>) target_semaphore(%run_scoped3A : memref<!tpu.dma_semaphore, #tpu.memory_space<semaphore_mem>>)
      %dma_wait3A_172 = arith.constant 0 : i32
      %dma_wait3A_173 = tpu.memref_slice %arg24[%add3A_28, %dma_wait3A_172] : memref<10240x128xf32, #tpu.memory_space<vmem_shared>> -> memref<64x128xf32, #tpu.memory_space<vmem_shared>>
      %dma_wait3A_174 = arith.constant 0 : i32
      %dma_wait3A_175 = tpu.memref_slice %arg24[%add3A_28, %dma_wait3A_174] : memref<10240x128xf32, #tpu.memory_space<vmem_shared>> -> memref<64x128xf32, #tpu.memory_space<vmem_shared>>
      tpu.wait_dma2 semaphore(%run_scoped3A : memref<!tpu.dma_semaphore, #tpu.memory_space<semaphore_mem>>) src(%arg8 : memref<64x128xf32, #tpu.memory_space<vmem>>) dst(%dma_wait3A_175 : memref<64x128xf32, #tpu.memory_space<vmem_shared>>)
      tpu.yield
    }) : () -> ()
    %mul3A_29 = arith.constant 640 : i32
    %mul3A_30 = arith.muli %arg1, %mul3A_29 : i32
    %add3A_31 = arith.constant 256 : i32
    %add3A_32 = arith.addi %mul3A_30, %add3A_31 : i32
    "tpu.region"() ({
      %run_scoped3A = tpu.sem_alloc : memref<!tpu.dma_semaphore, #tpu.memory_space<semaphore_mem>>
      %dma_start3A_168 = arith.constant 0 : i32
      %dma_start3A_169 = tpu.memref_slice %arg24[%add3A_32, %dma_start3A_168] : memref<10240x128xf32, #tpu.memory_space<vmem_shared>> -> memref<64x128xf32, #tpu.memory_space<vmem_shared>>
      %dma_start3A_170 = arith.constant 0 : i32
      %dma_start3A_171 = tpu.memref_slice %arg24[%add3A_32, %dma_start3A_170] : memref<10240x128xf32, #tpu.memory_space<vmem_shared>> -> memref<64x128xf32, #tpu.memory_space<vmem_shared>>
      tpu.enqueue_dma source(%arg8 : memref<64x128xf32, #tpu.memory_space<vmem>>) target(%dma_start3A_171 : memref<64x128xf32, #tpu.memory_space<vmem_shared>>) target_semaphore(%run_scoped3A : memref<!tpu.dma_semaphore, #tpu.memory_space<semaphore_mem>>)
      %dma_wait3A_172 = arith.constant 0 : i32
      %dma_wait3A_173 = tpu.memref_slice %arg24[%add3A_32, %dma_wait3A_172] : memref<10240x128xf32, #tpu.memory_space<vmem_shared>> -> memref<64x128xf32, #tpu.memory_space<vmem_shared>>
      %dma_wait3A_174 = arith.constant 0 : i32
      %dma_wait3A_175 = tpu.memref_slice %arg24[%add3A_32, %dma_wait3A_174] : memref<10240x128xf32, #tpu.memory_space<vmem_shared>> -> memref<64x128xf32, #tpu.memory_space<vmem_shared>>
      tpu.wait_dma2 semaphore(%run_scoped3A : memref<!tpu.dma_semaphore, #tpu.memory_space<semaphore_mem>>) src(%arg8 : memref<64x128xf32, #tpu.memory_space<vmem>>) dst(%dma_wait3A_175 : memref<64x128xf32, #tpu.memory_space<vmem_shared>>)
      tpu.yield
    }) : () -> ()
    %mul3A_33 = arith.constant 640 : i32
    %mul3A_34 = arith.muli %arg1, %mul3A_33 : i32
    %add3A_35 = arith.constant 320 : i32
    %add3A_36 = arith.addi %mul3A_34, %add3A_35 : i32
    "tpu.region"() ({
      %run_scoped3A = tpu.sem_alloc : memref<!tpu.dma_semaphore, #tpu.memory_space<semaphore_mem>>
      %dma_start3A_168 = arith.constant 0 : i32
      %dma_start3A_169 = tpu.memref_slice %arg24[%add3A_36, %dma_start3A_168] : memref<10240x128xf32, #tpu.memory_space<vmem_shared>> -> memref<64x128xf32, #tpu.memory_space<vmem_shared>>
      %dma_start3A_170 = arith.constant 0 : i32
      %dma_start3A_171 = tpu.memref_slice %arg24[%add3A_36, %dma_start3A_170] : memref<10240x128xf32, #tpu.memory_space<vmem_shared>> -> memref<64x128xf32, #tpu.memory_space<vmem_shared>>
      tpu.enqueue_dma source(%arg8 : memref<64x128xf32, #tpu.memory_space<vmem>>) target(%dma_start3A_171 : memref<64x128xf32, #tpu.memory_space<vmem_shared>>) target_semaphore(%run_scoped3A : memref<!tpu.dma_semaphore, #tpu.memory_space<semaphore_mem>>)
      %dma_wait3A_172 = arith.constant 0 : i32
      %dma_wait3A_173 = tpu.memref_slice %arg24[%add3A_36, %dma_wait3A_172] : memref<10240x128xf32, #tpu.memory_space<vmem_shared>> -> memref<64x128xf32, #tpu.memory_space<vmem_shared>>
      %dma_wait3A_174 = arith.constant 0 : i32
      %dma_wait3A_175 = tpu.memref_slice %arg24[%add3A_36, %dma_wait3A_174] : memref<10240x128xf32, #tpu.memory_space<vmem_shared>> -> memref<64x128xf32, #tpu.memory_space<vmem_shared>>
      tpu.wait_dma2 semaphore(%run_scoped3A : memref<!tpu.dma_semaphore, #tpu.memory_space<semaphore_mem>>) src(%arg8 : memref<64x128xf32, #tpu.memory_space<vmem>>) dst(%dma_wait3A_175 : memref<64x128xf32, #tpu.memory_space<vmem_shared>>)
      tpu.yield
    }) : () -> ()
    %mul3A_37 = arith.constant 640 : i32
    %mul3A_38 = arith.muli %arg1, %mul3A_37 : i32
    %add3A_39 = arith.constant 384 : i32
    %add3A_40 = arith.addi %mul3A_38, %add3A_39 : i32
    "tpu.region"() ({
      %run_scoped3A = tpu.sem_alloc : memref<!tpu.dma_semaphore, #tpu.memory_space<semaphore_mem>>
      %dma_start3A_168 = arith.constant 0 : i32
      %dma_start3A_169 = tpu.memref_slice %arg24[%add3A_40, %dma_start3A_168] : memref<10240x128xf32, #tpu.memory_space<vmem_shared>> -> memref<64x128xf32, #tpu.memory_space<vmem_shared>>
      %dma_start3A_170 = arith.constant 0 : i32
      %dma_start3A_171 = tpu.memref_slice %arg24[%add3A_40, %dma_start3A_170] : memref<10240x128xf32, #tpu.memory_space<vmem_shared>> -> memref<64x128xf32, #tpu.memory_space<vmem_shared>>
      tpu.enqueue_dma source(%arg8 : memref<64x128xf32, #tpu.memory_space<vmem>>) target(%dma_start3A_171 : memref<64x128xf32, #tpu.memory_space<vmem_shared>>) target_semaphore(%run_scoped3A : memref<!tpu.dma_semaphore, #tpu.memory_space<semaphore_mem>>)
      %dma_wait3A_172 = arith.constant 0 : i32
      %dma_wait3A_173 = tpu.memref_slice %arg24[%add3A_40, %dma_wait3A_172] : memref<10240x128xf32, #tpu.memory_space<vmem_shared>> -> memref<64x128xf32, #tpu.memory_space<vmem_shared>>
      %dma_wait3A_174 = arith.constant 0 : i32
      %dma_wait3A_175 = tpu.memref_slice %arg24[%add3A_40, %dma_wait3A_174] : memref<10240x128xf32, #tpu.memory_space<vmem_shared>> -> memref<64x128xf32, #tpu.memory_space<vmem_shared>>
      tpu.wait_dma2 semaphore(%run_scoped3A : memref<!tpu.dma_semaphore, #tpu.memory_space<semaphore_mem>>) src(%arg8 : memref<64x128xf32, #tpu.memory_space<vmem>>) dst(%dma_wait3A_175 : memref<64x128xf32, #tpu.memory_space<vmem_shared>>)
      tpu.yield
    }) : () -> ()
    %mul3A_41 = arith.constant 640 : i32
    %mul3A_42 = arith.muli %arg1, %mul3A_41 : i32
    %add3A_43 = arith.constant 448 : i32
    %add3A_44 = arith.addi %mul3A_42, %add3A_43 : i32
    "tpu.region"() ({
      %run_scoped3A = tpu.sem_alloc : memref<!tpu.dma_semaphore, #tpu.memory_space<semaphore_mem>>
      %dma_start3A_168 = arith.constant 0 : i32
      %dma_start3A_169 = tpu.memref_slice %arg24[%add3A_44, %dma_start3A_168] : memref<10240x128xf32, #tpu.memory_space<vmem_shared>> -> memref<64x128xf32, #tpu.memory_space<vmem_shared>>
      %dma_start3A_170 = arith.constant 0 : i32
      %dma_start3A_171 = tpu.memref_slice %arg24[%add3A_44, %dma_start3A_170] : memref<10240x128xf32, #tpu.memory_space<vmem_shared>> -> memref<64x128xf32, #tpu.memory_space<vmem_shared>>
      tpu.enqueue_dma source(%arg8 : memref<64x128xf32, #tpu.memory_space<vmem>>) target(%dma_start3A_171 : memref<64x128xf32, #tpu.memory_space<vmem_shared>>) target_semaphore(%run_scoped3A : memref<!tpu.dma_semaphore, #tpu.memory_space<semaphore_mem>>)
      %dma_wait3A_172 = arith.constant 0 : i32
      %dma_wait3A_173 = tpu.memref_slice %arg24[%add3A_44, %dma_wait3A_172] : memref<10240x128xf32, #tpu.memory_space<vmem_shared>> -> memref<64x128xf32, #tpu.memory_space<vmem_shared>>
      %dma_wait3A_174 = arith.constant 0 : i32
      %dma_wait3A_175 = tpu.memref_slice %arg24[%add3A_44, %dma_wait3A_174] : memref<10240x128xf32, #tpu.memory_space<vmem_shared>> -> memref<64x128xf32, #tpu.memory_space<vmem_shared>>
      tpu.wait_dma2 semaphore(%run_scoped3A : memref<!tpu.dma_semaphore, #tpu.memory_space<semaphore_mem>>) src(%arg8 : memref<64x128xf32, #tpu.memory_space<vmem>>) dst(%dma_wait3A_175 : memref<64x128xf32, #tpu.memory_space<vmem_shared>>)
      tpu.yield
    }) : () -> ()
    %mul3A_45 = arith.constant 640 : i32
    %mul3A_46 = arith.muli %arg1, %mul3A_45 : i32
    %add3A_47 = arith.constant 512 : i32
    %add3A_48 = arith.addi %mul3A_46, %add3A_47 : i32
    "tpu.region"() ({
      %run_scoped3A = tpu.sem_alloc : memref<!tpu.dma_semaphore, #tpu.memory_space<semaphore_mem>>
      %dma_start3A_168 = arith.constant 0 : i32
      %dma_start3A_169 = tpu.memref_slice %arg24[%add3A_48, %dma_start3A_168] : memref<10240x128xf32, #tpu.memory_space<vmem_shared>> -> memref<64x128xf32, #tpu.memory_space<vmem_shared>>
      %dma_start3A_170 = arith.constant 0 : i32
      %dma_start3A_171 = tpu.memref_slice %arg24[%add3A_48, %dma_start3A_170] : memref<10240x128xf32, #tpu.memory_space<vmem_shared>> -> memref<64x128xf32, #tpu.memory_space<vmem_shared>>
      tpu.enqueue_dma source(%arg8 : memref<64x128xf32, #tpu.memory_space<vmem>>) target(%dma_start3A_171 : memref<64x128xf32, #tpu.memory_space<vmem_shared>>) target_semaphore(%run_scoped3A : memref<!tpu.dma_semaphore, #tpu.memory_space<semaphore_mem>>)
      %dma_wait3A_172 = arith.constant 0 : i32
      %dma_wait3A_173 = tpu.memref_slice %arg24[%add3A_48, %dma_wait3A_172] : memref<10240x128xf32, #tpu.memory_space<vmem_shared>> -> memref<64x128xf32, #tpu.memory_space<vmem_shared>>
      %dma_wait3A_174 = arith.constant 0 : i32
      %dma_wait3A_175 = tpu.memref_slice %arg24[%add3A_48, %dma_wait3A_174] : memref<10240x128xf32, #tpu.memory_space<vmem_shared>> -> memref<64x128xf32, #tpu.memory_space<vmem_shared>>
      tpu.wait_dma2 semaphore(%run_scoped3A : memref<!tpu.dma_semaphore, #tpu.memory_space<semaphore_mem>>) src(%arg8 : memref<64x128xf32, #tpu.memory_space<vmem>>) dst(%dma_wait3A_175 : memref<64x128xf32, #tpu.memory_space<vmem_shared>>)
      tpu.yield
    }) : () -> ()
    %mul3A_49 = arith.constant 640 : i32
    %mul3A_50 = arith.muli %arg1, %mul3A_49 : i32
    %add3A_51 = arith.constant 576 : i32
    %add3A_52 = arith.addi %mul3A_50, %add3A_51 : i32
    "tpu.region"() ({
      %run_scoped3A = tpu.sem_alloc : memref<!tpu.dma_semaphore, #tpu.memory_space<semaphore_mem>>
      %dma_start3A_168 = arith.constant 0 : i32
      %dma_start3A_169 = tpu.memref_slice %arg24[%add3A_52, %dma_start3A_168] : memref<10240x128xf32, #tpu.memory_space<vmem_shared>> -> memref<64x128xf32, #tpu.memory_space<vmem_shared>>
      %dma_start3A_170 = arith.constant 0 : i32
      %dma_start3A_171 = tpu.memref_slice %arg24[%add3A_52, %dma_start3A_170] : memref<10240x128xf32, #tpu.memory_space<vmem_shared>> -> memref<64x128xf32, #tpu.memory_space<vmem_shared>>
      tpu.enqueue_dma source(%arg8 : memref<64x128xf32, #tpu.memory_space<vmem>>) target(%dma_start3A_171 : memref<64x128xf32, #tpu.memory_space<vmem_shared>>) target_semaphore(%run_scoped3A : memref<!tpu.dma_semaphore, #tpu.memory_space<semaphore_mem>>)
      %dma_wait3A_172 = arith.constant 0 : i32
      %dma_wait3A_173 = tpu.memref_slice %arg24[%add3A_52, %dma_wait3A_172] : memref<10240x128xf32, #tpu.memory_space<vmem_shared>> -> memref<64x128xf32, #tpu.memory_space<vmem_shared>>
      %dma_wait3A_174 = arith.constant 0 : i32
      %dma_wait3A_175 = tpu.memref_slice %arg24[%add3A_52, %dma_wait3A_174] : memref<10240x128xf32, #tpu.memory_space<vmem_shared>> -> memref<64x128xf32, #tpu.memory_space<vmem_shared>>
      tpu.wait_dma2 semaphore(%run_scoped3A : memref<!tpu.dma_semaphore, #tpu.memory_space<semaphore_mem>>) src(%arg8 : memref<64x128xf32, #tpu.memory_space<vmem>>) dst(%dma_wait3A_175 : memref<64x128xf32, #tpu.memory_space<vmem_shared>>)
      tpu.yield
    }) : () -> ()
    %barrier3A = arith.constant 0 : index
    tpu.barrier barrier_id(%barrier3A)
    %get3A = arith.constant 0 : index
    %get3A_53 = tpu.vector_load %arg6[%get3A] {strides = array<i32>} : memref<11200xi32, #tpu.memory_space<vmem>>, vector<16xi32>,
    %and3A = arith.constant 65535 : i32
    %and3A_54 = vector.broadcast %and3A : i32 to vector<16xi32>
    %and3A_55 = arith.andi %get3A_53, %and3A_54 : vector<16xi32>
    %swap3A = arith.constant 0 : index
    %swap3A_56 = tpu.vector_load %arg12[%swap3A] {strides = array<i32>} : memref<64xi32, #tpu.memory_space<vmem>>, vector<16xi32>,
    tpu.vector_store %arg12[%swap3A], %and3A_55 {strides = array<i32>} : memref<64xi32, #tpu.memory_space<vmem>>, vector<16xi32>,
    %shift_right_logical3A = arith.constant 16 : i32
    %shift_right_logical3A_57 = vector.broadcast %shift_right_logical3A : i32 to vector<16xi32>
    %shift_right_logical3A_58 = arith.shrui %get3A_53, %shift_right_logical3A_57 : vector<16xi32>
    %swap3A_59 = arith.constant 0 : index
    %swap3A_60 = tpu.vector_load %arg15[%swap3A_59] {strides = array<i32>} : memref<64xi32, #tpu.memory_space<vmem>>, vector<16xi32>,
    tpu.vector_store %arg15[%swap3A_59], %shift_right_logical3A_58 {strides = array<i32>} : memref<64xi32, #tpu.memory_space<vmem>>, vector<16xi32>,
    %get3A_61 = arith.constant 16 : index
    %get3A_62 = tpu.vector_load %arg6[%get3A_61] {strides = array<i32>} : memref<11200xi32, #tpu.memory_space<vmem>>, vector<16xi32>,
    %and3A_63 = arith.constant 65535 : i32
    %and3A_64 = vector.broadcast %and3A_63 : i32 to vector<16xi32>
    %and3A_65 = arith.andi %get3A_62, %and3A_64 : vector<16xi32>
    %swap3A_66 = arith.constant 16 : index
    %swap3A_67 = tpu.vector_load %arg12[%swap3A_66] {strides = array<i32>} : memref<64xi32, #tpu.memory_space<vmem>>, vector<16xi32>,
    tpu.vector_store %arg12[%swap3A_66], %and3A_65 {strides = array<i32>} : memref<64xi32, #tpu.memory_space<vmem>>, vector<16xi32>,
    %shift_right_logical3A_68 = arith.constant 16 : i32
    %shift_right_logical3A_69 = vector.broadcast %shift_right_logical3A_68 : i32 to vector<16xi32>
    %shift_right_logical3A_70 = arith.shrui %get3A_62, %shift_right_logical3A_69 : vector<16xi32>
    %swap3A_71 = arith.constant 16 : index
    %swap3A_72 = tpu.vector_load %arg15[%swap3A_71] {strides = array<i32>} : memref<64xi32, #tpu.memory_space<vmem>>, vector<16xi32>,
    tpu.vector_store %arg15[%swap3A_71], %shift_right_logical3A_70 {strides = array<i32>} : memref<64xi32, #tpu.memory_space<vmem>>, vector<16xi32>,
    %get3A_73 = arith.constant 32 : index
    %get3A_74 = tpu.vector_load %arg6[%get3A_73] {strides = array<i32>} : memref<11200xi32, #tpu.memory_space<vmem>>, vector<16xi32>,
    %and3A_75 = arith.constant 65535 : i32
    %and3A_76 = vector.broadcast %and3A_75 : i32 to vector<16xi32>
    %and3A_77 = arith.andi %get3A_74, %and3A_76 : vector<16xi32>
    %swap3A_78 = arith.constant 32 : index
    %swap3A_79 = tpu.vector_load %arg12[%swap3A_78] {strides = array<i32>} : memref<64xi32, #tpu.memory_space<vmem>>, vector<16xi32>,
    tpu.vector_store %arg12[%swap3A_78], %and3A_77 {strides = array<i32>} : memref<64xi32, #tpu.memory_space<vmem>>, vector<16xi32>,
    %shift_right_logical3A_80 = arith.constant 16 : i32
    %shift_right_logical3A_81 = vector.broadcast %shift_right_logical3A_80 : i32 to vector<16xi32>
    %shift_right_logical3A_82 = arith.shrui %get3A_74, %shift_right_logical3A_81 : vector<16xi32>
    %swap3A_83 = arith.constant 32 : index
    %swap3A_84 = tpu.vector_load %arg15[%swap3A_83] {strides = array<i32>} : memref<64xi32, #tpu.memory_space<vmem>>, vector<16xi32>,
    tpu.vector_store %arg15[%swap3A_83], %shift_right_logical3A_82 {strides = array<i32>} : memref<64xi32, #tpu.memory_space<vmem>>, vector<16xi32>,
    %get3A_85 = arith.constant 48 : index
    %get3A_86 = tpu.vector_load %arg6[%get3A_85] {strides = array<i32>} : memref<11200xi32, #tpu.memory_space<vmem>>, vector<16xi32>,
    %and3A_87 = arith.constant 65535 : i32
    %and3A_88 = vector.broadcast %and3A_87 : i32 to vector<16xi32>
    %and3A_89 = arith.andi %get3A_86, %and3A_88 : vector<16xi32>
    %swap3A_90 = arith.constant 48 : index
    %swap3A_91 = tpu.vector_load %arg12[%swap3A_90] {strides = array<i32>} : memref<64xi32, #tpu.memory_space<vmem>>, vector<16xi32>,
    tpu.vector_store %arg12[%swap3A_90], %and3A_89 {strides = array<i32>} : memref<64xi32, #tpu.memory_space<vmem>>, vector<16xi32>,
    %shift_right_logical3A_92 = arith.constant 16 : i32
    %shift_right_logical3A_93 = vector.broadcast %shift_right_logical3A_92 : i32 to vector<16xi32>
    %shift_right_logical3A_94 = arith.shrui %get3A_86, %shift_right_logical3A_93 : vector<16xi32>
    %swap3A_95 = arith.constant 48 : index
    %swap3A_96 = tpu.vector_load %arg15[%swap3A_95] {strides = array<i32>} : memref<64xi32, #tpu.memory_space<vmem>>, vector<16xi32>,
    tpu.vector_store %arg15[%swap3A_95], %shift_right_logical3A_94 {strides = array<i32>} : memref<64xi32, #tpu.memory_space<vmem>>, vector<16xi32>,
    %dma_start3A = arith.constant 0 : i32
    %dma_start3A_97 = arith.constant 0 : i32
    %dma_start3A_98 = tpu.memref_slice %arg4[%dma_start3A, %dma_start3A_97] : memref<10000x128xf32, #tpu.memory_space<hbm>> -> memref<10000x128xf32, #tpu.memory_space<hbm>>
    tpu.enqueue_indirect_dma source(%dma_start3A_98 : memref<10000x128xf32, #tpu.memory_space<hbm>>) target(%arg8 : memref<64x128xf32, #tpu.memory_space<vmem>>) offsets(%arg12 : memref<64xi32, #tpu.memory_space<vmem>>) semaphore(%arg18 : memref<!tpu.dma_semaphore, #tpu.memory_space<semaphore_mem>>)
    %get3A_99 = arith.constant 64 : index
    %get3A_100 = tpu.vector_load %arg6[%get3A_99] {strides = array<i32>} : memref<11200xi32, #tpu.memory_space<vmem>>, vector<16xi32>,
    %and3A_101 = arith.constant 65535 : i32
    %and3A_102 = vector.broadcast %and3A_101 : i32 to vector<16xi32>
    %and3A_103 = arith.andi %get3A_100, %and3A_102 : vector<16xi32>
    %swap3A_104 = arith.constant 0 : index
    %swap3A_105 = tpu.vector_load %arg13[%swap3A_104] {strides = array<i32>} : memref<64xi32, #tpu.memory_space<vmem>>, vector<16xi32>,
    tpu.vector_store %arg13[%swap3A_104], %and3A_103 {strides = array<i32>} : memref<64xi32, #tpu.memory_space<vmem>>, vector<16xi32>,
    %shift_right_logical3A_106 = arith.constant 16 : i32
    %shift_right_logical3A_107 = vector.broadcast %shift_right_logical3A_106 : i32 to vector<16xi32>
    %shift_right_logical3A_108 = arith.shrui %get3A_100, %shift_right_logical3A_107 : vector<16xi32>
    %swap3A_109 = arith.constant 0 : index
    %swap3A_110 = tpu.vector_load %arg16[%swap3A_109] {strides = array<i32>} : memref<64xi32, #tpu.memory_space<vmem>>, vector<16xi32>,
    tpu.vector_store %arg16[%swap3A_109], %shift_right_logical3A_108 {strides = array<i32>} : memref<64xi32, #tpu.memory_space<vmem>>, vector<16xi32>,
    %get3A_111 = arith.constant 80 : index
    %get3A_112 = tpu.vector_load %arg6[%get3A_111] {strides = array<i32>} : memref<11200xi32, #tpu.memory_space<vmem>>, vector<16xi32>,
    %and3A_113 = arith.constant 65535 : i32
    %and3A_114 = vector.broadcast %and3A_113 : i32 to vector<16xi32>
    %and3A_115 = arith.andi %get3A_112, %and3A_114 : vector<16xi32>
    %swap3A_116 = arith.constant 16 : index
    %swap3A_117 = tpu.vector_load %arg13[%swap3A_116] {strides = array<i32>} : memref<64xi32, #tpu.memory_space<vmem>>, vector<16xi32>,
    tpu.vector_store %arg13[%swap3A_116], %and3A_115 {strides = array<i32>} : memref<64xi32, #tpu.memory_space<vmem>>, vector<16xi32>,
    %shift_right_logical3A_118 = arith.constant 16 : i32
    %shift_right_logical3A_119 = vector.broadcast %shift_right_logical3A_118 : i32 to vector<16xi32>
    %shift_right_logical3A_120 = arith.shrui %get3A_112, %shift_right_logical3A_119 : vector<16xi32>
    %swap3A_121 = arith.constant 16 : index
    %swap3A_122 = tpu.vector_load %arg16[%swap3A_121] {strides = array<i32>} : memref<64xi32, #tpu.memory_space<vmem>>, vector<16xi32>,
    tpu.vector_store %arg16[%swap3A_121], %shift_right_logical3A_120 {strides = array<i32>} : memref<64xi32, #tpu.memory_space<vmem>>, vector<16xi32>,
    %get3A_123 = arith.constant 96 : index
    %get3A_124 = tpu.vector_load %arg6[%get3A_123] {strides = array<i32>} : memref<11200xi32, #tpu.memory_space<vmem>>, vector<16xi32>,
    %and3A_125 = arith.constant 65535 : i32
    %and3A_126 = vector.broadcast %and3A_125 : i32 to vector<16xi32>
    %and3A_127 = arith.andi %get3A_124, %and3A_126 : vector<16xi32>
    %swap3A_128 = arith.constant 32 : index
    %swap3A_129 = tpu.vector_load %arg13[%swap3A_128] {strides = array<i32>} : memref<64xi32, #tpu.memory_space<vmem>>, vector<16xi32>,
    tpu.vector_store %arg13[%swap3A_128], %and3A_127 {strides = array<i32>} : memref<64xi32, #tpu.memory_space<vmem>>, vector<16xi32>,
    %shift_right_logical3A_130 = arith.constant 16 : i32
    %shift_right_logical3A_131 = vector.broadcast %shift_right_logical3A_130 : i32 to vector<16xi32>
    %shift_right_logical3A_132 = arith.shrui %get3A_124, %shift_right_logical3A_131 : vector<16xi32>
    %swap3A_133 = arith.constant 32 : index
    %swap3A_134 = tpu.vector_load %arg16[%swap3A_133] {strides = array<i32>} : memref<64xi32, #tpu.memory_space<vmem>>, vector<16xi32>,
    tpu.vector_store %arg16[%swap3A_133], %shift_right_logical3A_132 {strides = array<i32>} : memref<64xi32, #tpu.memory_space<vmem>>, vector<16xi32>,
    %get3A_135 = arith.constant 112 : index
    %get3A_136 = tpu.vector_load %arg6[%get3A_135] {strides = array<i32>} : memref<11200xi32, #tpu.memory_space<vmem>>, vector<16xi32>,
    %and3A_137 = arith.constant 65535 : i32
    %and3A_138 = vector.broadcast %and3A_137 : i32 to vector<16xi32>
    %and3A_139 = arith.andi %get3A_136, %and3A_138 : vector<16xi32>
    %swap3A_140 = arith.constant 48 : index
    %swap3A_141 = tpu.vector_load %arg13[%swap3A_140] {strides = array<i32>} : memref<64xi32, #tpu.memory_space<vmem>>, vector<16xi32>,
    tpu.vector_store %arg13[%swap3A_140], %and3A_139 {strides = array<i32>} : memref<64xi32, #tpu.memory_space<vmem>>, vector<16xi32>,
    %shift_right_logical3A_142 = arith.constant 16 : i32
    %shift_right_logical3A_143 = vector.broadcast %shift_right_logical3A_142 : i32 to vector<16xi32>
    %shift_right_logical3A_144 = arith.shrui %get3A_136, %shift_right_logical3A_143 : vector<16xi32>
    %swap3A_145 = arith.constant 48 : index
    %swap3A_146 = tpu.vector_load %arg16[%swap3A_145] {strides = array<i32>} : memref<64xi32, #tpu.memory_space<vmem>>, vector<16xi32>,
    tpu.vector_store %arg16[%swap3A_145], %shift_right_logical3A_144 {strides = array<i32>} : memref<64xi32, #tpu.memory_space<vmem>>, vector<16xi32>,
    %dma_start3A_147 = arith.constant 0 : i32
    %dma_start3A_148 = arith.constant 0 : i32
    %dma_start3A_149 = tpu.memref_slice %arg4[%dma_start3A_147, %dma_start3A_148] : memref<10000x128xf32, #tpu.memory_space<hbm>> -> memref<10000x128xf32, #tpu.memory_space<hbm>>
    tpu.enqueue_indirect_dma source(%dma_start3A_149 : memref<10000x128xf32, #tpu.memory_space<hbm>>) target(%arg9 : memref<64x128xf32, #tpu.memory_space<vmem>>) offsets(%arg13 : memref<64xi32, #tpu.memory_space<vmem>>) semaphore(%arg19 : memref<!tpu.dma_semaphore, #tpu.memory_space<semaphore_mem>>)
    %while3A = arith.constant 0 : i32
    %while3A_150 = arith.constant 0 : i32
    %while3A_151 = arith.subi %select_n3A, %while3A : i32
    %while3A_152 = arith.addi %while3A, %while3A_151 : i32
    %while3A_153 = arith.constant 1 : i32
    %while3A_154 = arith.divsi %while3A_151, %while3A_153 : i32
    %while3A_155 = arith.muli %while3A_154, %while3A_153 : i32
    %while3A_156 = arith.addi %while3A, %while3A_155 : i32
    %while3A_157 = arith.constant 1 : i32
    %while3A_158 = scf.for %while3A_168 = %while3A to %while3A_156 step %while3A_157 iter_args(%while3A_169 = %while3A_150) -> (i32)  : i32 {
      %rem3A = arith.constant 3 : i32
      %rem3A_170 = arith.remsi %while3A_168, %rem3A : i32
      %eq3A_171 = arith.constant 0 : i32
      %eq3A_172 = arith.cmpi eq, %rem3A_170, %eq3A_171 : i32
      %convert_element_type3A = arith.extui %eq3A_172 : i1 to i32
      %cond3A = arith.constant 0 : i32
      %cond3A_173 = arith.cmpi ne, %convert_element_type3A, %cond3A : i32
      scf.if %cond3A_173 {
        %gt3A = arith.constant 0 : i32
        %gt3A_185 = arith.cmpi sgt, %while3A_168, %gt3A : i32
        %convert_element_type3A_186 = arith.extui %gt3A_185 : i1 to i32
        %cond3A_187 = arith.constant 0 : i32
        %cond3A_188 = arith.cmpi ne, %convert_element_type3A_186, %cond3A_187 : i32
        scf.if %cond3A_188 {
          %dma_wait3A_351 = arith.constant 0 : i32
          %dma_wait3A_352 = arith.constant 0 : i32
          %dma_wait3A_353 = tpu.memref_slice %arg24[%dma_wait3A_351, %dma_wait3A_352] : memref<10240x128xf32, #tpu.memory_space<vmem_shared>> -> memref<10240x128xf32, #tpu.memory_space<vmem_shared>>
          tpu.wait_indirect_dma semaphore(%arg23 : memref<!tpu.dma_semaphore, #tpu.memory_space<semaphore_mem>>) src(%arg10 : memref<64x128xf32, #tpu.memory_space<vmem>>) dst(%dma_wait3A_353 : memref<10240x128xf32, #tpu.memory_space<vmem_shared>>)
        } else {
        }
        %add3A_189 = arith.constant 2 : i32
        %add3A_190 = arith.addi %while3A_168, %add3A_189 : i32
        %lt3A = arith.cmpi slt, %add3A_190, %select_n3A : i32
        %convert_element_type3A_191 = arith.extui %lt3A : i1 to i32
        %cond3A_192 = arith.constant 0 : i32
        %cond3A_193 = arith.cmpi ne, %convert_element_type3A_191, %cond3A_192 : i32
        scf.if %cond3A_193 {
          %add3A_351 = arith.constant 2 : i32
          %add3A_352 = arith.addi %while3A_168, %add3A_351 : i32
          %mul3A_353 = arith.constant 64 : i32
          %mul3A_354 = arith.muli %add3A_352, %mul3A_353 : i32
          %multiple_of3A_355 = tpu.assume_multiple %mul3A_354, 8 : i32
          %add3A_356 = arith.constant 0 : i32
          %add3A_357 = arith.addi %multiple_of3A_355, %add3A_356 : i32
          %get3A_358 = arith.index_cast %add3A_357 : i32 to index
          %get3A_359 = tpu.vector_load %arg6[%get3A_358] {strides = array<i32>} : memref<11200xi32, #tpu.memory_space<vmem>>, vector<16xi32>,
          %and3A_360 = arith.constant 65535 : i32
          %and3A_361 = vector.broadcast %and3A_360 : i32 to vector<16xi32>
          %and3A_362 = arith.andi %get3A_359, %and3A_361 : vector<16xi32>
          %swap3A_363 = arith.constant 0 : index
          %swap3A_364 = tpu.vector_load %arg14[%swap3A_363] {strides = array<i32>} : memref<64xi32, #tpu.memory_space<vmem>>, vector<16xi32>,
          tpu.vector_store %arg14[%swap3A_363], %and3A_362 {strides = array<i32>} : memref<64xi32, #tpu.memory_space<vmem>>, vector<16xi32>,
          %shift_right_logical3A_365 = arith.constant 16 : i32
          %shift_right_logical3A_366 = vector.broadcast %shift_right_logical3A_365 : i32 to vector<16xi32>
          %shift_right_logical3A_367 = arith.shrui %get3A_359, %shift_right_logical3A_366 : vector<16xi32>
          %swap3A_368 = arith.constant 0 : index
          %swap3A_369 = tpu.vector_load %arg17[%swap3A_368] {strides = array<i32>} : memref<64xi32, #tpu.memory_space<vmem>>, vector<16xi32>,
          tpu.vector_store %arg17[%swap3A_368], %shift_right_logical3A_367 {strides = array<i32>} : memref<64xi32, #tpu.memory_space<vmem>>, vector<16xi32>,
          %add3A_370 = arith.constant 16 : i32
          %add3A_371 = arith.addi %multiple_of3A_355, %add3A_370 : i32
          %get3A_372 = arith.index_cast %add3A_371 : i32 to index
          %get3A_373 = tpu.vector_load %arg6[%get3A_372] {strides = array<i32>} : memref<11200xi32, #tpu.memory_space<vmem>>, vector<16xi32>,
          %and3A_374 = arith.constant 65535 : i32
          %and3A_375 = vector.broadcast %and3A_374 : i32 to vector<16xi32>
          %and3A_376 = arith.andi %get3A_373, %and3A_375 : vector<16xi32>
          %swap3A_377 = arith.constant 16 : index
          %swap3A_378 = tpu.vector_load %arg14[%swap3A_377] {strides = array<i32>} : memref<64xi32, #tpu.memory_space<vmem>>, vector<16xi32>,
          tpu.vector_store %arg14[%swap3A_377], %and3A_376 {strides = array<i32>} : memref<64xi32, #tpu.memory_space<vmem>>, vector<16xi32>,
          %shift_right_logical3A_379 = arith.constant 16 : i32
          %shift_right_logical3A_380 = vector.broadcast %shift_right_logical3A_379 : i32 to vector<16xi32>
          %shift_right_logical3A_381 = arith.shrui %get3A_373, %shift_right_logical3A_380 : vector<16xi32>
          %swap3A_382 = arith.constant 16 : index
          %swap3A_383 = tpu.vector_load %arg17[%swap3A_382] {strides = array<i32>} : memref<64xi32, #tpu.memory_space<vmem>>, vector<16xi32>,
          tpu.vector_store %arg17[%swap3A_382], %shift_right_logical3A_381 {strides = array<i32>} : memref<64xi32, #tpu.memory_space<vmem>>, vector<16xi32>,
          %add3A_384 = arith.constant 32 : i32
          %add3A_385 = arith.addi %multiple_of3A_355, %add3A_384 : i32
          %get3A_386 = arith.index_cast %add3A_385 : i32 to index
          %get3A_387 = tpu.vector_load %arg6[%get3A_386] {strides = array<i32>} : memref<11200xi32, #tpu.memory_space<vmem>>, vector<16xi32>,
          %and3A_388 = arith.constant 65535 : i32
          %and3A_389 = vector.broadcast %and3A_388 : i32 to vector<16xi32>
          %and3A_390 = arith.andi %get3A_387, %and3A_389 : vector<16xi32>
          %swap3A_391 = arith.constant 32 : index
          %swap3A_392 = tpu.vector_load %arg14[%swap3A_391] {strides = array<i32>} : memref<64xi32, #tpu.memory_space<vmem>>, vector<16xi32>,
          tpu.vector_store %arg14[%swap3A_391], %and3A_390 {strides = array<i32>} : memref<64xi32, #tpu.memory_space<vmem>>, vector<16xi32>,
          %shift_right_logical3A_393 = arith.constant 16 : i32
          %shift_right_logical3A_394 = vector.broadcast %shift_right_logical3A_393 : i32 to vector<16xi32>
          %shift_right_logical3A_395 = arith.shrui %get3A_387, %shift_right_logical3A_394 : vector<16xi32>
          %swap3A_396 = arith.constant 32 : index
          %swap3A_397 = tpu.vector_load %arg17[%swap3A_396] {strides = array<i32>} : memref<64xi32, #tpu.memory_space<vmem>>, vector<16xi32>,
          tpu.vector_store %arg17[%swap3A_396], %shift_right_logical3A_395 {strides = array<i32>} : memref<64xi32, #tpu.memory_space<vmem>>, vector<16xi32>,
          %add3A_398 = arith.constant 48 : i32
          %add3A_399 = arith.addi %multiple_of3A_355, %add3A_398 : i32
          %get3A_400 = arith.index_cast %add3A_399 : i32 to index
          %get3A_401 = tpu.vector_load %arg6[%get3A_400] {strides = array<i32>} : memref<11200xi32, #tpu.memory_space<vmem>>, vector<16xi32>,
          %and3A_402 = arith.constant 65535 : i32
          %and3A_403 = vector.broadcast %and3A_402 : i32 to vector<16xi32>
          %and3A_404 = arith.andi %get3A_401, %and3A_403 : vector<16xi32>
          %swap3A_405 = arith.constant 48 : index
          %swap3A_406 = tpu.vector_load %arg14[%swap3A_405] {strides = array<i32>} : memref<64xi32, #tpu.memory_space<vmem>>, vector<16xi32>,
          tpu.vector_store %arg14[%swap3A_405], %and3A_404 {strides = array<i32>} : memref<64xi32, #tpu.memory_space<vmem>>, vector<16xi32>,
          %shift_right_logical3A_407 = arith.constant 16 : i32
          %shift_right_logical3A_408 = vector.broadcast %shift_right_logical3A_407 : i32 to vector<16xi32>
          %shift_right_logical3A_409 = arith.shrui %get3A_401, %shift_right_logical3A_408 : vector<16xi32>
          %swap3A_410 = arith.constant 48 : index
          %swap3A_411 = tpu.vector_load %arg17[%swap3A_410] {strides = array<i32>} : memref<64xi32, #tpu.memory_space<vmem>>, vector<16xi32>,
          tpu.vector_store %arg17[%swap3A_410], %shift_right_logical3A_409 {strides = array<i32>} : memref<64xi32, #tpu.memory_space<vmem>>, vector<16xi32>,
          %dma_start3A_412 = arith.constant 0 : i32
          %dma_start3A_413 = arith.constant 0 : i32
          %dma_start3A_414 = tpu.memref_slice %arg4[%dma_start3A_412, %dma_start3A_413] : memref<10000x128xf32, #tpu.memory_space<hbm>> -> memref<10000x128xf32, #tpu.memory_space<hbm>>
          tpu.enqueue_indirect_dma source(%dma_start3A_414 : memref<10000x128xf32, #tpu.memory_space<hbm>>) target(%arg10 : memref<64x128xf32, #tpu.memory_space<vmem>>) offsets(%arg14 : memref<64xi32, #tpu.memory_space<vmem>>) semaphore(%arg20 : memref<!tpu.dma_semaphore, #tpu.memory_space<semaphore_mem>>)
        } else {
        }
        %dma_wait3A_194 = arith.constant 0 : i32
        %dma_wait3A_195 = arith.constant 0 : i32
        %dma_wait3A_196 = tpu.memref_slice %arg4[%dma_wait3A_194, %dma_wait3A_195] : memref<10000x128xf32, #tpu.memory_space<hbm>> -> memref<10000x128xf32, #tpu.memory_space<hbm>>
        tpu.wait_indirect_dma semaphore(%arg18 : memref<!tpu.dma_semaphore, #tpu.memory_space<semaphore_mem>>) src(%dma_wait3A_196 : memref<10000x128xf32, #tpu.memory_space<hbm>>) dst(%arg8 : memref<64x128xf32, #tpu.memory_space<vmem>>)
        %get3A_197 = arith.constant 0 : index
        %get3A_198 = tpu.vector_load %arg12[%get3A_197] {strides = array<i32>} : memref<64xi32, #tpu.memory_space<vmem>>, vector<16xi32>,
        %get3A_199 = arith.constant 0 : index
        %get3A_200 = tpu.vector_load %arg15[%get3A_199] {strides = array<i32>} : memref<64xi32, #tpu.memory_space<vmem>>, vector<16xi32>,
        %gather3A = tpu.vector_load_idx %arg7[%get3A_200] : memref<10000xi32, #tpu.memory_space<vmem>>[vector<16xi32>], vector<16xi32>,
        %gather3A_201 = tpu.vector_load_idx %arg7[%get3A_198] : memref<10000xi32, #tpu.memory_space<vmem>>[vector<16xi32>], vector<16xi32>,
        %and3A_202 = arith.constant -65536 : i32
        %and3A_203 = vector.broadcast %and3A_202 : i32 to vector<16xi32>
        %and3A_204 = arith.andi %gather3A, %and3A_203 : vector<16xi32>
        %bitcast3A = vector.bitcast %and3A_204 : vector<16xi32> to vector<16xf32>
        %shift_left3A = arith.constant 16 : i32
        %shift_left3A_205 = vector.broadcast %shift_left3A : i32 to vector<16xi32>
        %shift_left3A_206 = arith.shli %gather3A_201, %shift_left3A_205 : vector<16xi32>
        %bitcast3A_207 = vector.bitcast %shift_left3A_206 : vector<16xi32> to vector<16xf32>
        %add3A_208 = arith.addf %bitcast3A, %bitcast3A_207 : vector<16xf32>
        %abs3A = math.absf %add3A_208 : vector<16xf32>
        %mul3A_209 = arith.constant 2.000000e+00 : f32
        %mul3A_210 = vector.broadcast %mul3A_209 : f32 to vector<16xf32>
        %mul3A_211 = arith.mulf %abs3A, %mul3A_210 : vector<16xf32>
        %exp3A = math.exp %mul3A_211 : vector<16xf32>
        %add3A_212 = arith.constant 1.000000e+00 : f32
        %add3A_213 = vector.broadcast %add3A_212 : f32 to vector<16xf32>
        %add3A_214 = arith.addf %exp3A, %add3A_213 : vector<16xf32>
        %div3A = arith.constant 2.000000e+00 : f32
        %div3A_215 = vector.broadcast %div3A : f32 to vector<16xf32>
        %div3A_216 = arith.divf %div3A_215, %add3A_214 : vector<16xf32>
        %sub3A = arith.constant 1.000000e+00 : f32
        %sub3A_217 = vector.broadcast %sub3A : f32 to vector<16xf32>
        %sub3A_218 = arith.subf %sub3A_217, %div3A_216 : vector<16xf32>
        %lt3A_219 = arith.constant 0.000000e+00 : f32
        %lt3A_220 = vector.broadcast %lt3A_219 : f32 to vector<16xf32>
        %lt3A_221 = arith.cmpf olt, %add3A_208, %lt3A_220 : vector<16xf32>
        %neg3A = arith.constant 0.000000e+00 : f32
        %neg3A_222 = vector.broadcast %neg3A : f32 to vector<16xf32>
        %neg3A_223 = arith.subf %neg3A_222, %sub3A_218 : vector<16xf32>
        %select_n3A_224 = arith.select %lt3A_221, %neg3A_223, %sub3A_218 : vector<16xi1>, vector<16xf32>
        %swap3A_225 = arith.constant 0 : index
        %swap3A_226 = tpu.vector_load %arg11[%swap3A_225] {strides = array<i32>} : memref<64xf32, #tpu.memory_space<vmem>>, vector<16xf32>,
        tpu.vector_store %arg11[%swap3A_225], %select_n3A_224 {strides = array<i32>} : memref<64xf32, #tpu.memory_space<vmem>>, vector<16xf32>,
        %get3A_227 = arith.constant 16 : index
        %get3A_228 = tpu.vector_load %arg12[%get3A_227] {strides = array<i32>} : memref<64xi32, #tpu.memory_space<vmem>>, vector<16xi32>,
        %get3A_229 = arith.constant 16 : index
        %get3A_230 = tpu.vector_load %arg15[%get3A_229] {strides = array<i32>} : memref<64xi32, #tpu.memory_space<vmem>>, vector<16xi32>,
        %gather3A_231 = tpu.vector_load_idx %arg7[%get3A_230] : memref<10000xi32, #tpu.memory_space<vmem>>[vector<16xi32>], vector<16xi32>,
        %gather3A_232 = tpu.vector_load_idx %arg7[%get3A_228] : memref<10000xi32, #tpu.memory_space<vmem>>[vector<16xi32>], vector<16xi32>,
        %and3A_233 = arith.constant -65536 : i32
        %and3A_234 = vector.broadcast %and3A_233 : i32 to vector<16xi32>
        %and3A_235 = arith.andi %gather3A_231, %and3A_234 : vector<16xi32>
        %bitcast3A_236 = vector.bitcast %and3A_235 : vector<16xi32> to vector<16xf32>
        %shift_left3A_237 = arith.constant 16 : i32
        %shift_left3A_238 = vector.broadcast %shift_left3A_237 : i32 to vector<16xi32>
        %shift_left3A_239 = arith.shli %gather3A_232, %shift_left3A_238 : vector<16xi32>
        %bitcast3A_240 = vector.bitcast %shift_left3A_239 : vector<16xi32> to vector<16xf32>
        %add3A_241 = arith.addf %bitcast3A_236, %bitcast3A_240 : vector<16xf32>
        %abs3A_242 = math.absf %add3A_241 : vector<16xf32>
        %mul3A_243 = arith.constant 2.000000e+00 : f32
        %mul3A_244 = vector.broadcast %mul3A_243 : f32 to vector<16xf32>
        %mul3A_245 = arith.mulf %abs3A_242, %mul3A_244 : vector<16xf32>
        %exp3A_246 = math.exp %mul3A_245 : vector<16xf32>
        %add3A_247 = arith.constant 1.000000e+00 : f32
        %add3A_248 = vector.broadcast %add3A_247 : f32 to vector<16xf32>
        %add3A_249 = arith.addf %exp3A_246, %add3A_248 : vector<16xf32>
        %div3A_250 = arith.constant 2.000000e+00 : f32
        %div3A_251 = vector.broadcast %div3A_250 : f32 to vector<16xf32>
        %div3A_252 = arith.divf %div3A_251, %add3A_249 : vector<16xf32>
        %sub3A_253 = arith.constant 1.000000e+00 : f32
        %sub3A_254 = vector.broadcast %sub3A_253 : f32 to vector<16xf32>
        %sub3A_255 = arith.subf %sub3A_254, %div3A_252 : vector<16xf32>
        %lt3A_256 = arith.constant 0.000000e+00 : f32
        %lt3A_257 = vector.broadcast %lt3A_256 : f32 to vector<16xf32>
        %lt3A_258 = arith.cmpf olt, %add3A_241, %lt3A_257 : vector<16xf32>
        %neg3A_259 = arith.constant 0.000000e+00 : f32
        %neg3A_260 = vector.broadcast %neg3A_259 : f32 to vector<16xf32>
        %neg3A_261 = arith.subf %neg3A_260, %sub3A_255 : vector<16xf32>
        %select_n3A_262 = arith.select %lt3A_258, %neg3A_261, %sub3A_255 : vector<16xi1>, vector<16xf32>
        %swap3A_263 = arith.constant 16 : index
        %swap3A_264 = tpu.vector_load %arg11[%swap3A_263] {strides = array<i32>} : memref<64xf32, #tpu.memory_space<vmem>>, vector<16xf32>,
        tpu.vector_store %arg11[%swap3A_263], %select_n3A_262 {strides = array<i32>} : memref<64xf32, #tpu.memory_space<vmem>>, vector<16xf32>,
        %get3A_265 = arith.constant 32 : index
        %get3A_266 = tpu.vector_load %arg12[%get3A_265] {strides = array<i32>} : memref<64xi32, #tpu.memory_space<vmem>>, vector<16xi32>,
        %get3A_267 = arith.constant 32 : index
        %get3A_268 = tpu.vector_load %arg15[%get3A_267] {strides = array<i32>} : memref<64xi32, #tpu.memory_space<vmem>>, vector<16xi32>,
        %gather3A_269 = tpu.vector_load_idx %arg7[%get3A_268] : memref<10000xi32, #tpu.memory_space<vmem>>[vector<16xi32>], vector<16xi32>,
        %gather3A_270 = tpu.vector_load_idx %arg7[%get3A_266] : memref<10000xi32, #tpu.memory_space<vmem>>[vector<16xi32>], vector<16xi32>,
        %and3A_271 = arith.constant -65536 : i32
        %and3A_272 = vector.broadcast %and3A_271 : i32 to vector<16xi32>
        %and3A_273 = arith.andi %gather3A_269, %and3A_272 : vector<16xi32>
        %bitcast3A_274 = vector.bitcast %and3A_273 : vector<16xi32> to vector<16xf32>
        %shift_left3A_275 = arith.constant 16 : i32
        %shift_left3A_276 = vector.broadcast %shift_left3A_275 : i32 to vector<16xi32>
        %shift_left3A_277 = arith.shli %gather3A_270, %shift_left3A_276 : vector<16xi32>
        %bitcast3A_278 = vector.bitcast %shift_left3A_277 : vector<16xi32> to vector<16xf32>
        %add3A_279 = arith.addf %bitcast3A_274, %bitcast3A_278 : vector<16xf32>
        %abs3A_280 = math.absf %add3A_279 : vector<16xf32>
        %mul3A_281 = arith.constant 2.000000e+00 : f32
        %mul3A_282 = vector.broadcast %mul3A_281 : f32 to vector<16xf32>
        %mul3A_283 = arith.mulf %abs3A_280, %mul3A_282 : vector<16xf32>
        %exp3A_284 = math.exp %mul3A_283 : vector<16xf32>
        %add3A_285 = arith.constant 1.000000e+00 : f32
        %add3A_286 = vector.broadcast %add3A_285 : f32 to vector<16xf32>
        %add3A_287 = arith.addf %exp3A_284, %add3A_286 : vector<16xf32>
        %div3A_288 = arith.constant 2.000000e+00 : f32
        %div3A_289 = vector.broadcast %div3A_288 : f32 to vector<16xf32>
        %div3A_290 = arith.divf %div3A_289, %add3A_287 : vector<16xf32>
        %sub3A_291 = arith.constant 1.000000e+00 : f32
        %sub3A_292 = vector.broadcast %sub3A_291 : f32 to vector<16xf32>
        %sub3A_293 = arith.subf %sub3A_292, %div3A_290 : vector<16xf32>
        %lt3A_294 = arith.constant 0.000000e+00 : f32
        %lt3A_295 = vector.broadcast %lt3A_294 : f32 to vector<16xf32>
        %lt3A_296 = arith.cmpf olt, %add3A_279, %lt3A_295 : vector<16xf32>
        %neg3A_297 = arith.constant 0.000000e+00 : f32
        %neg3A_298 = vector.broadcast %neg3A_297 : f32 to vector<16xf32>
        %neg3A_299 = arith.subf %neg3A_298, %sub3A_293 : vector<16xf32>
        %select_n3A_300 = arith.select %lt3A_296, %neg3A_299, %sub3A_293 : vector<16xi1>, vector<16xf32>
        %swap3A_301 = arith.constant 32 : index
        %swap3A_302 = tpu.vector_load %arg11[%swap3A_301] {strides = array<i32>} : memref<64xf32, #tpu.memory_space<vmem>>, vector<16xf32>,
        tpu.vector_store %arg11[%swap3A_301], %select_n3A_300 {strides = array<i32>} : memref<64xf32, #tpu.memory_space<vmem>>, vector<16xf32>,
        %get3A_303 = arith.constant 48 : index
        %get3A_304 = tpu.vector_load %arg12[%get3A_303] {strides = array<i32>} : memref<64xi32, #tpu.memory_space<vmem>>, vector<16xi32>,
        %get3A_305 = arith.constant 48 : index
        %get3A_306 = tpu.vector_load %arg15[%get3A_305] {strides = array<i32>} : memref<64xi32, #tpu.memory_space<vmem>>, vector<16xi32>,
        %gather3A_307 = tpu.vector_load_idx %arg7[%get3A_306] : memref<10000xi32, #tpu.memory_space<vmem>>[vector<16xi32>], vector<16xi32>,
        %gather3A_308 = tpu.vector_load_idx %arg7[%get3A_304] : memref<10000xi32, #tpu.memory_space<vmem>>[vector<16xi32>], vector<16xi32>,
        %and3A_309 = arith.constant -65536 : i32
        %and3A_310 = vector.broadcast %and3A_309 : i32 to vector<16xi32>
        %and3A_311 = arith.andi %gather3A_307, %and3A_310 : vector<16xi32>
        %bitcast3A_312 = vector.bitcast %and3A_311 : vector<16xi32> to vector<16xf32>
        %shift_left3A_313 = arith.constant 16 : i32
        %shift_left3A_314 = vector.broadcast %shift_left3A_313 : i32 to vector<16xi32>
        %shift_left3A_315 = arith.shli %gather3A_308, %shift_left3A_314 : vector<16xi32>
        %bitcast3A_316 = vector.bitcast %shift_left3A_315 : vector<16xi32> to vector<16xf32>
        %add3A_317 = arith.addf %bitcast3A_312, %bitcast3A_316 : vector<16xf32>
        %abs3A_318 = math.absf %add3A_317 : vector<16xf32>
        %mul3A_319 = arith.constant 2.000000e+00 : f32
        %mul3A_320 = vector.broadcast %mul3A_319 : f32 to vector<16xf32>
        %mul3A_321 = arith.mulf %abs3A_318, %mul3A_320 : vector<16xf32>
        %exp3A_322 = math.exp %mul3A_321 : vector<16xf32>
        %add3A_323 = arith.constant 1.000000e+00 : f32
        %add3A_324 = vector.broadcast %add3A_323 : f32 to vector<16xf32>
        %add3A_325 = arith.addf %exp3A_322, %add3A_324 : vector<16xf32>
        %div3A_326 = arith.constant 2.000000e+00 : f32
        %div3A_327 = vector.broadcast %div3A_326 : f32 to vector<16xf32>
        %div3A_328 = arith.divf %div3A_327, %add3A_325 : vector<16xf32>
        %sub3A_329 = arith.constant 1.000000e+00 : f32
        %sub3A_330 = vector.broadcast %sub3A_329 : f32 to vector<16xf32>
        %sub3A_331 = arith.subf %sub3A_330, %div3A_328 : vector<16xf32>
        %lt3A_332 = arith.constant 0.000000e+00 : f32
        %lt3A_333 = vector.broadcast %lt3A_332 : f32 to vector<16xf32>
        %lt3A_334 = arith.cmpf olt, %add3A_317, %lt3A_333 : vector<16xf32>
        %neg3A_335 = arith.constant 0.000000e+00 : f32
        %neg3A_336 = vector.broadcast %neg3A_335 : f32 to vector<16xf32>
        %neg3A_337 = arith.subf %neg3A_336, %sub3A_331 : vector<16xf32>
        %select_n3A_338 = arith.select %lt3A_334, %neg3A_337, %sub3A_331 : vector<16xi1>, vector<16xf32>
        %swap3A_339 = arith.constant 48 : index
        %swap3A_340 = tpu.vector_load %arg11[%swap3A_339] {strides = array<i32>} : memref<64xf32, #tpu.memory_space<vmem>>, vector<16xf32>,
        tpu.vector_store %arg11[%swap3A_339], %select_n3A_338 {strides = array<i32>} : memref<64xf32, #tpu.memory_space<vmem>>, vector<16xf32>,
        %scan3A_341 = arith.constant 0 : i32
        %scan3A_342 = arith.constant 0 : i32
        %scan3A_343 = arith.constant 32 : i32
        %scan3A_344 = arith.addi %scan3A_342, %scan3A_343 : i32
        %scan3A_345 = arith.constant 1 : i32
        %scan3A_346 = scf.for %scan3A_351 = %scan3A_342 to %scan3A_344 step %scan3A_345 iter_args(%scan3A_352 = %scan3A_341) -> (i32)  : i32 {
          %mul3A_353 = arith.constant 2 : i32
          %mul3A_354 = arith.muli %scan3A_351, %mul3A_353 : i32
          %broadcast_in_dim3A_355 = vector.broadcast %mul3A_354 : i32 to vector<16xi32>
          %gather3A_356 = tpu.vector_load_idx %arg11[%broadcast_in_dim3A_355] : memref<64xf32, #tpu.memory_space<vmem>>[vector<16xi32>], vector<16xf32>,
          %add3A_357 = arith.constant 1 : i32
          %add3A_358 = arith.addi %mul3A_354, %add3A_357 : i32
          %broadcast_in_dim3A_359 = vector.broadcast %add3A_358 : i32 to vector<16xi32>
          %gather3A_360 = tpu.vector_load_idx %arg11[%broadcast_in_dim3A_359] : memref<64xf32, #tpu.memory_space<vmem>>[vector<16xi32>], vector<16xf32>,
          %get3A_361 = arith.index_cast %mul3A_354 : i32 to index
          %get3A_362 = arith.constant 0 : index
          %get3A_363 = tpu.vector_load %arg8[%get3A_361, %get3A_362] {strides = array<i32>} : memref<64x128xf32, #tpu.memory_space<vmem>>, vector<16xf32>,
          %mul3A_364 = arith.mulf %get3A_363, %gather3A_356 : vector<16xf32>
          %swap3A_365 = arith.index_cast %mul3A_354 : i32 to index
          %swap3A_366 = arith.constant 0 : index
          %swap3A_367 = tpu.vector_load %arg8[%swap3A_365, %swap3A_366] {strides = array<i32>} : memref<64x128xf32, #tpu.memory_space<vmem>>, vector<16xf32>,
          tpu.vector_store %arg8[%swap3A_365, %swap3A_366], %mul3A_364 {strides = array<i32>} : memref<64x128xf32, #tpu.memory_space<vmem>>, vector<16xf32>,
          %get3A_368 = arith.index_cast %mul3A_354 : i32 to index
          %get3A_369 = arith.constant 16 : index
          %get3A_370 = tpu.vector_load %arg8[%get3A_368, %get3A_369] {strides = array<i32>} : memref<64x128xf32, #tpu.memory_space<vmem>>, vector<16xf32>,
          %mul3A_371 = arith.mulf %get3A_370, %gather3A_356 : vector<16xf32>
          %swap3A_372 = arith.index_cast %mul3A_354 : i32 to index
          %swap3A_373 = arith.constant 16 : index
          %swap3A_374 = tpu.vector_load %arg8[%swap3A_372, %swap3A_373] {strides = array<i32>} : memref<64x128xf32, #tpu.memory_space<vmem>>, vector<16xf32>,
          tpu.vector_store %arg8[%swap3A_372, %swap3A_373], %mul3A_371 {strides = array<i32>} : memref<64x128xf32, #tpu.memory_space<vmem>>, vector<16xf32>,
          %get3A_375 = arith.index_cast %mul3A_354 : i32 to index
          %get3A_376 = arith.constant 32 : index
          %get3A_377 = tpu.vector_load %arg8[%get3A_375, %get3A_376] {strides = array<i32>} : memref<64x128xf32, #tpu.memory_space<vmem>>, vector<16xf32>,
          %mul3A_378 = arith.mulf %get3A_377, %gather3A_356 : vector<16xf32>
          %swap3A_379 = arith.index_cast %mul3A_354 : i32 to index
          %swap3A_380 = arith.constant 32 : index
          %swap3A_381 = tpu.vector_load %arg8[%swap3A_379, %swap3A_380] {strides = array<i32>} : memref<64x128xf32, #tpu.memory_space<vmem>>, vector<16xf32>,
          tpu.vector_store %arg8[%swap3A_379, %swap3A_380], %mul3A_378 {strides = array<i32>} : memref<64x128xf32, #tpu.memory_space<vmem>>, vector<16xf32>,
          %get3A_382 = arith.index_cast %mul3A_354 : i32 to index
          %get3A_383 = arith.constant 48 : index
          %get3A_384 = tpu.vector_load %arg8[%get3A_382, %get3A_383] {strides = array<i32>} : memref<64x128xf32, #tpu.memory_space<vmem>>, vector<16xf32>,
          %mul3A_385 = arith.mulf %get3A_384, %gather3A_356 : vector<16xf32>
          %swap3A_386 = arith.index_cast %mul3A_354 : i32 to index
          %swap3A_387 = arith.constant 48 : index
          %swap3A_388 = tpu.vector_load %arg8[%swap3A_386, %swap3A_387] {strides = array<i32>} : memref<64x128xf32, #tpu.memory_space<vmem>>, vector<16xf32>,
          tpu.vector_store %arg8[%swap3A_386, %swap3A_387], %mul3A_385 {strides = array<i32>} : memref<64x128xf32, #tpu.memory_space<vmem>>, vector<16xf32>,
          %get3A_389 = arith.index_cast %mul3A_354 : i32 to index
          %get3A_390 = arith.constant 64 : index
          %get3A_391 = tpu.vector_load %arg8[%get3A_389, %get3A_390] {strides = array<i32>} : memref<64x128xf32, #tpu.memory_space<vmem>>, vector<16xf32>,
          %mul3A_392 = arith.mulf %get3A_391, %gather3A_356 : vector<16xf32>
          %swap3A_393 = arith.index_cast %mul3A_354 : i32 to index
          %swap3A_394 = arith.constant 64 : index
          %swap3A_395 = tpu.vector_load %arg8[%swap3A_393, %swap3A_394] {strides = array<i32>} : memref<64x128xf32, #tpu.memory_space<vmem>>, vector<16xf32>,
          tpu.vector_store %arg8[%swap3A_393, %swap3A_394], %mul3A_392 {strides = array<i32>} : memref<64x128xf32, #tpu.memory_space<vmem>>, vector<16xf32>,
          %get3A_396 = arith.index_cast %mul3A_354 : i32 to index
          %get3A_397 = arith.constant 80 : index
          %get3A_398 = tpu.vector_load %arg8[%get3A_396, %get3A_397] {strides = array<i32>} : memref<64x128xf32, #tpu.memory_space<vmem>>, vector<16xf32>,
          %mul3A_399 = arith.mulf %get3A_398, %gather3A_356 : vector<16xf32>
          %swap3A_400 = arith.index_cast %mul3A_354 : i32 to index
          %swap3A_401 = arith.constant 80 : index
          %swap3A_402 = tpu.vector_load %arg8[%swap3A_400, %swap3A_401] {strides = array<i32>} : memref<64x128xf32, #tpu.memory_space<vmem>>, vector<16xf32>,
          tpu.vector_store %arg8[%swap3A_400, %swap3A_401], %mul3A_399 {strides = array<i32>} : memref<64x128xf32, #tpu.memory_space<vmem>>, vector<16xf32>,
          %get3A_403 = arith.index_cast %mul3A_354 : i32 to index
          %get3A_404 = arith.constant 96 : index
          %get3A_405 = tpu.vector_load %arg8[%get3A_403, %get3A_404] {strides = array<i32>} : memref<64x128xf32, #tpu.memory_space<vmem>>, vector<16xf32>,
          %mul3A_406 = arith.mulf %get3A_405, %gather3A_356 : vector<16xf32>
          %swap3A_407 = arith.index_cast %mul3A_354 : i32 to index
          %swap3A_408 = arith.constant 96 : index
          %swap3A_409 = tpu.vector_load %arg8[%swap3A_407, %swap3A_408] {strides = array<i32>} : memref<64x128xf32, #tpu.memory_space<vmem>>, vector<16xf32>,
          tpu.vector_store %arg8[%swap3A_407, %swap3A_408], %mul3A_406 {strides = array<i32>} : memref<64x128xf32, #tpu.memory_space<vmem>>, vector<16xf32>,
          %get3A_410 = arith.index_cast %mul3A_354 : i32 to index
          %get3A_411 = arith.constant 112 : index
          %get3A_412 = tpu.vector_load %arg8[%get3A_410, %get3A_411] {strides = array<i32>} : memref<64x128xf32, #tpu.memory_space<vmem>>, vector<16xf32>,
          %mul3A_413 = arith.mulf %get3A_412, %gather3A_356 : vector<16xf32>
          %swap3A_414 = arith.index_cast %mul3A_354 : i32 to index
          %swap3A_415 = arith.constant 112 : index
          %swap3A_416 = tpu.vector_load %arg8[%swap3A_414, %swap3A_415] {strides = array<i32>} : memref<64x128xf32, #tpu.memory_space<vmem>>, vector<16xf32>,
          tpu.vector_store %arg8[%swap3A_414, %swap3A_415], %mul3A_413 {strides = array<i32>} : memref<64x128xf32, #tpu.memory_space<vmem>>, vector<16xf32>,
          %add3A_417 = arith.constant 1 : i32
          %add3A_418 = arith.addi %mul3A_354, %add3A_417 : i32
          %get3A_419 = arith.index_cast %add3A_418 : i32 to index
          %get3A_420 = arith.constant 0 : index
          %get3A_421 = tpu.vector_load %arg8[%get3A_419, %get3A_420] {strides = array<i32>} : memref<64x128xf32, #tpu.memory_space<vmem>>, vector<16xf32>,
          %mul3A_422 = arith.mulf %get3A_421, %gather3A_360 : vector<16xf32>
          %add3A_423 = arith.constant 1 : i32
          %add3A_424 = arith.addi %mul3A_354, %add3A_423 : i32
          %swap3A_425 = arith.index_cast %add3A_424 : i32 to index
          %swap3A_426 = arith.constant 0 : index
          %swap3A_427 = tpu.vector_load %arg8[%swap3A_425, %swap3A_426] {strides = array<i32>} : memref<64x128xf32, #tpu.memory_space<vmem>>, vector<16xf32>,
          tpu.vector_store %arg8[%swap3A_425, %swap3A_426], %mul3A_422 {strides = array<i32>} : memref<64x128xf32, #tpu.memory_space<vmem>>, vector<16xf32>,
          %add3A_428 = arith.constant 1 : i32
          %add3A_429 = arith.addi %mul3A_354, %add3A_428 : i32
          %get3A_430 = arith.index_cast %add3A_429 : i32 to index
          %get3A_431 = arith.constant 16 : index
          %get3A_432 = tpu.vector_load %arg8[%get3A_430, %get3A_431] {strides = array<i32>} : memref<64x128xf32, #tpu.memory_space<vmem>>, vector<16xf32>,
          %mul3A_433 = arith.mulf %get3A_432, %gather3A_360 : vector<16xf32>
          %add3A_434 = arith.constant 1 : i32
          %add3A_435 = arith.addi %mul3A_354, %add3A_434 : i32
          %swap3A_436 = arith.index_cast %add3A_435 : i32 to index
          %swap3A_437 = arith.constant 16 : index
          %swap3A_438 = tpu.vector_load %arg8[%swap3A_436, %swap3A_437] {strides = array<i32>} : memref<64x128xf32, #tpu.memory_space<vmem>>, vector<16xf32>,
          tpu.vector_store %arg8[%swap3A_436, %swap3A_437], %mul3A_433 {strides = array<i32>} : memref<64x128xf32, #tpu.memory_space<vmem>>, vector<16xf32>,
          %add3A_439 = arith.constant 1 : i32
          %add3A_440 = arith.addi %mul3A_354, %add3A_439 : i32
          %get3A_441 = arith.index_cast %add3A_440 : i32 to index
          %get3A_442 = arith.constant 32 : index
          %get3A_443 = tpu.vector_load %arg8[%get3A_441, %get3A_442] {strides = array<i32>} : memref<64x128xf32, #tpu.memory_space<vmem>>, vector<16xf32>,
          %mul3A_444 = arith.mulf %get3A_443, %gather3A_360 : vector<16xf32>
          %add3A_445 = arith.constant 1 : i32
          %add3A_446 = arith.addi %mul3A_354, %add3A_445 : i32
          %swap3A_447 = arith.index_cast %add3A_446 : i32 to index
          %swap3A_448 = arith.constant 32 : index
          %swap3A_449 = tpu.vector_load %arg8[%swap3A_447, %swap3A_448] {strides = array<i32>} : memref<64x128xf32, #tpu.memory_space<vmem>>, vector<16xf32>,
          tpu.vector_store %arg8[%swap3A_447, %swap3A_448], %mul3A_444 {strides = array<i32>} : memref<64x128xf32, #tpu.memory_space<vmem>>, vector<16xf32>,
          %add3A_450 = arith.constant 1 : i32
          %add3A_451 = arith.addi %mul3A_354, %add3A_450 : i32
          %get3A_452 = arith.index_cast %add3A_451 : i32 to index
          %get3A_453 = arith.constant 48 : index
          %get3A_454 = tpu.vector_load %arg8[%get3A_452, %get3A_453] {strides = array<i32>} : memref<64x128xf32, #tpu.memory_space<vmem>>, vector<16xf32>,
          %mul3A_455 = arith.mulf %get3A_454, %gather3A_360 : vector<16xf32>
          %add3A_456 = arith.constant 1 : i32
          %add3A_457 = arith.addi %mul3A_354, %add3A_456 : i32
          %swap3A_458 = arith.index_cast %add3A_457 : i32 to index
          %swap3A_459 = arith.constant 48 : index
          %swap3A_460 = tpu.vector_load %arg8[%swap3A_458, %swap3A_459] {strides = array<i32>} : memref<64x128xf32, #tpu.memory_space<vmem>>, vector<16xf32>,
          tpu.vector_store %arg8[%swap3A_458, %swap3A_459], %mul3A_455 {strides = array<i32>} : memref<64x128xf32, #tpu.memory_space<vmem>>, vector<16xf32>,
          %add3A_461 = arith.constant 1 : i32
          %add3A_462 = arith.addi %mul3A_354, %add3A_461 : i32
          %get3A_463 = arith.index_cast %add3A_462 : i32 to index
          %get3A_464 = arith.constant 64 : index
          %get3A_465 = tpu.vector_load %arg8[%get3A_463, %get3A_464] {strides = array<i32>} : memref<64x128xf32, #tpu.memory_space<vmem>>, vector<16xf32>,
          %mul3A_466 = arith.mulf %get3A_465, %gather3A_360 : vector<16xf32>
          %add3A_467 = arith.constant 1 : i32
          %add3A_468 = arith.addi %mul3A_354, %add3A_467 : i32
          %swap3A_469 = arith.index_cast %add3A_468 : i32 to index
          %swap3A_470 = arith.constant 64 : index
          %swap3A_471 = tpu.vector_load %arg8[%swap3A_469, %swap3A_470] {strides = array<i32>} : memref<64x128xf32, #tpu.memory_space<vmem>>, vector<16xf32>,
          tpu.vector_store %arg8[%swap3A_469, %swap3A_470], %mul3A_466 {strides = array<i32>} : memref<64x128xf32, #tpu.memory_space<vmem>>, vector<16xf32>,
          %add3A_472 = arith.constant 1 : i32
          %add3A_473 = arith.addi %mul3A_354, %add3A_472 : i32
          %get3A_474 = arith.index_cast %add3A_473 : i32 to index
          %get3A_475 = arith.constant 80 : index
          %get3A_476 = tpu.vector_load %arg8[%get3A_474, %get3A_475] {strides = array<i32>} : memref<64x128xf32, #tpu.memory_space<vmem>>, vector<16xf32>,
          %mul3A_477 = arith.mulf %get3A_476, %gather3A_360 : vector<16xf32>
          %add3A_478 = arith.constant 1 : i32
          %add3A_479 = arith.addi %mul3A_354, %add3A_478 : i32
          %swap3A_480 = arith.index_cast %add3A_479 : i32 to index
          %swap3A_481 = arith.constant 80 : index
          %swap3A_482 = tpu.vector_load %arg8[%swap3A_480, %swap3A_481] {strides = array<i32>} : memref<64x128xf32, #tpu.memory_space<vmem>>, vector<16xf32>,
          tpu.vector_store %arg8[%swap3A_480, %swap3A_481], %mul3A_477 {strides = array<i32>} : memref<64x128xf32, #tpu.memory_space<vmem>>, vector<16xf32>,
          %add3A_483 = arith.constant 1 : i32
          %add3A_484 = arith.addi %mul3A_354, %add3A_483 : i32
          %get3A_485 = arith.index_cast %add3A_484 : i32 to index
          %get3A_486 = arith.constant 96 : index
          %get3A_487 = tpu.vector_load %arg8[%get3A_485, %get3A_486] {strides = array<i32>} : memref<64x128xf32, #tpu.memory_space<vmem>>, vector<16xf32>,
          %mul3A_488 = arith.mulf %get3A_487, %gather3A_360 : vector<16xf32>
          %add3A_489 = arith.constant 1 : i32
          %add3A_490 = arith.addi %mul3A_354, %add3A_489 : i32
          %swap3A_491 = arith.index_cast %add3A_490 : i32 to index
          %swap3A_492 = arith.constant 96 : index
          %swap3A_493 = tpu.vector_load %arg8[%swap3A_491, %swap3A_492] {strides = array<i32>} : memref<64x128xf32, #tpu.memory_space<vmem>>, vector<16xf32>,
          tpu.vector_store %arg8[%swap3A_491, %swap3A_492], %mul3A_488 {strides = array<i32>} : memref<64x128xf32, #tpu.memory_space<vmem>>, vector<16xf32>,
          %add3A_494 = arith.constant 1 : i32
          %add3A_495 = arith.addi %mul3A_354, %add3A_494 : i32
          %get3A_496 = arith.index_cast %add3A_495 : i32 to index
          %get3A_497 = arith.constant 112 : index
          %get3A_498 = tpu.vector_load %arg8[%get3A_496, %get3A_497] {strides = array<i32>} : memref<64x128xf32, #tpu.memory_space<vmem>>, vector<16xf32>,
          %mul3A_499 = arith.mulf %get3A_498, %gather3A_360 : vector<16xf32>
          %add3A_500 = arith.constant 1 : i32
          %add3A_501 = arith.addi %mul3A_354, %add3A_500 : i32
          %swap3A_502 = arith.index_cast %add3A_501 : i32 to index
          %swap3A_503 = arith.constant 112 : index
          %swap3A_504 = tpu.vector_load %arg8[%swap3A_502, %swap3A_503] {strides = array<i32>} : memref<64x128xf32, #tpu.memory_space<vmem>>, vector<16xf32>,
          tpu.vector_store %arg8[%swap3A_502, %swap3A_503], %mul3A_499 {strides = array<i32>} : memref<64x128xf32, #tpu.memory_space<vmem>>, vector<16xf32>,
          %scan3A_505 = arith.constant 0 : i32
          scf.yield %scan3A_505 : i32
        }
        %scan3A_347 = arith.constant 32 : i32
        %dma_start3A_348 = arith.constant 0 : i32
        %dma_start3A_349 = arith.constant 0 : i32
        %dma_start3A_350 = tpu.memref_slice %arg24[%dma_start3A_348, %dma_start3A_349] : memref<10240x128xf32, #tpu.memory_space<vmem_shared>> -> memref<10240x128xf32, #tpu.memory_space<vmem_shared>>
        tpu.enqueue_indirect_dma source(%arg8 : memref<64x128xf32, #tpu.memory_space<vmem>>) target(%dma_start3A_350 : memref<10240x128xf32, #tpu.memory_space<vmem_shared>>) offsets(%arg15 : memref<64xi32, #tpu.memory_space<vmem>>) semaphore(%arg21 : memref<!tpu.dma_semaphore, #tpu.memory_space<semaphore_mem>>) {add = true}
      } else {
      }
      %eq3A_174 = arith.constant 1 : i32
      %eq3A_175 = arith.cmpi eq, %rem3A_170, %eq3A_174 : i32
      %convert_element_type3A_176 = arith.extui %eq3A_175 : i1 to i32
      %cond3A_177 = arith.constant 0 : i32
      %cond3A_178 = arith.cmpi ne, %convert_element_type3A_176, %cond3A_177 : i32
      scf.if %cond3A_178 {
        %gt3A = arith.constant 0 : i32
        %gt3A_185 = arith.cmpi sgt, %while3A_168, %gt3A : i32
        %convert_element_type3A_186 = arith.extui %gt3A_185 : i1 to i32
        %cond3A_187 = arith.constant 0 : i32
        %cond3A_188 = arith.cmpi ne, %convert_element_type3A_186, %cond3A_187 : i32
        scf.if %cond3A_188 {
          %dma_wait3A_351 = arith.constant 0 : i32
          %dma_wait3A_352 = arith.constant 0 : i32
          %dma_wait3A_353 = tpu.memref_slice %arg24[%dma_wait3A_351, %dma_wait3A_352] : memref<10240x128xf32, #tpu.memory_space<vmem_shared>> -> memref<10240x128xf32, #tpu.memory_space<vmem_shared>>
          tpu.wait_indirect_dma semaphore(%arg21 : memref<!tpu.dma_semaphore, #tpu.memory_space<semaphore_mem>>) src(%arg8 : memref<64x128xf32, #tpu.memory_space<vmem>>) dst(%dma_wait3A_353 : memref<10240x128xf32, #tpu.memory_space<vmem_shared>>)
        } else {
        }
        %add3A_189 = arith.constant 2 : i32
        %add3A_190 = arith.addi %while3A_168, %add3A_189 : i32
        %lt3A = arith.cmpi slt, %add3A_190, %select_n3A : i32
        %convert_element_type3A_191 = arith.extui %lt3A : i1 to i32
        %cond3A_192 = arith.constant 0 : i32
        %cond3A_193 = arith.cmpi ne, %convert_element_type3A_191, %cond3A_192 : i32
        scf.if %cond3A_193 {
          %add3A_351 = arith.constant 2 : i32
          %add3A_352 = arith.addi %while3A_168, %add3A_351 : i32
          %mul3A_353 = arith.constant 64 : i32
          %mul3A_354 = arith.muli %add3A_352, %mul3A_353 : i32
          %multiple_of3A_355 = tpu.assume_multiple %mul3A_354, 8 : i32
          %add3A_356 = arith.constant 0 : i32
          %add3A_357 = arith.addi %multiple_of3A_355, %add3A_356 : i32
          %get3A_358 = arith.index_cast %add3A_357 : i32 to index
          %get3A_359 = tpu.vector_load %arg6[%get3A_358] {strides = array<i32>} : memref<11200xi32, #tpu.memory_space<vmem>>, vector<16xi32>,
          %and3A_360 = arith.constant 65535 : i32
          %and3A_361 = vector.broadcast %and3A_360 : i32 to vector<16xi32>
          %and3A_362 = arith.andi %get3A_359, %and3A_361 : vector<16xi32>
          %swap3A_363 = arith.constant 0 : index
          %swap3A_364 = tpu.vector_load %arg12[%swap3A_363] {strides = array<i32>} : memref<64xi32, #tpu.memory_space<vmem>>, vector<16xi32>,
          tpu.vector_store %arg12[%swap3A_363], %and3A_362 {strides = array<i32>} : memref<64xi32, #tpu.memory_space<vmem>>, vector<16xi32>,
          %shift_right_logical3A_365 = arith.constant 16 : i32
          %shift_right_logical3A_366 = vector.broadcast %shift_right_logical3A_365 : i32 to vector<16xi32>
          %shift_right_logical3A_367 = arith.shrui %get3A_359, %shift_right_logical3A_366 : vector<16xi32>
          %swap3A_368 = arith.constant 0 : index
          %swap3A_369 = tpu.vector_load %arg15[%swap3A_368] {strides = array<i32>} : memref<64xi32, #tpu.memory_space<vmem>>, vector<16xi32>,
          tpu.vector_store %arg15[%swap3A_368], %shift_right_logical3A_367 {strides = array<i32>} : memref<64xi32, #tpu.memory_space<vmem>>, vector<16xi32>,
          %add3A_370 = arith.constant 16 : i32
          %add3A_371 = arith.addi %multiple_of3A_355, %add3A_370 : i32
          %get3A_372 = arith.index_cast %add3A_371 : i32 to index
          %get3A_373 = tpu.vector_load %arg6[%get3A_372] {strides = array<i32>} : memref<11200xi32, #tpu.memory_space<vmem>>, vector<16xi32>,
          %and3A_374 = arith.constant 65535 : i32
          %and3A_375 = vector.broadcast %and3A_374 : i32 to vector<16xi32>
          %and3A_376 = arith.andi %get3A_373, %and3A_375 : vector<16xi32>
          %swap3A_377 = arith.constant 16 : index
          %swap3A_378 = tpu.vector_load %arg12[%swap3A_377] {strides = array<i32>} : memref<64xi32, #tpu.memory_space<vmem>>, vector<16xi32>,
          tpu.vector_store %arg12[%swap3A_377], %and3A_376 {strides = array<i32>} : memref<64xi32, #tpu.memory_space<vmem>>, vector<16xi32>,
          %shift_right_logical3A_379 = arith.constant 16 : i32
          %shift_right_logical3A_380 = vector.broadcast %shift_right_logical3A_379 : i32 to vector<16xi32>
          %shift_right_logical3A_381 = arith.shrui %get3A_373, %shift_right_logical3A_380 : vector<16xi32>
          %swap3A_382 = arith.constant 16 : index
          %swap3A_383 = tpu.vector_load %arg15[%swap3A_382] {strides = array<i32>} : memref<64xi32, #tpu.memory_space<vmem>>, vector<16xi32>,
          tpu.vector_store %arg15[%swap3A_382], %shift_right_logical3A_381 {strides = array<i32>} : memref<64xi32, #tpu.memory_space<vmem>>, vector<16xi32>,
          %add3A_384 = arith.constant 32 : i32
          %add3A_385 = arith.addi %multiple_of3A_355, %add3A_384 : i32
          %get3A_386 = arith.index_cast %add3A_385 : i32 to index
          %get3A_387 = tpu.vector_load %arg6[%get3A_386] {strides = array<i32>} : memref<11200xi32, #tpu.memory_space<vmem>>, vector<16xi32>,
          %and3A_388 = arith.constant 65535 : i32
          %and3A_389 = vector.broadcast %and3A_388 : i32 to vector<16xi32>
          %and3A_390 = arith.andi %get3A_387, %and3A_389 : vector<16xi32>
          %swap3A_391 = arith.constant 32 : index
          %swap3A_392 = tpu.vector_load %arg12[%swap3A_391] {strides = array<i32>} : memref<64xi32, #tpu.memory_space<vmem>>, vector<16xi32>,
          tpu.vector_store %arg12[%swap3A_391], %and3A_390 {strides = array<i32>} : memref<64xi32, #tpu.memory_space<vmem>>, vector<16xi32>,
          %shift_right_logical3A_393 = arith.constant 16 : i32
          %shift_right_logical3A_394 = vector.broadcast %shift_right_logical3A_393 : i32 to vector<16xi32>
          %shift_right_logical3A_395 = arith.shrui %get3A_387, %shift_right_logical3A_394 : vector<16xi32>
          %swap3A_396 = arith.constant 32 : index
          %swap3A_397 = tpu.vector_load %arg15[%swap3A_396] {strides = array<i32>} : memref<64xi32, #tpu.memory_space<vmem>>, vector<16xi32>,
          tpu.vector_store %arg15[%swap3A_396], %shift_right_logical3A_395 {strides = array<i32>} : memref<64xi32, #tpu.memory_space<vmem>>, vector<16xi32>,
          %add3A_398 = arith.constant 48 : i32
          %add3A_399 = arith.addi %multiple_of3A_355, %add3A_398 : i32
          %get3A_400 = arith.index_cast %add3A_399 : i32 to index
          %get3A_401 = tpu.vector_load %arg6[%get3A_400] {strides = array<i32>} : memref<11200xi32, #tpu.memory_space<vmem>>, vector<16xi32>,
          %and3A_402 = arith.constant 65535 : i32
          %and3A_403 = vector.broadcast %and3A_402 : i32 to vector<16xi32>
          %and3A_404 = arith.andi %get3A_401, %and3A_403 : vector<16xi32>
          %swap3A_405 = arith.constant 48 : index
          %swap3A_406 = tpu.vector_load %arg12[%swap3A_405] {strides = array<i32>} : memref<64xi32, #tpu.memory_space<vmem>>, vector<16xi32>,
          tpu.vector_store %arg12[%swap3A_405], %and3A_404 {strides = array<i32>} : memref<64xi32, #tpu.memory_space<vmem>>, vector<16xi32>,
          %shift_right_logical3A_407 = arith.constant 16 : i32
          %shift_right_logical3A_408 = vector.broadcast %shift_right_logical3A_407 : i32 to vector<16xi32>
          %shift_right_logical3A_409 = arith.shrui %get3A_401, %shift_right_logical3A_408 : vector<16xi32>
          %swap3A_410 = arith.constant 48 : index
          %swap3A_411 = tpu.vector_load %arg15[%swap3A_410] {strides = array<i32>} : memref<64xi32, #tpu.memory_space<vmem>>, vector<16xi32>,
          tpu.vector_store %arg15[%swap3A_410], %shift_right_logical3A_409 {strides = array<i32>} : memref<64xi32, #tpu.memory_space<vmem>>, vector<16xi32>,
          %dma_start3A_412 = arith.constant 0 : i32
          %dma_start3A_413 = arith.constant 0 : i32
          %dma_start3A_414 = tpu.memref_slice %arg4[%dma_start3A_412, %dma_start3A_413] : memref<10000x128xf32, #tpu.memory_space<hbm>> -> memref<10000x128xf32, #tpu.memory_space<hbm>>
          tpu.enqueue_indirect_dma source(%dma_start3A_414 : memref<10000x128xf32, #tpu.memory_space<hbm>>) target(%arg8 : memref<64x128xf32, #tpu.memory_space<vmem>>) offsets(%arg12 : memref<64xi32, #tpu.memory_space<vmem>>) semaphore(%arg18 : memref<!tpu.dma_semaphore, #tpu.memory_space<semaphore_mem>>)
        } else {
        }
        %dma_wait3A_194 = arith.constant 0 : i32
        %dma_wait3A_195 = arith.constant 0 : i32
        %dma_wait3A_196 = tpu.memref_slice %arg4[%dma_wait3A_194, %dma_wait3A_195] : memref<10000x128xf32, #tpu.memory_space<hbm>> -> memref<10000x128xf32, #tpu.memory_space<hbm>>
        tpu.wait_indirect_dma semaphore(%arg19 : memref<!tpu.dma_semaphore, #tpu.memory_space<semaphore_mem>>) src(%dma_wait3A_196 : memref<10000x128xf32, #tpu.memory_space<hbm>>) dst(%arg9 : memref<64x128xf32, #tpu.memory_space<vmem>>)
        %get3A_197 = arith.constant 0 : index
        %get3A_198 = tpu.vector_load %arg13[%get3A_197] {strides = array<i32>} : memref<64xi32, #tpu.memory_space<vmem>>, vector<16xi32>,
        %get3A_199 = arith.constant 0 : index
        %get3A_200 = tpu.vector_load %arg16[%get3A_199] {strides = array<i32>} : memref<64xi32, #tpu.memory_space<vmem>>, vector<16xi32>,
        %gather3A = tpu.vector_load_idx %arg7[%get3A_200] : memref<10000xi32, #tpu.memory_space<vmem>>[vector<16xi32>], vector<16xi32>,
        %gather3A_201 = tpu.vector_load_idx %arg7[%get3A_198] : memref<10000xi32, #tpu.memory_space<vmem>>[vector<16xi32>], vector<16xi32>,
        %and3A_202 = arith.constant -65536 : i32
        %and3A_203 = vector.broadcast %and3A_202 : i32 to vector<16xi32>
        %and3A_204 = arith.andi %gather3A, %and3A_203 : vector<16xi32>
        %bitcast3A = vector.bitcast %and3A_204 : vector<16xi32> to vector<16xf32>
        %shift_left3A = arith.constant 16 : i32
        %shift_left3A_205 = vector.broadcast %shift_left3A : i32 to vector<16xi32>
        %shift_left3A_206 = arith.shli %gather3A_201, %shift_left3A_205 : vector<16xi32>
        %bitcast3A_207 = vector.bitcast %shift_left3A_206 : vector<16xi32> to vector<16xf32>
        %add3A_208 = arith.addf %bitcast3A, %bitcast3A_207 : vector<16xf32>
        %abs3A = math.absf %add3A_208 : vector<16xf32>
        %mul3A_209 = arith.constant 2.000000e+00 : f32
        %mul3A_210 = vector.broadcast %mul3A_209 : f32 to vector<16xf32>
        %mul3A_211 = arith.mulf %abs3A, %mul3A_210 : vector<16xf32>
        %exp3A = math.exp %mul3A_211 : vector<16xf32>
        %add3A_212 = arith.constant 1.000000e+00 : f32
        %add3A_213 = vector.broadcast %add3A_212 : f32 to vector<16xf32>
        %add3A_214 = arith.addf %exp3A, %add3A_213 : vector<16xf32>
        %div3A = arith.constant 2.000000e+00 : f32
        %div3A_215 = vector.broadcast %div3A : f32 to vector<16xf32>
        %div3A_216 = arith.divf %div3A_215, %add3A_214 : vector<16xf32>
        %sub3A = arith.constant 1.000000e+00 : f32
        %sub3A_217 = vector.broadcast %sub3A : f32 to vector<16xf32>
        %sub3A_218 = arith.subf %sub3A_217, %div3A_216 : vector<16xf32>
        %lt3A_219 = arith.constant 0.000000e+00 : f32
        %lt3A_220 = vector.broadcast %lt3A_219 : f32 to vector<16xf32>
        %lt3A_221 = arith.cmpf olt, %add3A_208, %lt3A_220 : vector<16xf32>
        %neg3A = arith.constant 0.000000e+00 : f32
        %neg3A_222 = vector.broadcast %neg3A : f32 to vector<16xf32>
        %neg3A_223 = arith.subf %neg3A_222, %sub3A_218 : vector<16xf32>
        %select_n3A_224 = arith.select %lt3A_221, %neg3A_223, %sub3A_218 : vector<16xi1>, vector<16xf32>
        %swap3A_225 = arith.constant 0 : index
        %swap3A_226 = tpu.vector_load %arg11[%swap3A_225] {strides = array<i32>} : memref<64xf32, #tpu.memory_space<vmem>>, vector<16xf32>,
        tpu.vector_store %arg11[%swap3A_225], %select_n3A_224 {strides = array<i32>} : memref<64xf32, #tpu.memory_space<vmem>>, vector<16xf32>,
        %get3A_227 = arith.constant 16 : index
        %get3A_228 = tpu.vector_load %arg13[%get3A_227] {strides = array<i32>} : memref<64xi32, #tpu.memory_space<vmem>>, vector<16xi32>,
        %get3A_229 = arith.constant 16 : index
        %get3A_230 = tpu.vector_load %arg16[%get3A_229] {strides = array<i32>} : memref<64xi32, #tpu.memory_space<vmem>>, vector<16xi32>,
        %gather3A_231 = tpu.vector_load_idx %arg7[%get3A_230] : memref<10000xi32, #tpu.memory_space<vmem>>[vector<16xi32>], vector<16xi32>,
        %gather3A_232 = tpu.vector_load_idx %arg7[%get3A_228] : memref<10000xi32, #tpu.memory_space<vmem>>[vector<16xi32>], vector<16xi32>,
        %and3A_233 = arith.constant -65536 : i32
        %and3A_234 = vector.broadcast %and3A_233 : i32 to vector<16xi32>
        %and3A_235 = arith.andi %gather3A_231, %and3A_234 : vector<16xi32>
        %bitcast3A_236 = vector.bitcast %and3A_235 : vector<16xi32> to vector<16xf32>
        %shift_left3A_237 = arith.constant 16 : i32
        %shift_left3A_238 = vector.broadcast %shift_left3A_237 : i32 to vector<16xi32>
        %shift_left3A_239 = arith.shli %gather3A_232, %shift_left3A_238 : vector<16xi32>
        %bitcast3A_240 = vector.bitcast %shift_left3A_239 : vector<16xi32> to vector<16xf32>
        %add3A_241 = arith.addf %bitcast3A_236, %bitcast3A_240 : vector<16xf32>
        %abs3A_242 = math.absf %add3A_241 : vector<16xf32>
        %mul3A_243 = arith.constant 2.000000e+00 : f32
        %mul3A_244 = vector.broadcast %mul3A_243 : f32 to vector<16xf32>
        %mul3A_245 = arith.mulf %abs3A_242, %mul3A_244 : vector<16xf32>
        %exp3A_246 = math.exp %mul3A_245 : vector<16xf32>
        %add3A_247 = arith.constant 1.000000e+00 : f32
        %add3A_248 = vector.broadcast %add3A_247 : f32 to vector<16xf32>
        %add3A_249 = arith.addf %exp3A_246, %add3A_248 : vector<16xf32>
        %div3A_250 = arith.constant 2.000000e+00 : f32
        %div3A_251 = vector.broadcast %div3A_250 : f32 to vector<16xf32>
        %div3A_252 = arith.divf %div3A_251, %add3A_249 : vector<16xf32>
        %sub3A_253 = arith.constant 1.000000e+00 : f32
        %sub3A_254 = vector.broadcast %sub3A_253 : f32 to vector<16xf32>
        %sub3A_255 = arith.subf %sub3A_254, %div3A_252 : vector<16xf32>
        %lt3A_256 = arith.constant 0.000000e+00 : f32
        %lt3A_257 = vector.broadcast %lt3A_256 : f32 to vector<16xf32>
        %lt3A_258 = arith.cmpf olt, %add3A_241, %lt3A_257 : vector<16xf32>
        %neg3A_259 = arith.constant 0.000000e+00 : f32
        %neg3A_260 = vector.broadcast %neg3A_259 : f32 to vector<16xf32>
        %neg3A_261 = arith.subf %neg3A_260, %sub3A_255 : vector<16xf32>
        %select_n3A_262 = arith.select %lt3A_258, %neg3A_261, %sub3A_255 : vector<16xi1>, vector<16xf32>
        %swap3A_263 = arith.constant 16 : index
        %swap3A_264 = tpu.vector_load %arg11[%swap3A_263] {strides = array<i32>} : memref<64xf32, #tpu.memory_space<vmem>>, vector<16xf32>,
        tpu.vector_store %arg11[%swap3A_263], %select_n3A_262 {strides = array<i32>} : memref<64xf32, #tpu.memory_space<vmem>>, vector<16xf32>,
        %get3A_265 = arith.constant 32 : index
        %get3A_266 = tpu.vector_load %arg13[%get3A_265] {strides = array<i32>} : memref<64xi32, #tpu.memory_space<vmem>>, vector<16xi32>,
        %get3A_267 = arith.constant 32 : index
        %get3A_268 = tpu.vector_load %arg16[%get3A_267] {strides = array<i32>} : memref<64xi32, #tpu.memory_space<vmem>>, vector<16xi32>,
        %gather3A_269 = tpu.vector_load_idx %arg7[%get3A_268] : memref<10000xi32, #tpu.memory_space<vmem>>[vector<16xi32>], vector<16xi32>,
        %gather3A_270 = tpu.vector_load_idx %arg7[%get3A_266] : memref<10000xi32, #tpu.memory_space<vmem>>[vector<16xi32>], vector<16xi32>,
        %and3A_271 = arith.constant -65536 : i32
        %and3A_272 = vector.broadcast %and3A_271 : i32 to vector<16xi32>
        %and3A_273 = arith.andi %gather3A_269, %and3A_272 : vector<16xi32>
        %bitcast3A_274 = vector.bitcast %and3A_273 : vector<16xi32> to vector<16xf32>
        %shift_left3A_275 = arith.constant 16 : i32
        %shift_left3A_276 = vector.broadcast %shift_left3A_275 : i32 to vector<16xi32>
        %shift_left3A_277 = arith.shli %gather3A_270, %shift_left3A_276 : vector<16xi32>
        %bitcast3A_278 = vector.bitcast %shift_left3A_277 : vector<16xi32> to vector<16xf32>
        %add3A_279 = arith.addf %bitcast3A_274, %bitcast3A_278 : vector<16xf32>
        %abs3A_280 = math.absf %add3A_279 : vector<16xf32>
        %mul3A_281 = arith.constant 2.000000e+00 : f32
        %mul3A_282 = vector.broadcast %mul3A_281 : f32 to vector<16xf32>
        %mul3A_283 = arith.mulf %abs3A_280, %mul3A_282 : vector<16xf32>
        %exp3A_284 = math.exp %mul3A_283 : vector<16xf32>
        %add3A_285 = arith.constant 1.000000e+00 : f32
        %add3A_286 = vector.broadcast %add3A_285 : f32 to vector<16xf32>
        %add3A_287 = arith.addf %exp3A_284, %add3A_286 : vector<16xf32>
        %div3A_288 = arith.constant 2.000000e+00 : f32
        %div3A_289 = vector.broadcast %div3A_288 : f32 to vector<16xf32>
        %div3A_290 = arith.divf %div3A_289, %add3A_287 : vector<16xf32>
        %sub3A_291 = arith.constant 1.000000e+00 : f32
        %sub3A_292 = vector.broadcast %sub3A_291 : f32 to vector<16xf32>
        %sub3A_293 = arith.subf %sub3A_292, %div3A_290 : vector<16xf32>
        %lt3A_294 = arith.constant 0.000000e+00 : f32
        %lt3A_295 = vector.broadcast %lt3A_294 : f32 to vector<16xf32>
        %lt3A_296 = arith.cmpf olt, %add3A_279, %lt3A_295 : vector<16xf32>
        %neg3A_297 = arith.constant 0.000000e+00 : f32
        %neg3A_298 = vector.broadcast %neg3A_297 : f32 to vector<16xf32>
        %neg3A_299 = arith.subf %neg3A_298, %sub3A_293 : vector<16xf32>
        %select_n3A_300 = arith.select %lt3A_296, %neg3A_299, %sub3A_293 : vector<16xi1>, vector<16xf32>
        %swap3A_301 = arith.constant 32 : index
        %swap3A_302 = tpu.vector_load %arg11[%swap3A_301] {strides = array<i32>} : memref<64xf32, #tpu.memory_space<vmem>>, vector<16xf32>,
        tpu.vector_store %arg11[%swap3A_301], %select_n3A_300 {strides = array<i32>} : memref<64xf32, #tpu.memory_space<vmem>>, vector<16xf32>,
        %get3A_303 = arith.constant 48 : index
        %get3A_304 = tpu.vector_load %arg13[%get3A_303] {strides = array<i32>} : memref<64xi32, #tpu.memory_space<vmem>>, vector<16xi32>,
        %get3A_305 = arith.constant 48 : index
        %get3A_306 = tpu.vector_load %arg16[%get3A_305] {strides = array<i32>} : memref<64xi32, #tpu.memory_space<vmem>>, vector<16xi32>,
        %gather3A_307 = tpu.vector_load_idx %arg7[%get3A_306] : memref<10000xi32, #tpu.memory_space<vmem>>[vector<16xi32>], vector<16xi32>,
        %gather3A_308 = tpu.vector_load_idx %arg7[%get3A_304] : memref<10000xi32, #tpu.memory_space<vmem>>[vector<16xi32>], vector<16xi32>,
        %and3A_309 = arith.constant -65536 : i32
        %and3A_310 = vector.broadcast %and3A_309 : i32 to vector<16xi32>
        %and3A_311 = arith.andi %gather3A_307, %and3A_310 : vector<16xi32>
        %bitcast3A_312 = vector.bitcast %and3A_311 : vector<16xi32> to vector<16xf32>
        %shift_left3A_313 = arith.constant 16 : i32
        %shift_left3A_314 = vector.broadcast %shift_left3A_313 : i32 to vector<16xi32>
        %shift_left3A_315 = arith.shli %gather3A_308, %shift_left3A_314 : vector<16xi32>
        %bitcast3A_316 = vector.bitcast %shift_left3A_315 : vector<16xi32> to vector<16xf32>
        %add3A_317 = arith.addf %bitcast3A_312, %bitcast3A_316 : vector<16xf32>
        %abs3A_318 = math.absf %add3A_317 : vector<16xf32>
        %mul3A_319 = arith.constant 2.000000e+00 : f32
        %mul3A_320 = vector.broadcast %mul3A_319 : f32 to vector<16xf32>
        %mul3A_321 = arith.mulf %abs3A_318, %mul3A_320 : vector<16xf32>
        %exp3A_322 = math.exp %mul3A_321 : vector<16xf32>
        %add3A_323 = arith.constant 1.000000e+00 : f32
        %add3A_324 = vector.broadcast %add3A_323 : f32 to vector<16xf32>
        %add3A_325 = arith.addf %exp3A_322, %add3A_324 : vector<16xf32>
        %div3A_326 = arith.constant 2.000000e+00 : f32
        %div3A_327 = vector.broadcast %div3A_326 : f32 to vector<16xf32>
        %div3A_328 = arith.divf %div3A_327, %add3A_325 : vector<16xf32>
        %sub3A_329 = arith.constant 1.000000e+00 : f32
        %sub3A_330 = vector.broadcast %sub3A_329 : f32 to vector<16xf32>
        %sub3A_331 = arith.subf %sub3A_330, %div3A_328 : vector<16xf32>
        %lt3A_332 = arith.constant 0.000000e+00 : f32
        %lt3A_333 = vector.broadcast %lt3A_332 : f32 to vector<16xf32>
        %lt3A_334 = arith.cmpf olt, %add3A_317, %lt3A_333 : vector<16xf32>
        %neg3A_335 = arith.constant 0.000000e+00 : f32
        %neg3A_336 = vector.broadcast %neg3A_335 : f32 to vector<16xf32>
        %neg3A_337 = arith.subf %neg3A_336, %sub3A_331 : vector<16xf32>
        %select_n3A_338 = arith.select %lt3A_334, %neg3A_337, %sub3A_331 : vector<16xi1>, vector<16xf32>
        %swap3A_339 = arith.constant 48 : index
        %swap3A_340 = tpu.vector_load %arg11[%swap3A_339] {strides = array<i32>} : memref<64xf32, #tpu.memory_space<vmem>>, vector<16xf32>,
        tpu.vector_store %arg11[%swap3A_339], %select_n3A_338 {strides = array<i32>} : memref<64xf32, #tpu.memory_space<vmem>>, vector<16xf32>,
        %scan3A_341 = arith.constant 0 : i32
        %scan3A_342 = arith.constant 0 : i32
        %scan3A_343 = arith.constant 32 : i32
        %scan3A_344 = arith.addi %scan3A_342, %scan3A_343 : i32
        %scan3A_345 = arith.constant 1 : i32
        %scan3A_346 = scf.for %scan3A_351 = %scan3A_342 to %scan3A_344 step %scan3A_345 iter_args(%scan3A_352 = %scan3A_341) -> (i32)  : i32 {
          %mul3A_353 = arith.constant 2 : i32
          %mul3A_354 = arith.muli %scan3A_351, %mul3A_353 : i32
          %broadcast_in_dim3A_355 = vector.broadcast %mul3A_354 : i32 to vector<16xi32>
          %gather3A_356 = tpu.vector_load_idx %arg11[%broadcast_in_dim3A_355] : memref<64xf32, #tpu.memory_space<vmem>>[vector<16xi32>], vector<16xf32>,
          %add3A_357 = arith.constant 1 : i32
          %add3A_358 = arith.addi %mul3A_354, %add3A_357 : i32
          %broadcast_in_dim3A_359 = vector.broadcast %add3A_358 : i32 to vector<16xi32>
          %gather3A_360 = tpu.vector_load_idx %arg11[%broadcast_in_dim3A_359] : memref<64xf32, #tpu.memory_space<vmem>>[vector<16xi32>], vector<16xf32>,
          %get3A_361 = arith.index_cast %mul3A_354 : i32 to index
          %get3A_362 = arith.constant 0 : index
          %get3A_363 = tpu.vector_load %arg9[%get3A_361, %get3A_362] {strides = array<i32>} : memref<64x128xf32, #tpu.memory_space<vmem>>, vector<16xf32>,
          %mul3A_364 = arith.mulf %get3A_363, %gather3A_356 : vector<16xf32>
          %swap3A_365 = arith.index_cast %mul3A_354 : i32 to index
          %swap3A_366 = arith.constant 0 : index
          %swap3A_367 = tpu.vector_load %arg9[%swap3A_365, %swap3A_366] {strides = array<i32>} : memref<64x128xf32, #tpu.memory_space<vmem>>, vector<16xf32>,
          tpu.vector_store %arg9[%swap3A_365, %swap3A_366], %mul3A_364 {strides = array<i32>} : memref<64x128xf32, #tpu.memory_space<vmem>>, vector<16xf32>,
          %get3A_368 = arith.index_cast %mul3A_354 : i32 to index
          %get3A_369 = arith.constant 16 : index
          %get3A_370 = tpu.vector_load %arg9[%get3A_368, %get3A_369] {strides = array<i32>} : memref<64x128xf32, #tpu.memory_space<vmem>>, vector<16xf32>,
          %mul3A_371 = arith.mulf %get3A_370, %gather3A_356 : vector<16xf32>
          %swap3A_372 = arith.index_cast %mul3A_354 : i32 to index
          %swap3A_373 = arith.constant 16 : index
          %swap3A_374 = tpu.vector_load %arg9[%swap3A_372, %swap3A_373] {strides = array<i32>} : memref<64x128xf32, #tpu.memory_space<vmem>>, vector<16xf32>,
          tpu.vector_store %arg9[%swap3A_372, %swap3A_373], %mul3A_371 {strides = array<i32>} : memref<64x128xf32, #tpu.memory_space<vmem>>, vector<16xf32>,
          %get3A_375 = arith.index_cast %mul3A_354 : i32 to index
          %get3A_376 = arith.constant 32 : index
          %get3A_377 = tpu.vector_load %arg9[%get3A_375, %get3A_376] {strides = array<i32>} : memref<64x128xf32, #tpu.memory_space<vmem>>, vector<16xf32>,
          %mul3A_378 = arith.mulf %get3A_377, %gather3A_356 : vector<16xf32>
          %swap3A_379 = arith.index_cast %mul3A_354 : i32 to index
          %swap3A_380 = arith.constant 32 : index
          %swap3A_381 = tpu.vector_load %arg9[%swap3A_379, %swap3A_380] {strides = array<i32>} : memref<64x128xf32, #tpu.memory_space<vmem>>, vector<16xf32>,
          tpu.vector_store %arg9[%swap3A_379, %swap3A_380], %mul3A_378 {strides = array<i32>} : memref<64x128xf32, #tpu.memory_space<vmem>>, vector<16xf32>,
          %get3A_382 = arith.index_cast %mul3A_354 : i32 to index
          %get3A_383 = arith.constant 48 : index
          %get3A_384 = tpu.vector_load %arg9[%get3A_382, %get3A_383] {strides = array<i32>} : memref<64x128xf32, #tpu.memory_space<vmem>>, vector<16xf32>,
          %mul3A_385 = arith.mulf %get3A_384, %gather3A_356 : vector<16xf32>
          %swap3A_386 = arith.index_cast %mul3A_354 : i32 to index
          %swap3A_387 = arith.constant 48 : index
          %swap3A_388 = tpu.vector_load %arg9[%swap3A_386, %swap3A_387] {strides = array<i32>} : memref<64x128xf32, #tpu.memory_space<vmem>>, vector<16xf32>,
          tpu.vector_store %arg9[%swap3A_386, %swap3A_387], %mul3A_385 {strides = array<i32>} : memref<64x128xf32, #tpu.memory_space<vmem>>, vector<16xf32>,
          %get3A_389 = arith.index_cast %mul3A_354 : i32 to index
          %get3A_390 = arith.constant 64 : index
          %get3A_391 = tpu.vector_load %arg9[%get3A_389, %get3A_390] {strides = array<i32>} : memref<64x128xf32, #tpu.memory_space<vmem>>, vector<16xf32>,
          %mul3A_392 = arith.mulf %get3A_391, %gather3A_356 : vector<16xf32>
          %swap3A_393 = arith.index_cast %mul3A_354 : i32 to index
          %swap3A_394 = arith.constant 64 : index
          %swap3A_395 = tpu.vector_load %arg9[%swap3A_393, %swap3A_394] {strides = array<i32>} : memref<64x128xf32, #tpu.memory_space<vmem>>, vector<16xf32>,
          tpu.vector_store %arg9[%swap3A_393, %swap3A_394], %mul3A_392 {strides = array<i32>} : memref<64x128xf32, #tpu.memory_space<vmem>>, vector<16xf32>,
          %get3A_396 = arith.index_cast %mul3A_354 : i32 to index
          %get3A_397 = arith.constant 80 : index
          %get3A_398 = tpu.vector_load %arg9[%get3A_396, %get3A_397] {strides = array<i32>} : memref<64x128xf32, #tpu.memory_space<vmem>>, vector<16xf32>,
          %mul3A_399 = arith.mulf %get3A_398, %gather3A_356 : vector<16xf32>
          %swap3A_400 = arith.index_cast %mul3A_354 : i32 to index
          %swap3A_401 = arith.constant 80 : index
          %swap3A_402 = tpu.vector_load %arg9[%swap3A_400, %swap3A_401] {strides = array<i32>} : memref<64x128xf32, #tpu.memory_space<vmem>>, vector<16xf32>,
          tpu.vector_store %arg9[%swap3A_400, %swap3A_401], %mul3A_399 {strides = array<i32>} : memref<64x128xf32, #tpu.memory_space<vmem>>, vector<16xf32>,
          %get3A_403 = arith.index_cast %mul3A_354 : i32 to index
          %get3A_404 = arith.constant 96 : index
          %get3A_405 = tpu.vector_load %arg9[%get3A_403, %get3A_404] {strides = array<i32>} : memref<64x128xf32, #tpu.memory_space<vmem>>, vector<16xf32>,
          %mul3A_406 = arith.mulf %get3A_405, %gather3A_356 : vector<16xf32>
          %swap3A_407 = arith.index_cast %mul3A_354 : i32 to index
          %swap3A_408 = arith.constant 96 : index
          %swap3A_409 = tpu.vector_load %arg9[%swap3A_407, %swap3A_408] {strides = array<i32>} : memref<64x128xf32, #tpu.memory_space<vmem>>, vector<16xf32>,
          tpu.vector_store %arg9[%swap3A_407, %swap3A_408], %mul3A_406 {strides = array<i32>} : memref<64x128xf32, #tpu.memory_space<vmem>>, vector<16xf32>,
          %get3A_410 = arith.index_cast %mul3A_354 : i32 to index
          %get3A_411 = arith.constant 112 : index
          %get3A_412 = tpu.vector_load %arg9[%get3A_410, %get3A_411] {strides = array<i32>} : memref<64x128xf32, #tpu.memory_space<vmem>>, vector<16xf32>,
          %mul3A_413 = arith.mulf %get3A_412, %gather3A_356 : vector<16xf32>
          %swap3A_414 = arith.index_cast %mul3A_354 : i32 to index
          %swap3A_415 = arith.constant 112 : index
          %swap3A_416 = tpu.vector_load %arg9[%swap3A_414, %swap3A_415] {strides = array<i32>} : memref<64x128xf32, #tpu.memory_space<vmem>>, vector<16xf32>,
          tpu.vector_store %arg9[%swap3A_414, %swap3A_415], %mul3A_413 {strides = array<i32>} : memref<64x128xf32, #tpu.memory_space<vmem>>, vector<16xf32>,
          %add3A_417 = arith.constant 1 : i32
          %add3A_418 = arith.addi %mul3A_354, %add3A_417 : i32
          %get3A_419 = arith.index_cast %add3A_418 : i32 to index
          %get3A_420 = arith.constant 0 : index
          %get3A_421 = tpu.vector_load %arg9[%get3A_419, %get3A_420] {strides = array<i32>} : memref<64x128xf32, #tpu.memory_space<vmem>>, vector<16xf32>,
          %mul3A_422 = arith.mulf %get3A_421, %gather3A_360 : vector<16xf32>
          %add3A_423 = arith.constant 1 : i32
          %add3A_424 = arith.addi %mul3A_354, %add3A_423 : i32
          %swap3A_425 = arith.index_cast %add3A_424 : i32 to index
          %swap3A_426 = arith.constant 0 : index
          %swap3A_427 = tpu.vector_load %arg9[%swap3A_425, %swap3A_426] {strides = array<i32>} : memref<64x128xf32, #tpu.memory_space<vmem>>, vector<16xf32>,
          tpu.vector_store %arg9[%swap3A_425, %swap3A_426], %mul3A_422 {strides = array<i32>} : memref<64x128xf32, #tpu.memory_space<vmem>>, vector<16xf32>,
          %add3A_428 = arith.constant 1 : i32
          %add3A_429 = arith.addi %mul3A_354, %add3A_428 : i32
          %get3A_430 = arith.index_cast %add3A_429 : i32 to index
          %get3A_431 = arith.constant 16 : index
          %get3A_432 = tpu.vector_load %arg9[%get3A_430, %get3A_431] {strides = array<i32>} : memref<64x128xf32, #tpu.memory_space<vmem>>, vector<16xf32>,
          %mul3A_433 = arith.mulf %get3A_432, %gather3A_360 : vector<16xf32>
          %add3A_434 = arith.constant 1 : i32
          %add3A_435 = arith.addi %mul3A_354, %add3A_434 : i32
          %swap3A_436 = arith.index_cast %add3A_435 : i32 to index
          %swap3A_437 = arith.constant 16 : index
          %swap3A_438 = tpu.vector_load %arg9[%swap3A_436, %swap3A_437] {strides = array<i32>} : memref<64x128xf32, #tpu.memory_space<vmem>>, vector<16xf32>,
          tpu.vector_store %arg9[%swap3A_436, %swap3A_437], %mul3A_433 {strides = array<i32>} : memref<64x128xf32, #tpu.memory_space<vmem>>, vector<16xf32>,
          %add3A_439 = arith.constant 1 : i32
          %add3A_440 = arith.addi %mul3A_354, %add3A_439 : i32
          %get3A_441 = arith.index_cast %add3A_440 : i32 to index
          %get3A_442 = arith.constant 32 : index
          %get3A_443 = tpu.vector_load %arg9[%get3A_441, %get3A_442] {strides = array<i32>} : memref<64x128xf32, #tpu.memory_space<vmem>>, vector<16xf32>,
          %mul3A_444 = arith.mulf %get3A_443, %gather3A_360 : vector<16xf32>
          %add3A_445 = arith.constant 1 : i32
          %add3A_446 = arith.addi %mul3A_354, %add3A_445 : i32
          %swap3A_447 = arith.index_cast %add3A_446 : i32 to index
          %swap3A_448 = arith.constant 32 : index
          %swap3A_449 = tpu.vector_load %arg9[%swap3A_447, %swap3A_448] {strides = array<i32>} : memref<64x128xf32, #tpu.memory_space<vmem>>, vector<16xf32>,
          tpu.vector_store %arg9[%swap3A_447, %swap3A_448], %mul3A_444 {strides = array<i32>} : memref<64x128xf32, #tpu.memory_space<vmem>>, vector<16xf32>,
          %add3A_450 = arith.constant 1 : i32
          %add3A_451 = arith.addi %mul3A_354, %add3A_450 : i32
          %get3A_452 = arith.index_cast %add3A_451 : i32 to index
          %get3A_453 = arith.constant 48 : index
          %get3A_454 = tpu.vector_load %arg9[%get3A_452, %get3A_453] {strides = array<i32>} : memref<64x128xf32, #tpu.memory_space<vmem>>, vector<16xf32>,
          %mul3A_455 = arith.mulf %get3A_454, %gather3A_360 : vector<16xf32>
          %add3A_456 = arith.constant 1 : i32
          %add3A_457 = arith.addi %mul3A_354, %add3A_456 : i32
          %swap3A_458 = arith.index_cast %add3A_457 : i32 to index
          %swap3A_459 = arith.constant 48 : index
          %swap3A_460 = tpu.vector_load %arg9[%swap3A_458, %swap3A_459] {strides = array<i32>} : memref<64x128xf32, #tpu.memory_space<vmem>>, vector<16xf32>,
          tpu.vector_store %arg9[%swap3A_458, %swap3A_459], %mul3A_455 {strides = array<i32>} : memref<64x128xf32, #tpu.memory_space<vmem>>, vector<16xf32>,
          %add3A_461 = arith.constant 1 : i32
          %add3A_462 = arith.addi %mul3A_354, %add3A_461 : i32
          %get3A_463 = arith.index_cast %add3A_462 : i32 to index
          %get3A_464 = arith.constant 64 : index
          %get3A_465 = tpu.vector_load %arg9[%get3A_463, %get3A_464] {strides = array<i32>} : memref<64x128xf32, #tpu.memory_space<vmem>>, vector<16xf32>,
          %mul3A_466 = arith.mulf %get3A_465, %gather3A_360 : vector<16xf32>
          %add3A_467 = arith.constant 1 : i32
          %add3A_468 = arith.addi %mul3A_354, %add3A_467 : i32
          %swap3A_469 = arith.index_cast %add3A_468 : i32 to index
          %swap3A_470 = arith.constant 64 : index
          %swap3A_471 = tpu.vector_load %arg9[%swap3A_469, %swap3A_470] {strides = array<i32>} : memref<64x128xf32, #tpu.memory_space<vmem>>, vector<16xf32>,
          tpu.vector_store %arg9[%swap3A_469, %swap3A_470], %mul3A_466 {strides = array<i32>} : memref<64x128xf32, #tpu.memory_space<vmem>>, vector<16xf32>,
          %add3A_472 = arith.constant 1 : i32
          %add3A_473 = arith.addi %mul3A_354, %add3A_472 : i32
          %get3A_474 = arith.index_cast %add3A_473 : i32 to index
          %get3A_475 = arith.constant 80 : index
          %get3A_476 = tpu.vector_load %arg9[%get3A_474, %get3A_475] {strides = array<i32>} : memref<64x128xf32, #tpu.memory_space<vmem>>, vector<16xf32>,
          %mul3A_477 = arith.mulf %get3A_476, %gather3A_360 : vector<16xf32>
          %add3A_478 = arith.constant 1 : i32
          %add3A_479 = arith.addi %mul3A_354, %add3A_478 : i32
          %swap3A_480 = arith.index_cast %add3A_479 : i32 to index
          %swap3A_481 = arith.constant 80 : index
          %swap3A_482 = tpu.vector_load %arg9[%swap3A_480, %swap3A_481] {strides = array<i32>} : memref<64x128xf32, #tpu.memory_space<vmem>>, vector<16xf32>,
          tpu.vector_store %arg9[%swap3A_480, %swap3A_481], %mul3A_477 {strides = array<i32>} : memref<64x128xf32, #tpu.memory_space<vmem>>, vector<16xf32>,
          %add3A_483 = arith.constant 1 : i32
          %add3A_484 = arith.addi %mul3A_354, %add3A_483 : i32
          %get3A_485 = arith.index_cast %add3A_484 : i32 to index
          %get3A_486 = arith.constant 96 : index
          %get3A_487 = tpu.vector_load %arg9[%get3A_485, %get3A_486] {strides = array<i32>} : memref<64x128xf32, #tpu.memory_space<vmem>>, vector<16xf32>,
          %mul3A_488 = arith.mulf %get3A_487, %gather3A_360 : vector<16xf32>
          %add3A_489 = arith.constant 1 : i32
          %add3A_490 = arith.addi %mul3A_354, %add3A_489 : i32
          %swap3A_491 = arith.index_cast %add3A_490 : i32 to index
          %swap3A_492 = arith.constant 96 : index
          %swap3A_493 = tpu.vector_load %arg9[%swap3A_491, %swap3A_492] {strides = array<i32>} : memref<64x128xf32, #tpu.memory_space<vmem>>, vector<16xf32>,
          tpu.vector_store %arg9[%swap3A_491, %swap3A_492], %mul3A_488 {strides = array<i32>} : memref<64x128xf32, #tpu.memory_space<vmem>>, vector<16xf32>,
          %add3A_494 = arith.constant 1 : i32
          %add3A_495 = arith.addi %mul3A_354, %add3A_494 : i32
          %get3A_496 = arith.index_cast %add3A_495 : i32 to index
          %get3A_497 = arith.constant 112 : index
          %get3A_498 = tpu.vector_load %arg9[%get3A_496, %get3A_497] {strides = array<i32>} : memref<64x128xf32, #tpu.memory_space<vmem>>, vector<16xf32>,
          %mul3A_499 = arith.mulf %get3A_498, %gather3A_360 : vector<16xf32>
          %add3A_500 = arith.constant 1 : i32
          %add3A_501 = arith.addi %mul3A_354, %add3A_500 : i32
          %swap3A_502 = arith.index_cast %add3A_501 : i32 to index
          %swap3A_503 = arith.constant 112 : index
          %swap3A_504 = tpu.vector_load %arg9[%swap3A_502, %swap3A_503] {strides = array<i32>} : memref<64x128xf32, #tpu.memory_space<vmem>>, vector<16xf32>,
          tpu.vector_store %arg9[%swap3A_502, %swap3A_503], %mul3A_499 {strides = array<i32>} : memref<64x128xf32, #tpu.memory_space<vmem>>, vector<16xf32>,
          %scan3A_505 = arith.constant 0 : i32
          scf.yield %scan3A_505 : i32
        }
        %scan3A_347 = arith.constant 32 : i32
        %dma_start3A_348 = arith.constant 0 : i32
        %dma_start3A_349 = arith.constant 0 : i32
        %dma_start3A_350 = tpu.memref_slice %arg24[%dma_start3A_348, %dma_start3A_349] : memref<10240x128xf32, #tpu.memory_space<vmem_shared>> -> memref<10240x128xf32, #tpu.memory_space<vmem_shared>>
        tpu.enqueue_indirect_dma source(%arg9 : memref<64x128xf32, #tpu.memory_space<vmem>>) target(%dma_start3A_350 : memref<10240x128xf32, #tpu.memory_space<vmem_shared>>) offsets(%arg16 : memref<64xi32, #tpu.memory_space<vmem>>) semaphore(%arg22 : memref<!tpu.dma_semaphore, #tpu.memory_space<semaphore_mem>>) {add = true}
      } else {
      }
      %eq3A_179 = arith.constant 2 : i32
      %eq3A_180 = arith.cmpi eq, %rem3A_170, %eq3A_179 : i32
      %convert_element_type3A_181 = arith.extui %eq3A_180 : i1 to i32
      %cond3A_182 = arith.constant 0 : i32
      %cond3A_183 = arith.cmpi ne, %convert_element_type3A_181, %cond3A_182 : i32
      scf.if %cond3A_183 {
        %gt3A = arith.constant 0 : i32
        %gt3A_185 = arith.cmpi sgt, %while3A_168, %gt3A : i32
        %convert_element_type3A_186 = arith.extui %gt3A_185 : i1 to i32
        %cond3A_187 = arith.constant 0 : i32
        %cond3A_188 = arith.cmpi ne, %convert_element_type3A_186, %cond3A_187 : i32
        scf.if %cond3A_188 {
          %dma_wait3A_351 = arith.constant 0 : i32
          %dma_wait3A_352 = arith.constant 0 : i32
          %dma_wait3A_353 = tpu.memref_slice %arg24[%dma_wait3A_351, %dma_wait3A_352] : memref<10240x128xf32, #tpu.memory_space<vmem_shared>> -> memref<10240x128xf32, #tpu.memory_space<vmem_shared>>
          tpu.wait_indirect_dma semaphore(%arg22 : memref<!tpu.dma_semaphore, #tpu.memory_space<semaphore_mem>>) src(%arg9 : memref<64x128xf32, #tpu.memory_space<vmem>>) dst(%dma_wait3A_353 : memref<10240x128xf32, #tpu.memory_space<vmem_shared>>)
        } else {
        }
        %add3A_189 = arith.constant 2 : i32
        %add3A_190 = arith.addi %while3A_168, %add3A_189 : i32
        %lt3A = arith.cmpi slt, %add3A_190, %select_n3A : i32
        %convert_element_type3A_191 = arith.extui %lt3A : i1 to i32
        %cond3A_192 = arith.constant 0 : i32
        %cond3A_193 = arith.cmpi ne, %convert_element_type3A_191, %cond3A_192 : i32
        scf.if %cond3A_193 {
          %add3A_351 = arith.constant 2 : i32
          %add3A_352 = arith.addi %while3A_168, %add3A_351 : i32
          %mul3A_353 = arith.constant 64 : i32
          %mul3A_354 = arith.muli %add3A_352, %mul3A_353 : i32
          %multiple_of3A_355 = tpu.assume_multiple %mul3A_354, 8 : i32
          %add3A_356 = arith.constant 0 : i32
          %add3A_357 = arith.addi %multiple_of3A_355, %add3A_356 : i32
          %get3A_358 = arith.index_cast %add3A_357 : i32 to index
          %get3A_359 = tpu.vector_load %arg6[%get3A_358] {strides = array<i32>} : memref<11200xi32, #tpu.memory_space<vmem>>, vector<16xi32>,
          %and3A_360 = arith.constant 65535 : i32
          %and3A_361 = vector.broadcast %and3A_360 : i32 to vector<16xi32>
          %and3A_362 = arith.andi %get3A_359, %and3A_361 : vector<16xi32>
          %swap3A_363 = arith.constant 0 : index
          %swap3A_364 = tpu.vector_load %arg13[%swap3A_363] {strides = array<i32>} : memref<64xi32, #tpu.memory_space<vmem>>, vector<16xi32>,
          tpu.vector_store %arg13[%swap3A_363], %and3A_362 {strides = array<i32>} : memref<64xi32, #tpu.memory_space<vmem>>, vector<16xi32>,
          %shift_right_logical3A_365 = arith.constant 16 : i32
          %shift_right_logical3A_366 = vector.broadcast %shift_right_logical3A_365 : i32 to vector<16xi32>
          %shift_right_logical3A_367 = arith.shrui %get3A_359, %shift_right_logical3A_366 : vector<16xi32>
          %swap3A_368 = arith.constant 0 : index
          %swap3A_369 = tpu.vector_load %arg16[%swap3A_368] {strides = array<i32>} : memref<64xi32, #tpu.memory_space<vmem>>, vector<16xi32>,
          tpu.vector_store %arg16[%swap3A_368], %shift_right_logical3A_367 {strides = array<i32>} : memref<64xi32, #tpu.memory_space<vmem>>, vector<16xi32>,
          %add3A_370 = arith.constant 16 : i32
          %add3A_371 = arith.addi %multiple_of3A_355, %add3A_370 : i32
          %get3A_372 = arith.index_cast %add3A_371 : i32 to index
          %get3A_373 = tpu.vector_load %arg6[%get3A_372] {strides = array<i32>} : memref<11200xi32, #tpu.memory_space<vmem>>, vector<16xi32>,
          %and3A_374 = arith.constant 65535 : i32
          %and3A_375 = vector.broadcast %and3A_374 : i32 to vector<16xi32>
          %and3A_376 = arith.andi %get3A_373, %and3A_375 : vector<16xi32>
          %swap3A_377 = arith.constant 16 : index
          %swap3A_378 = tpu.vector_load %arg13[%swap3A_377] {strides = array<i32>} : memref<64xi32, #tpu.memory_space<vmem>>, vector<16xi32>,
          tpu.vector_store %arg13[%swap3A_377], %and3A_376 {strides = array<i32>} : memref<64xi32, #tpu.memory_space<vmem>>, vector<16xi32>,
          %shift_right_logical3A_379 = arith.constant 16 : i32
          %shift_right_logical3A_380 = vector.broadcast %shift_right_logical3A_379 : i32 to vector<16xi32>
          %shift_right_logical3A_381 = arith.shrui %get3A_373, %shift_right_logical3A_380 : vector<16xi32>
          %swap3A_382 = arith.constant 16 : index
          %swap3A_383 = tpu.vector_load %arg16[%swap3A_382] {strides = array<i32>} : memref<64xi32, #tpu.memory_space<vmem>>, vector<16xi32>,
          tpu.vector_store %arg16[%swap3A_382], %shift_right_logical3A_381 {strides = array<i32>} : memref<64xi32, #tpu.memory_space<vmem>>, vector<16xi32>,
          %add3A_384 = arith.constant 32 : i32
          %add3A_385 = arith.addi %multiple_of3A_355, %add3A_384 : i32
          %get3A_386 = arith.index_cast %add3A_385 : i32 to index
          %get3A_387 = tpu.vector_load %arg6[%get3A_386] {strides = array<i32>} : memref<11200xi32, #tpu.memory_space<vmem>>, vector<16xi32>,
          %and3A_388 = arith.constant 65535 : i32
          %and3A_389 = vector.broadcast %and3A_388 : i32 to vector<16xi32>
          %and3A_390 = arith.andi %get3A_387, %and3A_389 : vector<16xi32>
          %swap3A_391 = arith.constant 32 : index
          %swap3A_392 = tpu.vector_load %arg13[%swap3A_391] {strides = array<i32>} : memref<64xi32, #tpu.memory_space<vmem>>, vector<16xi32>,
          tpu.vector_store %arg13[%swap3A_391], %and3A_390 {strides = array<i32>} : memref<64xi32, #tpu.memory_space<vmem>>, vector<16xi32>,
          %shift_right_logical3A_393 = arith.constant 16 : i32
          %shift_right_logical3A_394 = vector.broadcast %shift_right_logical3A_393 : i32 to vector<16xi32>
          %shift_right_logical3A_395 = arith.shrui %get3A_387, %shift_right_logical3A_394 : vector<16xi32>
          %swap3A_396 = arith.constant 32 : index
          %swap3A_397 = tpu.vector_load %arg16[%swap3A_396] {strides = array<i32>} : memref<64xi32, #tpu.memory_space<vmem>>, vector<16xi32>,
          tpu.vector_store %arg16[%swap3A_396], %shift_right_logical3A_395 {strides = array<i32>} : memref<64xi32, #tpu.memory_space<vmem>>, vector<16xi32>,
          %add3A_398 = arith.constant 48 : i32
          %add3A_399 = arith.addi %multiple_of3A_355, %add3A_398 : i32
          %get3A_400 = arith.index_cast %add3A_399 : i32 to index
          %get3A_401 = tpu.vector_load %arg6[%get3A_400] {strides = array<i32>} : memref<11200xi32, #tpu.memory_space<vmem>>, vector<16xi32>,
          %and3A_402 = arith.constant 65535 : i32
          %and3A_403 = vector.broadcast %and3A_402 : i32 to vector<16xi32>
          %and3A_404 = arith.andi %get3A_401, %and3A_403 : vector<16xi32>
          %swap3A_405 = arith.constant 48 : index
          %swap3A_406 = tpu.vector_load %arg13[%swap3A_405] {strides = array<i32>} : memref<64xi32, #tpu.memory_space<vmem>>, vector<16xi32>,
          tpu.vector_store %arg13[%swap3A_405], %and3A_404 {strides = array<i32>} : memref<64xi32, #tpu.memory_space<vmem>>, vector<16xi32>,
          %shift_right_logical3A_407 = arith.constant 16 : i32
          %shift_right_logical3A_408 = vector.broadcast %shift_right_logical3A_407 : i32 to vector<16xi32>
          %shift_right_logical3A_409 = arith.shrui %get3A_401, %shift_right_logical3A_408 : vector<16xi32>
          %swap3A_410 = arith.constant 48 : index
          %swap3A_411 = tpu.vector_load %arg16[%swap3A_410] {strides = array<i32>} : memref<64xi32, #tpu.memory_space<vmem>>, vector<16xi32>,
          tpu.vector_store %arg16[%swap3A_410], %shift_right_logical3A_409 {strides = array<i32>} : memref<64xi32, #tpu.memory_space<vmem>>, vector<16xi32>,
          %dma_start3A_412 = arith.constant 0 : i32
          %dma_start3A_413 = arith.constant 0 : i32
          %dma_start3A_414 = tpu.memref_slice %arg4[%dma_start3A_412, %dma_start3A_413] : memref<10000x128xf32, #tpu.memory_space<hbm>> -> memref<10000x128xf32, #tpu.memory_space<hbm>>
          tpu.enqueue_indirect_dma source(%dma_start3A_414 : memref<10000x128xf32, #tpu.memory_space<hbm>>) target(%arg9 : memref<64x128xf32, #tpu.memory_space<vmem>>) offsets(%arg13 : memref<64xi32, #tpu.memory_space<vmem>>) semaphore(%arg19 : memref<!tpu.dma_semaphore, #tpu.memory_space<semaphore_mem>>)
        } else {
        }
        %dma_wait3A_194 = arith.constant 0 : i32
        %dma_wait3A_195 = arith.constant 0 : i32
        %dma_wait3A_196 = tpu.memref_slice %arg4[%dma_wait3A_194, %dma_wait3A_195] : memref<10000x128xf32, #tpu.memory_space<hbm>> -> memref<10000x128xf32, #tpu.memory_space<hbm>>
        tpu.wait_indirect_dma semaphore(%arg20 : memref<!tpu.dma_semaphore, #tpu.memory_space<semaphore_mem>>) src(%dma_wait3A_196 : memref<10000x128xf32, #tpu.memory_space<hbm>>) dst(%arg10 : memref<64x128xf32, #tpu.memory_space<vmem>>)
        %get3A_197 = arith.constant 0 : index
        %get3A_198 = tpu.vector_load %arg14[%get3A_197] {strides = array<i32>} : memref<64xi32, #tpu.memory_space<vmem>>, vector<16xi32>,
        %get3A_199 = arith.constant 0 : index
        %get3A_200 = tpu.vector_load %arg17[%get3A_199] {strides = array<i32>} : memref<64xi32, #tpu.memory_space<vmem>>, vector<16xi32>,
        %gather3A = tpu.vector_load_idx %arg7[%get3A_200] : memref<10000xi32, #tpu.memory_space<vmem>>[vector<16xi32>], vector<16xi32>,
        %gather3A_201 = tpu.vector_load_idx %arg7[%get3A_198] : memref<10000xi32, #tpu.memory_space<vmem>>[vector<16xi32>], vector<16xi32>,
        %and3A_202 = arith.constant -65536 : i32
        %and3A_203 = vector.broadcast %and3A_202 : i32 to vector<16xi32>
        %and3A_204 = arith.andi %gather3A, %and3A_203 : vector<16xi32>
        %bitcast3A = vector.bitcast %and3A_204 : vector<16xi32> to vector<16xf32>
        %shift_left3A = arith.constant 16 : i32
        %shift_left3A_205 = vector.broadcast %shift_left3A : i32 to vector<16xi32>
        %shift_left3A_206 = arith.shli %gather3A_201, %shift_left3A_205 : vector<16xi32>
        %bitcast3A_207 = vector.bitcast %shift_left3A_206 : vector<16xi32> to vector<16xf32>
        %add3A_208 = arith.addf %bitcast3A, %bitcast3A_207 : vector<16xf32>
        %abs3A = math.absf %add3A_208 : vector<16xf32>
        %mul3A_209 = arith.constant 2.000000e+00 : f32
        %mul3A_210 = vector.broadcast %mul3A_209 : f32 to vector<16xf32>
        %mul3A_211 = arith.mulf %abs3A, %mul3A_210 : vector<16xf32>
        %exp3A = math.exp %mul3A_211 : vector<16xf32>
        %add3A_212 = arith.constant 1.000000e+00 : f32
        %add3A_213 = vector.broadcast %add3A_212 : f32 to vector<16xf32>
        %add3A_214 = arith.addf %exp3A, %add3A_213 : vector<16xf32>
        %div3A = arith.constant 2.000000e+00 : f32
        %div3A_215 = vector.broadcast %div3A : f32 to vector<16xf32>
        %div3A_216 = arith.divf %div3A_215, %add3A_214 : vector<16xf32>
        %sub3A = arith.constant 1.000000e+00 : f32
        %sub3A_217 = vector.broadcast %sub3A : f32 to vector<16xf32>
        %sub3A_218 = arith.subf %sub3A_217, %div3A_216 : vector<16xf32>
        %lt3A_219 = arith.constant 0.000000e+00 : f32
        %lt3A_220 = vector.broadcast %lt3A_219 : f32 to vector<16xf32>
        %lt3A_221 = arith.cmpf olt, %add3A_208, %lt3A_220 : vector<16xf32>
        %neg3A = arith.constant 0.000000e+00 : f32
        %neg3A_222 = vector.broadcast %neg3A : f32 to vector<16xf32>
        %neg3A_223 = arith.subf %neg3A_222, %sub3A_218 : vector<16xf32>
        %select_n3A_224 = arith.select %lt3A_221, %neg3A_223, %sub3A_218 : vector<16xi1>, vector<16xf32>
        %swap3A_225 = arith.constant 0 : index
        %swap3A_226 = tpu.vector_load %arg11[%swap3A_225] {strides = array<i32>} : memref<64xf32, #tpu.memory_space<vmem>>, vector<16xf32>,
        tpu.vector_store %arg11[%swap3A_225], %select_n3A_224 {strides = array<i32>} : memref<64xf32, #tpu.memory_space<vmem>>, vector<16xf32>,
        %get3A_227 = arith.constant 16 : index
        %get3A_228 = tpu.vector_load %arg14[%get3A_227] {strides = array<i32>} : memref<64xi32, #tpu.memory_space<vmem>>, vector<16xi32>,
        %get3A_229 = arith.constant 16 : index
        %get3A_230 = tpu.vector_load %arg17[%get3A_229] {strides = array<i32>} : memref<64xi32, #tpu.memory_space<vmem>>, vector<16xi32>,
        %gather3A_231 = tpu.vector_load_idx %arg7[%get3A_230] : memref<10000xi32, #tpu.memory_space<vmem>>[vector<16xi32>], vector<16xi32>,
        %gather3A_232 = tpu.vector_load_idx %arg7[%get3A_228] : memref<10000xi32, #tpu.memory_space<vmem>>[vector<16xi32>], vector<16xi32>,
        %and3A_233 = arith.constant -65536 : i32
        %and3A_234 = vector.broadcast %and3A_233 : i32 to vector<16xi32>
        %and3A_235 = arith.andi %gather3A_231, %and3A_234 : vector<16xi32>
        %bitcast3A_236 = vector.bitcast %and3A_235 : vector<16xi32> to vector<16xf32>
        %shift_left3A_237 = arith.constant 16 : i32
        %shift_left3A_238 = vector.broadcast %shift_left3A_237 : i32 to vector<16xi32>
        %shift_left3A_239 = arith.shli %gather3A_232, %shift_left3A_238 : vector<16xi32>
        %bitcast3A_240 = vector.bitcast %shift_left3A_239 : vector<16xi32> to vector<16xf32>
        %add3A_241 = arith.addf %bitcast3A_236, %bitcast3A_240 : vector<16xf32>
        %abs3A_242 = math.absf %add3A_241 : vector<16xf32>
        %mul3A_243 = arith.constant 2.000000e+00 : f32
        %mul3A_244 = vector.broadcast %mul3A_243 : f32 to vector<16xf32>
        %mul3A_245 = arith.mulf %abs3A_242, %mul3A_244 : vector<16xf32>
        %exp3A_246 = math.exp %mul3A_245 : vector<16xf32>
        %add3A_247 = arith.constant 1.000000e+00 : f32
        %add3A_248 = vector.broadcast %add3A_247 : f32 to vector<16xf32>
        %add3A_249 = arith.addf %exp3A_246, %add3A_248 : vector<16xf32>
        %div3A_250 = arith.constant 2.000000e+00 : f32
        %div3A_251 = vector.broadcast %div3A_250 : f32 to vector<16xf32>
        %div3A_252 = arith.divf %div3A_251, %add3A_249 : vector<16xf32>
        %sub3A_253 = arith.constant 1.000000e+00 : f32
        %sub3A_254 = vector.broadcast %sub3A_253 : f32 to vector<16xf32>
        %sub3A_255 = arith.subf %sub3A_254, %div3A_252 : vector<16xf32>
        %lt3A_256 = arith.constant 0.000000e+00 : f32
        %lt3A_257 = vector.broadcast %lt3A_256 : f32 to vector<16xf32>
        %lt3A_258 = arith.cmpf olt, %add3A_241, %lt3A_257 : vector<16xf32>
        %neg3A_259 = arith.constant 0.000000e+00 : f32
        %neg3A_260 = vector.broadcast %neg3A_259 : f32 to vector<16xf32>
        %neg3A_261 = arith.subf %neg3A_260, %sub3A_255 : vector<16xf32>
        %select_n3A_262 = arith.select %lt3A_258, %neg3A_261, %sub3A_255 : vector<16xi1>, vector<16xf32>
        %swap3A_263 = arith.constant 16 : index
        %swap3A_264 = tpu.vector_load %arg11[%swap3A_263] {strides = array<i32>} : memref<64xf32, #tpu.memory_space<vmem>>, vector<16xf32>,
        tpu.vector_store %arg11[%swap3A_263], %select_n3A_262 {strides = array<i32>} : memref<64xf32, #tpu.memory_space<vmem>>, vector<16xf32>,
        %get3A_265 = arith.constant 32 : index
        %get3A_266 = tpu.vector_load %arg14[%get3A_265] {strides = array<i32>} : memref<64xi32, #tpu.memory_space<vmem>>, vector<16xi32>,
        %get3A_267 = arith.constant 32 : index
        %get3A_268 = tpu.vector_load %arg17[%get3A_267] {strides = array<i32>} : memref<64xi32, #tpu.memory_space<vmem>>, vector<16xi32>,
        %gather3A_269 = tpu.vector_load_idx %arg7[%get3A_268] : memref<10000xi32, #tpu.memory_space<vmem>>[vector<16xi32>], vector<16xi32>,
        %gather3A_270 = tpu.vector_load_idx %arg7[%get3A_266] : memref<10000xi32, #tpu.memory_space<vmem>>[vector<16xi32>], vector<16xi32>,
        %and3A_271 = arith.constant -65536 : i32
        %and3A_272 = vector.broadcast %and3A_271 : i32 to vector<16xi32>
        %and3A_273 = arith.andi %gather3A_269, %and3A_272 : vector<16xi32>
        %bitcast3A_274 = vector.bitcast %and3A_273 : vector<16xi32> to vector<16xf32>
        %shift_left3A_275 = arith.constant 16 : i32
        %shift_left3A_276 = vector.broadcast %shift_left3A_275 : i32 to vector<16xi32>
        %shift_left3A_277 = arith.shli %gather3A_270, %shift_left3A_276 : vector<16xi32>
        %bitcast3A_278 = vector.bitcast %shift_left3A_277 : vector<16xi32> to vector<16xf32>
        %add3A_279 = arith.addf %bitcast3A_274, %bitcast3A_278 : vector<16xf32>
        %abs3A_280 = math.absf %add3A_279 : vector<16xf32>
        %mul3A_281 = arith.constant 2.000000e+00 : f32
        %mul3A_282 = vector.broadcast %mul3A_281 : f32 to vector<16xf32>
        %mul3A_283 = arith.mulf %abs3A_280, %mul3A_282 : vector<16xf32>
        %exp3A_284 = math.exp %mul3A_283 : vector<16xf32>
        %add3A_285 = arith.constant 1.000000e+00 : f32
        %add3A_286 = vector.broadcast %add3A_285 : f32 to vector<16xf32>
        %add3A_287 = arith.addf %exp3A_284, %add3A_286 : vector<16xf32>
        %div3A_288 = arith.constant 2.000000e+00 : f32
        %div3A_289 = vector.broadcast %div3A_288 : f32 to vector<16xf32>
        %div3A_290 = arith.divf %div3A_289, %add3A_287 : vector<16xf32>
        %sub3A_291 = arith.constant 1.000000e+00 : f32
        %sub3A_292 = vector.broadcast %sub3A_291 : f32 to vector<16xf32>
        %sub3A_293 = arith.subf %sub3A_292, %div3A_290 : vector<16xf32>
        %lt3A_294 = arith.constant 0.000000e+00 : f32
        %lt3A_295 = vector.broadcast %lt3A_294 : f32 to vector<16xf32>
        %lt3A_296 = arith.cmpf olt, %add3A_279, %lt3A_295 : vector<16xf32>
        %neg3A_297 = arith.constant 0.000000e+00 : f32
        %neg3A_298 = vector.broadcast %neg3A_297 : f32 to vector<16xf32>
        %neg3A_299 = arith.subf %neg3A_298, %sub3A_293 : vector<16xf32>
        %select_n3A_300 = arith.select %lt3A_296, %neg3A_299, %sub3A_293 : vector<16xi1>, vector<16xf32>
        %swap3A_301 = arith.constant 32 : index
        %swap3A_302 = tpu.vector_load %arg11[%swap3A_301] {strides = array<i32>} : memref<64xf32, #tpu.memory_space<vmem>>, vector<16xf32>,
        tpu.vector_store %arg11[%swap3A_301], %select_n3A_300 {strides = array<i32>} : memref<64xf32, #tpu.memory_space<vmem>>, vector<16xf32>,
        %get3A_303 = arith.constant 48 : index
        %get3A_304 = tpu.vector_load %arg14[%get3A_303] {strides = array<i32>} : memref<64xi32, #tpu.memory_space<vmem>>, vector<16xi32>,
        %get3A_305 = arith.constant 48 : index
        %get3A_306 = tpu.vector_load %arg17[%get3A_305] {strides = array<i32>} : memref<64xi32, #tpu.memory_space<vmem>>, vector<16xi32>,
        %gather3A_307 = tpu.vector_load_idx %arg7[%get3A_306] : memref<10000xi32, #tpu.memory_space<vmem>>[vector<16xi32>], vector<16xi32>,
        %gather3A_308 = tpu.vector_load_idx %arg7[%get3A_304] : memref<10000xi32, #tpu.memory_space<vmem>>[vector<16xi32>], vector<16xi32>,
        %and3A_309 = arith.constant -65536 : i32
        %and3A_310 = vector.broadcast %and3A_309 : i32 to vector<16xi32>
        %and3A_311 = arith.andi %gather3A_307, %and3A_310 : vector<16xi32>
        %bitcast3A_312 = vector.bitcast %and3A_311 : vector<16xi32> to vector<16xf32>
        %shift_left3A_313 = arith.constant 16 : i32
        %shift_left3A_314 = vector.broadcast %shift_left3A_313 : i32 to vector<16xi32>
        %shift_left3A_315 = arith.shli %gather3A_308, %shift_left3A_314 : vector<16xi32>
        %bitcast3A_316 = vector.bitcast %shift_left3A_315 : vector<16xi32> to vector<16xf32>
        %add3A_317 = arith.addf %bitcast3A_312, %bitcast3A_316 : vector<16xf32>
        %abs3A_318 = math.absf %add3A_317 : vector<16xf32>
        %mul3A_319 = arith.constant 2.000000e+00 : f32
        %mul3A_320 = vector.broadcast %mul3A_319 : f32 to vector<16xf32>
        %mul3A_321 = arith.mulf %abs3A_318, %mul3A_320 : vector<16xf32>
        %exp3A_322 = math.exp %mul3A_321 : vector<16xf32>
        %add3A_323 = arith.constant 1.000000e+00 : f32
        %add3A_324 = vector.broadcast %add3A_323 : f32 to vector<16xf32>
        %add3A_325 = arith.addf %exp3A_322, %add3A_324 : vector<16xf32>
        %div3A_326 = arith.constant 2.000000e+00 : f32
        %div3A_327 = vector.broadcast %div3A_326 : f32 to vector<16xf32>
        %div3A_328 = arith.divf %div3A_327, %add3A_325 : vector<16xf32>
        %sub3A_329 = arith.constant 1.000000e+00 : f32
        %sub3A_330 = vector.broadcast %sub3A_329 : f32 to vector<16xf32>
        %sub3A_331 = arith.subf %sub3A_330, %div3A_328 : vector<16xf32>
        %lt3A_332 = arith.constant 0.000000e+00 : f32
        %lt3A_333 = vector.broadcast %lt3A_332 : f32 to vector<16xf32>
        %lt3A_334 = arith.cmpf olt, %add3A_317, %lt3A_333 : vector<16xf32>
        %neg3A_335 = arith.constant 0.000000e+00 : f32
        %neg3A_336 = vector.broadcast %neg3A_335 : f32 to vector<16xf32>
        %neg3A_337 = arith.subf %neg3A_336, %sub3A_331 : vector<16xf32>
        %select_n3A_338 = arith.select %lt3A_334, %neg3A_337, %sub3A_331 : vector<16xi1>, vector<16xf32>
        %swap3A_339 = arith.constant 48 : index
        %swap3A_340 = tpu.vector_load %arg11[%swap3A_339] {strides = array<i32>} : memref<64xf32, #tpu.memory_space<vmem>>, vector<16xf32>,
        tpu.vector_store %arg11[%swap3A_339], %select_n3A_338 {strides = array<i32>} : memref<64xf32, #tpu.memory_space<vmem>>, vector<16xf32>,
        %scan3A_341 = arith.constant 0 : i32
        %scan3A_342 = arith.constant 0 : i32
        %scan3A_343 = arith.constant 32 : i32
        %scan3A_344 = arith.addi %scan3A_342, %scan3A_343 : i32
        %scan3A_345 = arith.constant 1 : i32
        %scan3A_346 = scf.for %scan3A_351 = %scan3A_342 to %scan3A_344 step %scan3A_345 iter_args(%scan3A_352 = %scan3A_341) -> (i32)  : i32 {
          %mul3A_353 = arith.constant 2 : i32
          %mul3A_354 = arith.muli %scan3A_351, %mul3A_353 : i32
          %broadcast_in_dim3A_355 = vector.broadcast %mul3A_354 : i32 to vector<16xi32>
          %gather3A_356 = tpu.vector_load_idx %arg11[%broadcast_in_dim3A_355] : memref<64xf32, #tpu.memory_space<vmem>>[vector<16xi32>], vector<16xf32>,
          %add3A_357 = arith.constant 1 : i32
          %add3A_358 = arith.addi %mul3A_354, %add3A_357 : i32
          %broadcast_in_dim3A_359 = vector.broadcast %add3A_358 : i32 to vector<16xi32>
          %gather3A_360 = tpu.vector_load_idx %arg11[%broadcast_in_dim3A_359] : memref<64xf32, #tpu.memory_space<vmem>>[vector<16xi32>], vector<16xf32>,
          %get3A_361 = arith.index_cast %mul3A_354 : i32 to index
          %get3A_362 = arith.constant 0 : index
          %get3A_363 = tpu.vector_load %arg10[%get3A_361, %get3A_362] {strides = array<i32>} : memref<64x128xf32, #tpu.memory_space<vmem>>, vector<16xf32>,
          %mul3A_364 = arith.mulf %get3A_363, %gather3A_356 : vector<16xf32>
          %swap3A_365 = arith.index_cast %mul3A_354 : i32 to index
          %swap3A_366 = arith.constant 0 : index
          %swap3A_367 = tpu.vector_load %arg10[%swap3A_365, %swap3A_366] {strides = array<i32>} : memref<64x128xf32, #tpu.memory_space<vmem>>, vector<16xf32>,
          tpu.vector_store %arg10[%swap3A_365, %swap3A_366], %mul3A_364 {strides = array<i32>} : memref<64x128xf32, #tpu.memory_space<vmem>>, vector<16xf32>,
          %get3A_368 = arith.index_cast %mul3A_354 : i32 to index
          %get3A_369 = arith.constant 16 : index
          %get3A_370 = tpu.vector_load %arg10[%get3A_368, %get3A_369] {strides = array<i32>} : memref<64x128xf32, #tpu.memory_space<vmem>>, vector<16xf32>,
          %mul3A_371 = arith.mulf %get3A_370, %gather3A_356 : vector<16xf32>
          %swap3A_372 = arith.index_cast %mul3A_354 : i32 to index
          %swap3A_373 = arith.constant 16 : index
          %swap3A_374 = tpu.vector_load %arg10[%swap3A_372, %swap3A_373] {strides = array<i32>} : memref<64x128xf32, #tpu.memory_space<vmem>>, vector<16xf32>,
          tpu.vector_store %arg10[%swap3A_372, %swap3A_373], %mul3A_371 {strides = array<i32>} : memref<64x128xf32, #tpu.memory_space<vmem>>, vector<16xf32>,
          %get3A_375 = arith.index_cast %mul3A_354 : i32 to index
          %get3A_376 = arith.constant 32 : index
          %get3A_377 = tpu.vector_load %arg10[%get3A_375, %get3A_376] {strides = array<i32>} : memref<64x128xf32, #tpu.memory_space<vmem>>, vector<16xf32>,
          %mul3A_378 = arith.mulf %get3A_377, %gather3A_356 : vector<16xf32>
          %swap3A_379 = arith.index_cast %mul3A_354 : i32 to index
          %swap3A_380 = arith.constant 32 : index
          %swap3A_381 = tpu.vector_load %arg10[%swap3A_379, %swap3A_380] {strides = array<i32>} : memref<64x128xf32, #tpu.memory_space<vmem>>, vector<16xf32>,
          tpu.vector_store %arg10[%swap3A_379, %swap3A_380], %mul3A_378 {strides = array<i32>} : memref<64x128xf32, #tpu.memory_space<vmem>>, vector<16xf32>,
          %get3A_382 = arith.index_cast %mul3A_354 : i32 to index
          %get3A_383 = arith.constant 48 : index
          %get3A_384 = tpu.vector_load %arg10[%get3A_382, %get3A_383] {strides = array<i32>} : memref<64x128xf32, #tpu.memory_space<vmem>>, vector<16xf32>,
          %mul3A_385 = arith.mulf %get3A_384, %gather3A_356 : vector<16xf32>
          %swap3A_386 = arith.index_cast %mul3A_354 : i32 to index
          %swap3A_387 = arith.constant 48 : index
          %swap3A_388 = tpu.vector_load %arg10[%swap3A_386, %swap3A_387] {strides = array<i32>} : memref<64x128xf32, #tpu.memory_space<vmem>>, vector<16xf32>,
          tpu.vector_store %arg10[%swap3A_386, %swap3A_387], %mul3A_385 {strides = array<i32>} : memref<64x128xf32, #tpu.memory_space<vmem>>, vector<16xf32>,
          %get3A_389 = arith.index_cast %mul3A_354 : i32 to index
          %get3A_390 = arith.constant 64 : index
          %get3A_391 = tpu.vector_load %arg10[%get3A_389, %get3A_390] {strides = array<i32>} : memref<64x128xf32, #tpu.memory_space<vmem>>, vector<16xf32>,
          %mul3A_392 = arith.mulf %get3A_391, %gather3A_356 : vector<16xf32>
          %swap3A_393 = arith.index_cast %mul3A_354 : i32 to index
          %swap3A_394 = arith.constant 64 : index
          %swap3A_395 = tpu.vector_load %arg10[%swap3A_393, %swap3A_394] {strides = array<i32>} : memref<64x128xf32, #tpu.memory_space<vmem>>, vector<16xf32>,
          tpu.vector_store %arg10[%swap3A_393, %swap3A_394], %mul3A_392 {strides = array<i32>} : memref<64x128xf32, #tpu.memory_space<vmem>>, vector<16xf32>,
          %get3A_396 = arith.index_cast %mul3A_354 : i32 to index
          %get3A_397 = arith.constant 80 : index
          %get3A_398 = tpu.vector_load %arg10[%get3A_396, %get3A_397] {strides = array<i32>} : memref<64x128xf32, #tpu.memory_space<vmem>>, vector<16xf32>,
          %mul3A_399 = arith.mulf %get3A_398, %gather3A_356 : vector<16xf32>
          %swap3A_400 = arith.index_cast %mul3A_354 : i32 to index
          %swap3A_401 = arith.constant 80 : index
          %swap3A_402 = tpu.vector_load %arg10[%swap3A_400, %swap3A_401] {strides = array<i32>} : memref<64x128xf32, #tpu.memory_space<vmem>>, vector<16xf32>,
          tpu.vector_store %arg10[%swap3A_400, %swap3A_401], %mul3A_399 {strides = array<i32>} : memref<64x128xf32, #tpu.memory_space<vmem>>, vector<16xf32>,
          %get3A_403 = arith.index_cast %mul3A_354 : i32 to index
          %get3A_404 = arith.constant 96 : index
          %get3A_405 = tpu.vector_load %arg10[%get3A_403, %get3A_404] {strides = array<i32>} : memref<64x128xf32, #tpu.memory_space<vmem>>, vector<16xf32>,
          %mul3A_406 = arith.mulf %get3A_405, %gather3A_356 : vector<16xf32>
          %swap3A_407 = arith.index_cast %mul3A_354 : i32 to index
          %swap3A_408 = arith.constant 96 : index
          %swap3A_409 = tpu.vector_load %arg10[%swap3A_407, %swap3A_408] {strides = array<i32>} : memref<64x128xf32, #tpu.memory_space<vmem>>, vector<16xf32>,
          tpu.vector_store %arg10[%swap3A_407, %swap3A_408], %mul3A_406 {strides = array<i32>} : memref<64x128xf32, #tpu.memory_space<vmem>>, vector<16xf32>,
          %get3A_410 = arith.index_cast %mul3A_354 : i32 to index
          %get3A_411 = arith.constant 112 : index
          %get3A_412 = tpu.vector_load %arg10[%get3A_410, %get3A_411] {strides = array<i32>} : memref<64x128xf32, #tpu.memory_space<vmem>>, vector<16xf32>,
          %mul3A_413 = arith.mulf %get3A_412, %gather3A_356 : vector<16xf32>
          %swap3A_414 = arith.index_cast %mul3A_354 : i32 to index
          %swap3A_415 = arith.constant 112 : index
          %swap3A_416 = tpu.vector_load %arg10[%swap3A_414, %swap3A_415] {strides = array<i32>} : memref<64x128xf32, #tpu.memory_space<vmem>>, vector<16xf32>,
          tpu.vector_store %arg10[%swap3A_414, %swap3A_415], %mul3A_413 {strides = array<i32>} : memref<64x128xf32, #tpu.memory_space<vmem>>, vector<16xf32>,
          %add3A_417 = arith.constant 1 : i32
          %add3A_418 = arith.addi %mul3A_354, %add3A_417 : i32
          %get3A_419 = arith.index_cast %add3A_418 : i32 to index
          %get3A_420 = arith.constant 0 : index
          %get3A_421 = tpu.vector_load %arg10[%get3A_419, %get3A_420] {strides = array<i32>} : memref<64x128xf32, #tpu.memory_space<vmem>>, vector<16xf32>,
          %mul3A_422 = arith.mulf %get3A_421, %gather3A_360 : vector<16xf32>
          %add3A_423 = arith.constant 1 : i32
          %add3A_424 = arith.addi %mul3A_354, %add3A_423 : i32
          %swap3A_425 = arith.index_cast %add3A_424 : i32 to index
          %swap3A_426 = arith.constant 0 : index
          %swap3A_427 = tpu.vector_load %arg10[%swap3A_425, %swap3A_426] {strides = array<i32>} : memref<64x128xf32, #tpu.memory_space<vmem>>, vector<16xf32>,
          tpu.vector_store %arg10[%swap3A_425, %swap3A_426], %mul3A_422 {strides = array<i32>} : memref<64x128xf32, #tpu.memory_space<vmem>>, vector<16xf32>,
          %add3A_428 = arith.constant 1 : i32
          %add3A_429 = arith.addi %mul3A_354, %add3A_428 : i32
          %get3A_430 = arith.index_cast %add3A_429 : i32 to index
          %get3A_431 = arith.constant 16 : index
          %get3A_432 = tpu.vector_load %arg10[%get3A_430, %get3A_431] {strides = array<i32>} : memref<64x128xf32, #tpu.memory_space<vmem>>, vector<16xf32>,
          %mul3A_433 = arith.mulf %get3A_432, %gather3A_360 : vector<16xf32>
          %add3A_434 = arith.constant 1 : i32
          %add3A_435 = arith.addi %mul3A_354, %add3A_434 : i32
          %swap3A_436 = arith.index_cast %add3A_435 : i32 to index
          %swap3A_437 = arith.constant 16 : index
          %swap3A_438 = tpu.vector_load %arg10[%swap3A_436, %swap3A_437] {strides = array<i32>} : memref<64x128xf32, #tpu.memory_space<vmem>>, vector<16xf32>,
          tpu.vector_store %arg10[%swap3A_436, %swap3A_437], %mul3A_433 {strides = array<i32>} : memref<64x128xf32, #tpu.memory_space<vmem>>, vector<16xf32>,
          %add3A_439 = arith.constant 1 : i32
          %add3A_440 = arith.addi %mul3A_354, %add3A_439 : i32
          %get3A_441 = arith.index_cast %add3A_440 : i32 to index
          %get3A_442 = arith.constant 32 : index
          %get3A_443 = tpu.vector_load %arg10[%get3A_441, %get3A_442] {strides = array<i32>} : memref<64x128xf32, #tpu.memory_space<vmem>>, vector<16xf32>,
          %mul3A_444 = arith.mulf %get3A_443, %gather3A_360 : vector<16xf32>
          %add3A_445 = arith.constant 1 : i32
          %add3A_446 = arith.addi %mul3A_354, %add3A_445 : i32
          %swap3A_447 = arith.index_cast %add3A_446 : i32 to index
          %swap3A_448 = arith.constant 32 : index
          %swap3A_449 = tpu.vector_load %arg10[%swap3A_447, %swap3A_448] {strides = array<i32>} : memref<64x128xf32, #tpu.memory_space<vmem>>, vector<16xf32>,
          tpu.vector_store %arg10[%swap3A_447, %swap3A_448], %mul3A_444 {strides = array<i32>} : memref<64x128xf32, #tpu.memory_space<vmem>>, vector<16xf32>,
          %add3A_450 = arith.constant 1 : i32
          %add3A_451 = arith.addi %mul3A_354, %add3A_450 : i32
          %get3A_452 = arith.index_cast %add3A_451 : i32 to index
          %get3A_453 = arith.constant 48 : index
          %get3A_454 = tpu.vector_load %arg10[%get3A_452, %get3A_453] {strides = array<i32>} : memref<64x128xf32, #tpu.memory_space<vmem>>, vector<16xf32>,
          %mul3A_455 = arith.mulf %get3A_454, %gather3A_360 : vector<16xf32>
          %add3A_456 = arith.constant 1 : i32
          %add3A_457 = arith.addi %mul3A_354, %add3A_456 : i32
          %swap3A_458 = arith.index_cast %add3A_457 : i32 to index
          %swap3A_459 = arith.constant 48 : index
          %swap3A_460 = tpu.vector_load %arg10[%swap3A_458, %swap3A_459] {strides = array<i32>} : memref<64x128xf32, #tpu.memory_space<vmem>>, vector<16xf32>,
          tpu.vector_store %arg10[%swap3A_458, %swap3A_459], %mul3A_455 {strides = array<i32>} : memref<64x128xf32, #tpu.memory_space<vmem>>, vector<16xf32>,
          %add3A_461 = arith.constant 1 : i32
          %add3A_462 = arith.addi %mul3A_354, %add3A_461 : i32
          %get3A_463 = arith.index_cast %add3A_462 : i32 to index
          %get3A_464 = arith.constant 64 : index
          %get3A_465 = tpu.vector_load %arg10[%get3A_463, %get3A_464] {strides = array<i32>} : memref<64x128xf32, #tpu.memory_space<vmem>>, vector<16xf32>,
          %mul3A_466 = arith.mulf %get3A_465, %gather3A_360 : vector<16xf32>
          %add3A_467 = arith.constant 1 : i32
          %add3A_468 = arith.addi %mul3A_354, %add3A_467 : i32
          %swap3A_469 = arith.index_cast %add3A_468 : i32 to index
          %swap3A_470 = arith.constant 64 : index
          %swap3A_471 = tpu.vector_load %arg10[%swap3A_469, %swap3A_470] {strides = array<i32>} : memref<64x128xf32, #tpu.memory_space<vmem>>, vector<16xf32>,
          tpu.vector_store %arg10[%swap3A_469, %swap3A_470], %mul3A_466 {strides = array<i32>} : memref<64x128xf32, #tpu.memory_space<vmem>>, vector<16xf32>,
          %add3A_472 = arith.constant 1 : i32
          %add3A_473 = arith.addi %mul3A_354, %add3A_472 : i32
          %get3A_474 = arith.index_cast %add3A_473 : i32 to index
          %get3A_475 = arith.constant 80 : index
          %get3A_476 = tpu.vector_load %arg10[%get3A_474, %get3A_475] {strides = array<i32>} : memref<64x128xf32, #tpu.memory_space<vmem>>, vector<16xf32>,
          %mul3A_477 = arith.mulf %get3A_476, %gather3A_360 : vector<16xf32>
          %add3A_478 = arith.constant 1 : i32
          %add3A_479 = arith.addi %mul3A_354, %add3A_478 : i32
          %swap3A_480 = arith.index_cast %add3A_479 : i32 to index
          %swap3A_481 = arith.constant 80 : index
          %swap3A_482 = tpu.vector_load %arg10[%swap3A_480, %swap3A_481] {strides = array<i32>} : memref<64x128xf32, #tpu.memory_space<vmem>>, vector<16xf32>,
          tpu.vector_store %arg10[%swap3A_480, %swap3A_481], %mul3A_477 {strides = array<i32>} : memref<64x128xf32, #tpu.memory_space<vmem>>, vector<16xf32>,
          %add3A_483 = arith.constant 1 : i32
          %add3A_484 = arith.addi %mul3A_354, %add3A_483 : i32
          %get3A_485 = arith.index_cast %add3A_484 : i32 to index
          %get3A_486 = arith.constant 96 : index
          %get3A_487 = tpu.vector_load %arg10[%get3A_485, %get3A_486] {strides = array<i32>} : memref<64x128xf32, #tpu.memory_space<vmem>>, vector<16xf32>,
          %mul3A_488 = arith.mulf %get3A_487, %gather3A_360 : vector<16xf32>
          %add3A_489 = arith.constant 1 : i32
          %add3A_490 = arith.addi %mul3A_354, %add3A_489 : i32
          %swap3A_491 = arith.index_cast %add3A_490 : i32 to index
          %swap3A_492 = arith.constant 96 : index
          %swap3A_493 = tpu.vector_load %arg10[%swap3A_491, %swap3A_492] {strides = array<i32>} : memref<64x128xf32, #tpu.memory_space<vmem>>, vector<16xf32>,
          tpu.vector_store %arg10[%swap3A_491, %swap3A_492], %mul3A_488 {strides = array<i32>} : memref<64x128xf32, #tpu.memory_space<vmem>>, vector<16xf32>,
          %add3A_494 = arith.constant 1 : i32
          %add3A_495 = arith.addi %mul3A_354, %add3A_494 : i32
          %get3A_496 = arith.index_cast %add3A_495 : i32 to index
          %get3A_497 = arith.constant 112 : index
          %get3A_498 = tpu.vector_load %arg10[%get3A_496, %get3A_497] {strides = array<i32>} : memref<64x128xf32, #tpu.memory_space<vmem>>, vector<16xf32>,
          %mul3A_499 = arith.mulf %get3A_498, %gather3A_360 : vector<16xf32>
          %add3A_500 = arith.constant 1 : i32
          %add3A_501 = arith.addi %mul3A_354, %add3A_500 : i32
          %swap3A_502 = arith.index_cast %add3A_501 : i32 to index
          %swap3A_503 = arith.constant 112 : index
          %swap3A_504 = tpu.vector_load %arg10[%swap3A_502, %swap3A_503] {strides = array<i32>} : memref<64x128xf32, #tpu.memory_space<vmem>>, vector<16xf32>,
          tpu.vector_store %arg10[%swap3A_502, %swap3A_503], %mul3A_499 {strides = array<i32>} : memref<64x128xf32, #tpu.memory_space<vmem>>, vector<16xf32>,
          %scan3A_505 = arith.constant 0 : i32
          scf.yield %scan3A_505 : i32
        }
        %scan3A_347 = arith.constant 32 : i32
        %dma_start3A_348 = arith.constant 0 : i32
        %dma_start3A_349 = arith.constant 0 : i32
        %dma_start3A_350 = tpu.memref_slice %arg24[%dma_start3A_348, %dma_start3A_349] : memref<10240x128xf32, #tpu.memory_space<vmem_shared>> -> memref<10240x128xf32, #tpu.memory_space<vmem_shared>>
        tpu.enqueue_indirect_dma source(%arg10 : memref<64x128xf32, #tpu.memory_space<vmem>>) target(%dma_start3A_350 : memref<10240x128xf32, #tpu.memory_space<vmem_shared>>) offsets(%arg17 : memref<64xi32, #tpu.memory_space<vmem>>) semaphore(%arg23 : memref<!tpu.dma_semaphore, #tpu.memory_space<semaphore_mem>>) {add = true}
      } else {
      }
      %while3A_184 = arith.constant 0 : i32
      scf.yield %while3A_184 : i32
    }
    %while3A_159 = arith.constant 1 : i32
    %while3A_160 = scf.for %while3A_168 = %while3A_156 to %while3A_152 step %while3A_159 iter_args(%while3A_169 = %while3A_158) -> (i32)  : i32 {
      %rem3A = arith.constant 3 : i32
      %rem3A_170 = arith.remsi %while3A_168, %rem3A : i32
      %eq3A_171 = arith.constant 0 : i32
      %eq3A_172 = arith.cmpi eq, %rem3A_170, %eq3A_171 : i32
      %convert_element_type3A = arith.extui %eq3A_172 : i1 to i32
      %cond3A = arith.constant 0 : i32
      %cond3A_173 = arith.cmpi ne, %convert_element_type3A, %cond3A : i32
      scf.if %cond3A_173 {
        %gt3A = arith.constant 0 : i32
        %gt3A_185 = arith.cmpi sgt, %while3A_168, %gt3A : i32
        %convert_element_type3A_186 = arith.extui %gt3A_185 : i1 to i32
        %cond3A_187 = arith.constant 0 : i32
        %cond3A_188 = arith.cmpi ne, %convert_element_type3A_186, %cond3A_187 : i32
        scf.if %cond3A_188 {
          %dma_wait3A_351 = arith.constant 0 : i32
          %dma_wait3A_352 = arith.constant 0 : i32
          %dma_wait3A_353 = tpu.memref_slice %arg24[%dma_wait3A_351, %dma_wait3A_352] : memref<10240x128xf32, #tpu.memory_space<vmem_shared>> -> memref<10240x128xf32, #tpu.memory_space<vmem_shared>>
          tpu.wait_indirect_dma semaphore(%arg23 : memref<!tpu.dma_semaphore, #tpu.memory_space<semaphore_mem>>) src(%arg10 : memref<64x128xf32, #tpu.memory_space<vmem>>) dst(%dma_wait3A_353 : memref<10240x128xf32, #tpu.memory_space<vmem_shared>>)
        } else {
        }
        %add3A_189 = arith.constant 2 : i32
        %add3A_190 = arith.addi %while3A_168, %add3A_189 : i32
        %lt3A = arith.cmpi slt, %add3A_190, %select_n3A : i32
        %convert_element_type3A_191 = arith.extui %lt3A : i1 to i32
        %cond3A_192 = arith.constant 0 : i32
        %cond3A_193 = arith.cmpi ne, %convert_element_type3A_191, %cond3A_192 : i32
        scf.if %cond3A_193 {
          %add3A_351 = arith.constant 2 : i32
          %add3A_352 = arith.addi %while3A_168, %add3A_351 : i32
          %mul3A_353 = arith.constant 64 : i32
          %mul3A_354 = arith.muli %add3A_352, %mul3A_353 : i32
          %multiple_of3A_355 = tpu.assume_multiple %mul3A_354, 8 : i32
          %add3A_356 = arith.constant 0 : i32
          %add3A_357 = arith.addi %multiple_of3A_355, %add3A_356 : i32
          %get3A_358 = arith.index_cast %add3A_357 : i32 to index
          %get3A_359 = tpu.vector_load %arg6[%get3A_358] {strides = array<i32>} : memref<11200xi32, #tpu.memory_space<vmem>>, vector<16xi32>,
          %and3A_360 = arith.constant 65535 : i32
          %and3A_361 = vector.broadcast %and3A_360 : i32 to vector<16xi32>
          %and3A_362 = arith.andi %get3A_359, %and3A_361 : vector<16xi32>
          %swap3A_363 = arith.constant 0 : index
          %swap3A_364 = tpu.vector_load %arg14[%swap3A_363] {strides = array<i32>} : memref<64xi32, #tpu.memory_space<vmem>>, vector<16xi32>,
          tpu.vector_store %arg14[%swap3A_363], %and3A_362 {strides = array<i32>} : memref<64xi32, #tpu.memory_space<vmem>>, vector<16xi32>,
          %shift_right_logical3A_365 = arith.constant 16 : i32
          %shift_right_logical3A_366 = vector.broadcast %shift_right_logical3A_365 : i32 to vector<16xi32>
          %shift_right_logical3A_367 = arith.shrui %get3A_359, %shift_right_logical3A_366 : vector<16xi32>
          %swap3A_368 = arith.constant 0 : index
          %swap3A_369 = tpu.vector_load %arg17[%swap3A_368] {strides = array<i32>} : memref<64xi32, #tpu.memory_space<vmem>>, vector<16xi32>,
          tpu.vector_store %arg17[%swap3A_368], %shift_right_logical3A_367 {strides = array<i32>} : memref<64xi32, #tpu.memory_space<vmem>>, vector<16xi32>,
          %add3A_370 = arith.constant 16 : i32
          %add3A_371 = arith.addi %multiple_of3A_355, %add3A_370 : i32
          %get3A_372 = arith.index_cast %add3A_371 : i32 to index
          %get3A_373 = tpu.vector_load %arg6[%get3A_372] {strides = array<i32>} : memref<11200xi32, #tpu.memory_space<vmem>>, vector<16xi32>,
          %and3A_374 = arith.constant 65535 : i32
          %and3A_375 = vector.broadcast %and3A_374 : i32 to vector<16xi32>
          %and3A_376 = arith.andi %get3A_373, %and3A_375 : vector<16xi32>
          %swap3A_377 = arith.constant 16 : index
          %swap3A_378 = tpu.vector_load %arg14[%swap3A_377] {strides = array<i32>} : memref<64xi32, #tpu.memory_space<vmem>>, vector<16xi32>,
          tpu.vector_store %arg14[%swap3A_377], %and3A_376 {strides = array<i32>} : memref<64xi32, #tpu.memory_space<vmem>>, vector<16xi32>,
          %shift_right_logical3A_379 = arith.constant 16 : i32
          %shift_right_logical3A_380 = vector.broadcast %shift_right_logical3A_379 : i32 to vector<16xi32>
          %shift_right_logical3A_381 = arith.shrui %get3A_373, %shift_right_logical3A_380 : vector<16xi32>
          %swap3A_382 = arith.constant 16 : index
          %swap3A_383 = tpu.vector_load %arg17[%swap3A_382] {strides = array<i32>} : memref<64xi32, #tpu.memory_space<vmem>>, vector<16xi32>,
          tpu.vector_store %arg17[%swap3A_382], %shift_right_logical3A_381 {strides = array<i32>} : memref<64xi32, #tpu.memory_space<vmem>>, vector<16xi32>,
          %add3A_384 = arith.constant 32 : i32
          %add3A_385 = arith.addi %multiple_of3A_355, %add3A_384 : i32
          %get3A_386 = arith.index_cast %add3A_385 : i32 to index
          %get3A_387 = tpu.vector_load %arg6[%get3A_386] {strides = array<i32>} : memref<11200xi32, #tpu.memory_space<vmem>>, vector<16xi32>,
          %and3A_388 = arith.constant 65535 : i32
          %and3A_389 = vector.broadcast %and3A_388 : i32 to vector<16xi32>
          %and3A_390 = arith.andi %get3A_387, %and3A_389 : vector<16xi32>
          %swap3A_391 = arith.constant 32 : index
          %swap3A_392 = tpu.vector_load %arg14[%swap3A_391] {strides = array<i32>} : memref<64xi32, #tpu.memory_space<vmem>>, vector<16xi32>,
          tpu.vector_store %arg14[%swap3A_391], %and3A_390 {strides = array<i32>} : memref<64xi32, #tpu.memory_space<vmem>>, vector<16xi32>,
          %shift_right_logical3A_393 = arith.constant 16 : i32
          %shift_right_logical3A_394 = vector.broadcast %shift_right_logical3A_393 : i32 to vector<16xi32>
          %shift_right_logical3A_395 = arith.shrui %get3A_387, %shift_right_logical3A_394 : vector<16xi32>
          %swap3A_396 = arith.constant 32 : index
          %swap3A_397 = tpu.vector_load %arg17[%swap3A_396] {strides = array<i32>} : memref<64xi32, #tpu.memory_space<vmem>>, vector<16xi32>,
          tpu.vector_store %arg17[%swap3A_396], %shift_right_logical3A_395 {strides = array<i32>} : memref<64xi32, #tpu.memory_space<vmem>>, vector<16xi32>,
          %add3A_398 = arith.constant 48 : i32
          %add3A_399 = arith.addi %multiple_of3A_355, %add3A_398 : i32
          %get3A_400 = arith.index_cast %add3A_399 : i32 to index
          %get3A_401 = tpu.vector_load %arg6[%get3A_400] {strides = array<i32>} : memref<11200xi32, #tpu.memory_space<vmem>>, vector<16xi32>,
          %and3A_402 = arith.constant 65535 : i32
          %and3A_403 = vector.broadcast %and3A_402 : i32 to vector<16xi32>
          %and3A_404 = arith.andi %get3A_401, %and3A_403 : vector<16xi32>
          %swap3A_405 = arith.constant 48 : index
          %swap3A_406 = tpu.vector_load %arg14[%swap3A_405] {strides = array<i32>} : memref<64xi32, #tpu.memory_space<vmem>>, vector<16xi32>,
          tpu.vector_store %arg14[%swap3A_405], %and3A_404 {strides = array<i32>} : memref<64xi32, #tpu.memory_space<vmem>>, vector<16xi32>,
          %shift_right_logical3A_407 = arith.constant 16 : i32
          %shift_right_logical3A_408 = vector.broadcast %shift_right_logical3A_407 : i32 to vector<16xi32>
          %shift_right_logical3A_409 = arith.shrui %get3A_401, %shift_right_logical3A_408 : vector<16xi32>
          %swap3A_410 = arith.constant 48 : index
          %swap3A_411 = tpu.vector_load %arg17[%swap3A_410] {strides = array<i32>} : memref<64xi32, #tpu.memory_space<vmem>>, vector<16xi32>,
          tpu.vector_store %arg17[%swap3A_410], %shift_right_logical3A_409 {strides = array<i32>} : memref<64xi32, #tpu.memory_space<vmem>>, vector<16xi32>,
          %dma_start3A_412 = arith.constant 0 : i32
          %dma_start3A_413 = arith.constant 0 : i32
          %dma_start3A_414 = tpu.memref_slice %arg4[%dma_start3A_412, %dma_start3A_413] : memref<10000x128xf32, #tpu.memory_space<hbm>> -> memref<10000x128xf32, #tpu.memory_space<hbm>>
          tpu.enqueue_indirect_dma source(%dma_start3A_414 : memref<10000x128xf32, #tpu.memory_space<hbm>>) target(%arg10 : memref<64x128xf32, #tpu.memory_space<vmem>>) offsets(%arg14 : memref<64xi32, #tpu.memory_space<vmem>>) semaphore(%arg20 : memref<!tpu.dma_semaphore, #tpu.memory_space<semaphore_mem>>)
        } else {
        }
        %dma_wait3A_194 = arith.constant 0 : i32
        %dma_wait3A_195 = arith.constant 0 : i32
        %dma_wait3A_196 = tpu.memref_slice %arg4[%dma_wait3A_194, %dma_wait3A_195] : memref<10000x128xf32, #tpu.memory_space<hbm>> -> memref<10000x128xf32, #tpu.memory_space<hbm>>
        tpu.wait_indirect_dma semaphore(%arg18 : memref<!tpu.dma_semaphore, #tpu.memory_space<semaphore_mem>>) src(%dma_wait3A_196 : memref<10000x128xf32, #tpu.memory_space<hbm>>) dst(%arg8 : memref<64x128xf32, #tpu.memory_space<vmem>>)
        %get3A_197 = arith.constant 0 : index
        %get3A_198 = tpu.vector_load %arg12[%get3A_197] {strides = array<i32>} : memref<64xi32, #tpu.memory_space<vmem>>, vector<16xi32>,
        %get3A_199 = arith.constant 0 : index
        %get3A_200 = tpu.vector_load %arg15[%get3A_199] {strides = array<i32>} : memref<64xi32, #tpu.memory_space<vmem>>, vector<16xi32>,
        %gather3A = tpu.vector_load_idx %arg7[%get3A_200] : memref<10000xi32, #tpu.memory_space<vmem>>[vector<16xi32>], vector<16xi32>,
        %gather3A_201 = tpu.vector_load_idx %arg7[%get3A_198] : memref<10000xi32, #tpu.memory_space<vmem>>[vector<16xi32>], vector<16xi32>,
        %and3A_202 = arith.constant -65536 : i32
        %and3A_203 = vector.broadcast %and3A_202 : i32 to vector<16xi32>
        %and3A_204 = arith.andi %gather3A, %and3A_203 : vector<16xi32>
        %bitcast3A = vector.bitcast %and3A_204 : vector<16xi32> to vector<16xf32>
        %shift_left3A = arith.constant 16 : i32
        %shift_left3A_205 = vector.broadcast %shift_left3A : i32 to vector<16xi32>
        %shift_left3A_206 = arith.shli %gather3A_201, %shift_left3A_205 : vector<16xi32>
        %bitcast3A_207 = vector.bitcast %shift_left3A_206 : vector<16xi32> to vector<16xf32>
        %add3A_208 = arith.addf %bitcast3A, %bitcast3A_207 : vector<16xf32>
        %abs3A = math.absf %add3A_208 : vector<16xf32>
        %mul3A_209 = arith.constant 2.000000e+00 : f32
        %mul3A_210 = vector.broadcast %mul3A_209 : f32 to vector<16xf32>
        %mul3A_211 = arith.mulf %abs3A, %mul3A_210 : vector<16xf32>
        %exp3A = math.exp %mul3A_211 : vector<16xf32>
        %add3A_212 = arith.constant 1.000000e+00 : f32
        %add3A_213 = vector.broadcast %add3A_212 : f32 to vector<16xf32>
        %add3A_214 = arith.addf %exp3A, %add3A_213 : vector<16xf32>
        %div3A = arith.constant 2.000000e+00 : f32
        %div3A_215 = vector.broadcast %div3A : f32 to vector<16xf32>
        %div3A_216 = arith.divf %div3A_215, %add3A_214 : vector<16xf32>
        %sub3A = arith.constant 1.000000e+00 : f32
        %sub3A_217 = vector.broadcast %sub3A : f32 to vector<16xf32>
        %sub3A_218 = arith.subf %sub3A_217, %div3A_216 : vector<16xf32>
        %lt3A_219 = arith.constant 0.000000e+00 : f32
        %lt3A_220 = vector.broadcast %lt3A_219 : f32 to vector<16xf32>
        %lt3A_221 = arith.cmpf olt, %add3A_208, %lt3A_220 : vector<16xf32>
        %neg3A = arith.constant 0.000000e+00 : f32
        %neg3A_222 = vector.broadcast %neg3A : f32 to vector<16xf32>
        %neg3A_223 = arith.subf %neg3A_222, %sub3A_218 : vector<16xf32>
        %select_n3A_224 = arith.select %lt3A_221, %neg3A_223, %sub3A_218 : vector<16xi1>, vector<16xf32>
        %swap3A_225 = arith.constant 0 : index
        %swap3A_226 = tpu.vector_load %arg11[%swap3A_225] {strides = array<i32>} : memref<64xf32, #tpu.memory_space<vmem>>, vector<16xf32>,
        tpu.vector_store %arg11[%swap3A_225], %select_n3A_224 {strides = array<i32>} : memref<64xf32, #tpu.memory_space<vmem>>, vector<16xf32>,
        %get3A_227 = arith.constant 16 : index
        %get3A_228 = tpu.vector_load %arg12[%get3A_227] {strides = array<i32>} : memref<64xi32, #tpu.memory_space<vmem>>, vector<16xi32>,
        %get3A_229 = arith.constant 16 : index
        %get3A_230 = tpu.vector_load %arg15[%get3A_229] {strides = array<i32>} : memref<64xi32, #tpu.memory_space<vmem>>, vector<16xi32>,
        %gather3A_231 = tpu.vector_load_idx %arg7[%get3A_230] : memref<10000xi32, #tpu.memory_space<vmem>>[vector<16xi32>], vector<16xi32>,
        %gather3A_232 = tpu.vector_load_idx %arg7[%get3A_228] : memref<10000xi32, #tpu.memory_space<vmem>>[vector<16xi32>], vector<16xi32>,
        %and3A_233 = arith.constant -65536 : i32
        %and3A_234 = vector.broadcast %and3A_233 : i32 to vector<16xi32>
        %and3A_235 = arith.andi %gather3A_231, %and3A_234 : vector<16xi32>
        %bitcast3A_236 = vector.bitcast %and3A_235 : vector<16xi32> to vector<16xf32>
        %shift_left3A_237 = arith.constant 16 : i32
        %shift_left3A_238 = vector.broadcast %shift_left3A_237 : i32 to vector<16xi32>
        %shift_left3A_239 = arith.shli %gather3A_232, %shift_left3A_238 : vector<16xi32>
        %bitcast3A_240 = vector.bitcast %shift_left3A_239 : vector<16xi32> to vector<16xf32>
        %add3A_241 = arith.addf %bitcast3A_236, %bitcast3A_240 : vector<16xf32>
        %abs3A_242 = math.absf %add3A_241 : vector<16xf32>
        %mul3A_243 = arith.constant 2.000000e+00 : f32
        %mul3A_244 = vector.broadcast %mul3A_243 : f32 to vector<16xf32>
        %mul3A_245 = arith.mulf %abs3A_242, %mul3A_244 : vector<16xf32>
        %exp3A_246 = math.exp %mul3A_245 : vector<16xf32>
        %add3A_247 = arith.constant 1.000000e+00 : f32
        %add3A_248 = vector.broadcast %add3A_247 : f32 to vector<16xf32>
        %add3A_249 = arith.addf %exp3A_246, %add3A_248 : vector<16xf32>
        %div3A_250 = arith.constant 2.000000e+00 : f32
        %div3A_251 = vector.broadcast %div3A_250 : f32 to vector<16xf32>
        %div3A_252 = arith.divf %div3A_251, %add3A_249 : vector<16xf32>
        %sub3A_253 = arith.constant 1.000000e+00 : f32
        %sub3A_254 = vector.broadcast %sub3A_253 : f32 to vector<16xf32>
        %sub3A_255 = arith.subf %sub3A_254, %div3A_252 : vector<16xf32>
        %lt3A_256 = arith.constant 0.000000e+00 : f32
        %lt3A_257 = vector.broadcast %lt3A_256 : f32 to vector<16xf32>
        %lt3A_258 = arith.cmpf olt, %add3A_241, %lt3A_257 : vector<16xf32>
        %neg3A_259 = arith.constant 0.000000e+00 : f32
        %neg3A_260 = vector.broadcast %neg3A_259 : f32 to vector<16xf32>
        %neg3A_261 = arith.subf %neg3A_260, %sub3A_255 : vector<16xf32>
        %select_n3A_262 = arith.select %lt3A_258, %neg3A_261, %sub3A_255 : vector<16xi1>, vector<16xf32>
        %swap3A_263 = arith.constant 16 : index
        %swap3A_264 = tpu.vector_load %arg11[%swap3A_263] {strides = array<i32>} : memref<64xf32, #tpu.memory_space<vmem>>, vector<16xf32>,
        tpu.vector_store %arg11[%swap3A_263], %select_n3A_262 {strides = array<i32>} : memref<64xf32, #tpu.memory_space<vmem>>, vector<16xf32>,
        %get3A_265 = arith.constant 32 : index
        %get3A_266 = tpu.vector_load %arg12[%get3A_265] {strides = array<i32>} : memref<64xi32, #tpu.memory_space<vmem>>, vector<16xi32>,
        %get3A_267 = arith.constant 32 : index
        %get3A_268 = tpu.vector_load %arg15[%get3A_267] {strides = array<i32>} : memref<64xi32, #tpu.memory_space<vmem>>, vector<16xi32>,
        %gather3A_269 = tpu.vector_load_idx %arg7[%get3A_268] : memref<10000xi32, #tpu.memory_space<vmem>>[vector<16xi32>], vector<16xi32>,
        %gather3A_270 = tpu.vector_load_idx %arg7[%get3A_266] : memref<10000xi32, #tpu.memory_space<vmem>>[vector<16xi32>], vector<16xi32>,
        %and3A_271 = arith.constant -65536 : i32
        %and3A_272 = vector.broadcast %and3A_271 : i32 to vector<16xi32>
        %and3A_273 = arith.andi %gather3A_269, %and3A_272 : vector<16xi32>
        %bitcast3A_274 = vector.bitcast %and3A_273 : vector<16xi32> to vector<16xf32>
        %shift_left3A_275 = arith.constant 16 : i32
        %shift_left3A_276 = vector.broadcast %shift_left3A_275 : i32 to vector<16xi32>
        %shift_left3A_277 = arith.shli %gather3A_270, %shift_left3A_276 : vector<16xi32>
        %bitcast3A_278 = vector.bitcast %shift_left3A_277 : vector<16xi32> to vector<16xf32>
        %add3A_279 = arith.addf %bitcast3A_274, %bitcast3A_278 : vector<16xf32>
        %abs3A_280 = math.absf %add3A_279 : vector<16xf32>
        %mul3A_281 = arith.constant 2.000000e+00 : f32
        %mul3A_282 = vector.broadcast %mul3A_281 : f32 to vector<16xf32>
        %mul3A_283 = arith.mulf %abs3A_280, %mul3A_282 : vector<16xf32>
        %exp3A_284 = math.exp %mul3A_283 : vector<16xf32>
        %add3A_285 = arith.constant 1.000000e+00 : f32
        %add3A_286 = vector.broadcast %add3A_285 : f32 to vector<16xf32>
        %add3A_287 = arith.addf %exp3A_284, %add3A_286 : vector<16xf32>
        %div3A_288 = arith.constant 2.000000e+00 : f32
        %div3A_289 = vector.broadcast %div3A_288 : f32 to vector<16xf32>
        %div3A_290 = arith.divf %div3A_289, %add3A_287 : vector<16xf32>
        %sub3A_291 = arith.constant 1.000000e+00 : f32
        %sub3A_292 = vector.broadcast %sub3A_291 : f32 to vector<16xf32>
        %sub3A_293 = arith.subf %sub3A_292, %div3A_290 : vector<16xf32>
        %lt3A_294 = arith.constant 0.000000e+00 : f32
        %lt3A_295 = vector.broadcast %lt3A_294 : f32 to vector<16xf32>
        %lt3A_296 = arith.cmpf olt, %add3A_279, %lt3A_295 : vector<16xf32>
        %neg3A_297 = arith.constant 0.000000e+00 : f32
        %neg3A_298 = vector.broadcast %neg3A_297 : f32 to vector<16xf32>
        %neg3A_299 = arith.subf %neg3A_298, %sub3A_293 : vector<16xf32>
        %select_n3A_300 = arith.select %lt3A_296, %neg3A_299, %sub3A_293 : vector<16xi1>, vector<16xf32>
        %swap3A_301 = arith.constant 32 : index
        %swap3A_302 = tpu.vector_load %arg11[%swap3A_301] {strides = array<i32>} : memref<64xf32, #tpu.memory_space<vmem>>, vector<16xf32>,
        tpu.vector_store %arg11[%swap3A_301], %select_n3A_300 {strides = array<i32>} : memref<64xf32, #tpu.memory_space<vmem>>, vector<16xf32>,
        %get3A_303 = arith.constant 48 : index
        %get3A_304 = tpu.vector_load %arg12[%get3A_303] {strides = array<i32>} : memref<64xi32, #tpu.memory_space<vmem>>, vector<16xi32>,
        %get3A_305 = arith.constant 48 : index
        %get3A_306 = tpu.vector_load %arg15[%get3A_305] {strides = array<i32>} : memref<64xi32, #tpu.memory_space<vmem>>, vector<16xi32>,
        %gather3A_307 = tpu.vector_load_idx %arg7[%get3A_306] : memref<10000xi32, #tpu.memory_space<vmem>>[vector<16xi32>], vector<16xi32>,
        %gather3A_308 = tpu.vector_load_idx %arg7[%get3A_304] : memref<10000xi32, #tpu.memory_space<vmem>>[vector<16xi32>], vector<16xi32>,
        %and3A_309 = arith.constant -65536 : i32
        %and3A_310 = vector.broadcast %and3A_309 : i32 to vector<16xi32>
        %and3A_311 = arith.andi %gather3A_307, %and3A_310 : vector<16xi32>
        %bitcast3A_312 = vector.bitcast %and3A_311 : vector<16xi32> to vector<16xf32>
        %shift_left3A_313 = arith.constant 16 : i32
        %shift_left3A_314 = vector.broadcast %shift_left3A_313 : i32 to vector<16xi32>
        %shift_left3A_315 = arith.shli %gather3A_308, %shift_left3A_314 : vector<16xi32>
        %bitcast3A_316 = vector.bitcast %shift_left3A_315 : vector<16xi32> to vector<16xf32>
        %add3A_317 = arith.addf %bitcast3A_312, %bitcast3A_316 : vector<16xf32>
        %abs3A_318 = math.absf %add3A_317 : vector<16xf32>
        %mul3A_319 = arith.constant 2.000000e+00 : f32
        %mul3A_320 = vector.broadcast %mul3A_319 : f32 to vector<16xf32>
        %mul3A_321 = arith.mulf %abs3A_318, %mul3A_320 : vector<16xf32>
        %exp3A_322 = math.exp %mul3A_321 : vector<16xf32>
        %add3A_323 = arith.constant 1.000000e+00 : f32
        %add3A_324 = vector.broadcast %add3A_323 : f32 to vector<16xf32>
        %add3A_325 = arith.addf %exp3A_322, %add3A_324 : vector<16xf32>
        %div3A_326 = arith.constant 2.000000e+00 : f32
        %div3A_327 = vector.broadcast %div3A_326 : f32 to vector<16xf32>
        %div3A_328 = arith.divf %div3A_327, %add3A_325 : vector<16xf32>
        %sub3A_329 = arith.constant 1.000000e+00 : f32
        %sub3A_330 = vector.broadcast %sub3A_329 : f32 to vector<16xf32>
        %sub3A_331 = arith.subf %sub3A_330, %div3A_328 : vector<16xf32>
        %lt3A_332 = arith.constant 0.000000e+00 : f32
        %lt3A_333 = vector.broadcast %lt3A_332 : f32 to vector<16xf32>
        %lt3A_334 = arith.cmpf olt, %add3A_317, %lt3A_333 : vector<16xf32>
        %neg3A_335 = arith.constant 0.000000e+00 : f32
        %neg3A_336 = vector.broadcast %neg3A_335 : f32 to vector<16xf32>
        %neg3A_337 = arith.subf %neg3A_336, %sub3A_331 : vector<16xf32>
        %select_n3A_338 = arith.select %lt3A_334, %neg3A_337, %sub3A_331 : vector<16xi1>, vector<16xf32>
        %swap3A_339 = arith.constant 48 : index
        %swap3A_340 = tpu.vector_load %arg11[%swap3A_339] {strides = array<i32>} : memref<64xf32, #tpu.memory_space<vmem>>, vector<16xf32>,
        tpu.vector_store %arg11[%swap3A_339], %select_n3A_338 {strides = array<i32>} : memref<64xf32, #tpu.memory_space<vmem>>, vector<16xf32>,
        %scan3A_341 = arith.constant 0 : i32
        %scan3A_342 = arith.constant 0 : i32
        %scan3A_343 = arith.constant 32 : i32
        %scan3A_344 = arith.addi %scan3A_342, %scan3A_343 : i32
        %scan3A_345 = arith.constant 1 : i32
        %scan3A_346 = scf.for %scan3A_351 = %scan3A_342 to %scan3A_344 step %scan3A_345 iter_args(%scan3A_352 = %scan3A_341) -> (i32)  : i32 {
          %mul3A_353 = arith.constant 2 : i32
          %mul3A_354 = arith.muli %scan3A_351, %mul3A_353 : i32
          %broadcast_in_dim3A_355 = vector.broadcast %mul3A_354 : i32 to vector<16xi32>
          %gather3A_356 = tpu.vector_load_idx %arg11[%broadcast_in_dim3A_355] : memref<64xf32, #tpu.memory_space<vmem>>[vector<16xi32>], vector<16xf32>,
          %add3A_357 = arith.constant 1 : i32
          %add3A_358 = arith.addi %mul3A_354, %add3A_357 : i32
          %broadcast_in_dim3A_359 = vector.broadcast %add3A_358 : i32 to vector<16xi32>
          %gather3A_360 = tpu.vector_load_idx %arg11[%broadcast_in_dim3A_359] : memref<64xf32, #tpu.memory_space<vmem>>[vector<16xi32>], vector<16xf32>,
          %get3A_361 = arith.index_cast %mul3A_354 : i32 to index
          %get3A_362 = arith.constant 0 : index
          %get3A_363 = tpu.vector_load %arg8[%get3A_361, %get3A_362] {strides = array<i32>} : memref<64x128xf32, #tpu.memory_space<vmem>>, vector<16xf32>,
          %mul3A_364 = arith.mulf %get3A_363, %gather3A_356 : vector<16xf32>
          %swap3A_365 = arith.index_cast %mul3A_354 : i32 to index
          %swap3A_366 = arith.constant 0 : index
          %swap3A_367 = tpu.vector_load %arg8[%swap3A_365, %swap3A_366] {strides = array<i32>} : memref<64x128xf32, #tpu.memory_space<vmem>>, vector<16xf32>,
          tpu.vector_store %arg8[%swap3A_365, %swap3A_366], %mul3A_364 {strides = array<i32>} : memref<64x128xf32, #tpu.memory_space<vmem>>, vector<16xf32>,
          %get3A_368 = arith.index_cast %mul3A_354 : i32 to index
          %get3A_369 = arith.constant 16 : index
          %get3A_370 = tpu.vector_load %arg8[%get3A_368, %get3A_369] {strides = array<i32>} : memref<64x128xf32, #tpu.memory_space<vmem>>, vector<16xf32>,
          %mul3A_371 = arith.mulf %get3A_370, %gather3A_356 : vector<16xf32>
          %swap3A_372 = arith.index_cast %mul3A_354 : i32 to index
          %swap3A_373 = arith.constant 16 : index
          %swap3A_374 = tpu.vector_load %arg8[%swap3A_372, %swap3A_373] {strides = array<i32>} : memref<64x128xf32, #tpu.memory_space<vmem>>, vector<16xf32>,
          tpu.vector_store %arg8[%swap3A_372, %swap3A_373], %mul3A_371 {strides = array<i32>} : memref<64x128xf32, #tpu.memory_space<vmem>>, vector<16xf32>,
          %get3A_375 = arith.index_cast %mul3A_354 : i32 to index
          %get3A_376 = arith.constant 32 : index
          %get3A_377 = tpu.vector_load %arg8[%get3A_375, %get3A_376] {strides = array<i32>} : memref<64x128xf32, #tpu.memory_space<vmem>>, vector<16xf32>,
          %mul3A_378 = arith.mulf %get3A_377, %gather3A_356 : vector<16xf32>
          %swap3A_379 = arith.index_cast %mul3A_354 : i32 to index
          %swap3A_380 = arith.constant 32 : index
          %swap3A_381 = tpu.vector_load %arg8[%swap3A_379, %swap3A_380] {strides = array<i32>} : memref<64x128xf32, #tpu.memory_space<vmem>>, vector<16xf32>,
          tpu.vector_store %arg8[%swap3A_379, %swap3A_380], %mul3A_378 {strides = array<i32>} : memref<64x128xf32, #tpu.memory_space<vmem>>, vector<16xf32>,
          %get3A_382 = arith.index_cast %mul3A_354 : i32 to index
          %get3A_383 = arith.constant 48 : index
          %get3A_384 = tpu.vector_load %arg8[%get3A_382, %get3A_383] {strides = array<i32>} : memref<64x128xf32, #tpu.memory_space<vmem>>, vector<16xf32>,
          %mul3A_385 = arith.mulf %get3A_384, %gather3A_356 : vector<16xf32>
          %swap3A_386 = arith.index_cast %mul3A_354 : i32 to index
          %swap3A_387 = arith.constant 48 : index
          %swap3A_388 = tpu.vector_load %arg8[%swap3A_386, %swap3A_387] {strides = array<i32>} : memref<64x128xf32, #tpu.memory_space<vmem>>, vector<16xf32>,
          tpu.vector_store %arg8[%swap3A_386, %swap3A_387], %mul3A_385 {strides = array<i32>} : memref<64x128xf32, #tpu.memory_space<vmem>>, vector<16xf32>,
          %get3A_389 = arith.index_cast %mul3A_354 : i32 to index
          %get3A_390 = arith.constant 64 : index
          %get3A_391 = tpu.vector_load %arg8[%get3A_389, %get3A_390] {strides = array<i32>} : memref<64x128xf32, #tpu.memory_space<vmem>>, vector<16xf32>,
          %mul3A_392 = arith.mulf %get3A_391, %gather3A_356 : vector<16xf32>
          %swap3A_393 = arith.index_cast %mul3A_354 : i32 to index
          %swap3A_394 = arith.constant 64 : index
          %swap3A_395 = tpu.vector_load %arg8[%swap3A_393, %swap3A_394] {strides = array<i32>} : memref<64x128xf32, #tpu.memory_space<vmem>>, vector<16xf32>,
          tpu.vector_store %arg8[%swap3A_393, %swap3A_394], %mul3A_392 {strides = array<i32>} : memref<64x128xf32, #tpu.memory_space<vmem>>, vector<16xf32>,
          %get3A_396 = arith.index_cast %mul3A_354 : i32 to index
          %get3A_397 = arith.constant 80 : index
          %get3A_398 = tpu.vector_load %arg8[%get3A_396, %get3A_397] {strides = array<i32>} : memref<64x128xf32, #tpu.memory_space<vmem>>, vector<16xf32>,
          %mul3A_399 = arith.mulf %get3A_398, %gather3A_356 : vector<16xf32>
          %swap3A_400 = arith.index_cast %mul3A_354 : i32 to index
          %swap3A_401 = arith.constant 80 : index
          %swap3A_402 = tpu.vector_load %arg8[%swap3A_400, %swap3A_401] {strides = array<i32>} : memref<64x128xf32, #tpu.memory_space<vmem>>, vector<16xf32>,
          tpu.vector_store %arg8[%swap3A_400, %swap3A_401], %mul3A_399 {strides = array<i32>} : memref<64x128xf32, #tpu.memory_space<vmem>>, vector<16xf32>,
          %get3A_403 = arith.index_cast %mul3A_354 : i32 to index
          %get3A_404 = arith.constant 96 : index
          %get3A_405 = tpu.vector_load %arg8[%get3A_403, %get3A_404] {strides = array<i32>} : memref<64x128xf32, #tpu.memory_space<vmem>>, vector<16xf32>,
          %mul3A_406 = arith.mulf %get3A_405, %gather3A_356 : vector<16xf32>
          %swap3A_407 = arith.index_cast %mul3A_354 : i32 to index
          %swap3A_408 = arith.constant 96 : index
          %swap3A_409 = tpu.vector_load %arg8[%swap3A_407, %swap3A_408] {strides = array<i32>} : memref<64x128xf32, #tpu.memory_space<vmem>>, vector<16xf32>,
          tpu.vector_store %arg8[%swap3A_407, %swap3A_408], %mul3A_406 {strides = array<i32>} : memref<64x128xf32, #tpu.memory_space<vmem>>, vector<16xf32>,
          %get3A_410 = arith.index_cast %mul3A_354 : i32 to index
          %get3A_411 = arith.constant 112 : index
          %get3A_412 = tpu.vector_load %arg8[%get3A_410, %get3A_411] {strides = array<i32>} : memref<64x128xf32, #tpu.memory_space<vmem>>, vector<16xf32>,
          %mul3A_413 = arith.mulf %get3A_412, %gather3A_356 : vector<16xf32>
          %swap3A_414 = arith.index_cast %mul3A_354 : i32 to index
          %swap3A_415 = arith.constant 112 : index
          %swap3A_416 = tpu.vector_load %arg8[%swap3A_414, %swap3A_415] {strides = array<i32>} : memref<64x128xf32, #tpu.memory_space<vmem>>, vector<16xf32>,
          tpu.vector_store %arg8[%swap3A_414, %swap3A_415], %mul3A_413 {strides = array<i32>} : memref<64x128xf32, #tpu.memory_space<vmem>>, vector<16xf32>,
          %add3A_417 = arith.constant 1 : i32
          %add3A_418 = arith.addi %mul3A_354, %add3A_417 : i32
          %get3A_419 = arith.index_cast %add3A_418 : i32 to index
          %get3A_420 = arith.constant 0 : index
          %get3A_421 = tpu.vector_load %arg8[%get3A_419, %get3A_420] {strides = array<i32>} : memref<64x128xf32, #tpu.memory_space<vmem>>, vector<16xf32>,
          %mul3A_422 = arith.mulf %get3A_421, %gather3A_360 : vector<16xf32>
          %add3A_423 = arith.constant 1 : i32
          %add3A_424 = arith.addi %mul3A_354, %add3A_423 : i32
          %swap3A_425 = arith.index_cast %add3A_424 : i32 to index
          %swap3A_426 = arith.constant 0 : index
          %swap3A_427 = tpu.vector_load %arg8[%swap3A_425, %swap3A_426] {strides = array<i32>} : memref<64x128xf32, #tpu.memory_space<vmem>>, vector<16xf32>,
          tpu.vector_store %arg8[%swap3A_425, %swap3A_426], %mul3A_422 {strides = array<i32>} : memref<64x128xf32, #tpu.memory_space<vmem>>, vector<16xf32>,
          %add3A_428 = arith.constant 1 : i32
          %add3A_429 = arith.addi %mul3A_354, %add3A_428 : i32
          %get3A_430 = arith.index_cast %add3A_429 : i32 to index
          %get3A_431 = arith.constant 16 : index
          %get3A_432 = tpu.vector_load %arg8[%get3A_430, %get3A_431] {strides = array<i32>} : memref<64x128xf32, #tpu.memory_space<vmem>>, vector<16xf32>,
          %mul3A_433 = arith.mulf %get3A_432, %gather3A_360 : vector<16xf32>
          %add3A_434 = arith.constant 1 : i32
          %add3A_435 = arith.addi %mul3A_354, %add3A_434 : i32
          %swap3A_436 = arith.index_cast %add3A_435 : i32 to index
          %swap3A_437 = arith.constant 16 : index
          %swap3A_438 = tpu.vector_load %arg8[%swap3A_436, %swap3A_437] {strides = array<i32>} : memref<64x128xf32, #tpu.memory_space<vmem>>, vector<16xf32>,
          tpu.vector_store %arg8[%swap3A_436, %swap3A_437], %mul3A_433 {strides = array<i32>} : memref<64x128xf32, #tpu.memory_space<vmem>>, vector<16xf32>,
          %add3A_439 = arith.constant 1 : i32
          %add3A_440 = arith.addi %mul3A_354, %add3A_439 : i32
          %get3A_441 = arith.index_cast %add3A_440 : i32 to index
          %get3A_442 = arith.constant 32 : index
          %get3A_443 = tpu.vector_load %arg8[%get3A_441, %get3A_442] {strides = array<i32>} : memref<64x128xf32, #tpu.memory_space<vmem>>, vector<16xf32>,
          %mul3A_444 = arith.mulf %get3A_443, %gather3A_360 : vector<16xf32>
          %add3A_445 = arith.constant 1 : i32
          %add3A_446 = arith.addi %mul3A_354, %add3A_445 : i32
          %swap3A_447 = arith.index_cast %add3A_446 : i32 to index
          %swap3A_448 = arith.constant 32 : index
          %swap3A_449 = tpu.vector_load %arg8[%swap3A_447, %swap3A_448] {strides = array<i32>} : memref<64x128xf32, #tpu.memory_space<vmem>>, vector<16xf32>,
          tpu.vector_store %arg8[%swap3A_447, %swap3A_448], %mul3A_444 {strides = array<i32>} : memref<64x128xf32, #tpu.memory_space<vmem>>, vector<16xf32>,
          %add3A_450 = arith.constant 1 : i32
          %add3A_451 = arith.addi %mul3A_354, %add3A_450 : i32
          %get3A_452 = arith.index_cast %add3A_451 : i32 to index
          %get3A_453 = arith.constant 48 : index
          %get3A_454 = tpu.vector_load %arg8[%get3A_452, %get3A_453] {strides = array<i32>} : memref<64x128xf32, #tpu.memory_space<vmem>>, vector<16xf32>,
          %mul3A_455 = arith.mulf %get3A_454, %gather3A_360 : vector<16xf32>
          %add3A_456 = arith.constant 1 : i32
          %add3A_457 = arith.addi %mul3A_354, %add3A_456 : i32
          %swap3A_458 = arith.index_cast %add3A_457 : i32 to index
          %swap3A_459 = arith.constant 48 : index
          %swap3A_460 = tpu.vector_load %arg8[%swap3A_458, %swap3A_459] {strides = array<i32>} : memref<64x128xf32, #tpu.memory_space<vmem>>, vector<16xf32>,
          tpu.vector_store %arg8[%swap3A_458, %swap3A_459], %mul3A_455 {strides = array<i32>} : memref<64x128xf32, #tpu.memory_space<vmem>>, vector<16xf32>,
          %add3A_461 = arith.constant 1 : i32
          %add3A_462 = arith.addi %mul3A_354, %add3A_461 : i32
          %get3A_463 = arith.index_cast %add3A_462 : i32 to index
          %get3A_464 = arith.constant 64 : index
          %get3A_465 = tpu.vector_load %arg8[%get3A_463, %get3A_464] {strides = array<i32>} : memref<64x128xf32, #tpu.memory_space<vmem>>, vector<16xf32>,
          %mul3A_466 = arith.mulf %get3A_465, %gather3A_360 : vector<16xf32>
          %add3A_467 = arith.constant 1 : i32
          %add3A_468 = arith.addi %mul3A_354, %add3A_467 : i32
          %swap3A_469 = arith.index_cast %add3A_468 : i32 to index
          %swap3A_470 = arith.constant 64 : index
          %swap3A_471 = tpu.vector_load %arg8[%swap3A_469, %swap3A_470] {strides = array<i32>} : memref<64x128xf32, #tpu.memory_space<vmem>>, vector<16xf32>,
          tpu.vector_store %arg8[%swap3A_469, %swap3A_470], %mul3A_466 {strides = array<i32>} : memref<64x128xf32, #tpu.memory_space<vmem>>, vector<16xf32>,
          %add3A_472 = arith.constant 1 : i32
          %add3A_473 = arith.addi %mul3A_354, %add3A_472 : i32
          %get3A_474 = arith.index_cast %add3A_473 : i32 to index
          %get3A_475 = arith.constant 80 : index
          %get3A_476 = tpu.vector_load %arg8[%get3A_474, %get3A_475] {strides = array<i32>} : memref<64x128xf32, #tpu.memory_space<vmem>>, vector<16xf32>,
          %mul3A_477 = arith.mulf %get3A_476, %gather3A_360 : vector<16xf32>
          %add3A_478 = arith.constant 1 : i32
          %add3A_479 = arith.addi %mul3A_354, %add3A_478 : i32
          %swap3A_480 = arith.index_cast %add3A_479 : i32 to index
          %swap3A_481 = arith.constant 80 : index
          %swap3A_482 = tpu.vector_load %arg8[%swap3A_480, %swap3A_481] {strides = array<i32>} : memref<64x128xf32, #tpu.memory_space<vmem>>, vector<16xf32>,
          tpu.vector_store %arg8[%swap3A_480, %swap3A_481], %mul3A_477 {strides = array<i32>} : memref<64x128xf32, #tpu.memory_space<vmem>>, vector<16xf32>,
          %add3A_483 = arith.constant 1 : i32
          %add3A_484 = arith.addi %mul3A_354, %add3A_483 : i32
          %get3A_485 = arith.index_cast %add3A_484 : i32 to index
          %get3A_486 = arith.constant 96 : index
          %get3A_487 = tpu.vector_load %arg8[%get3A_485, %get3A_486] {strides = array<i32>} : memref<64x128xf32, #tpu.memory_space<vmem>>, vector<16xf32>,
          %mul3A_488 = arith.mulf %get3A_487, %gather3A_360 : vector<16xf32>
          %add3A_489 = arith.constant 1 : i32
          %add3A_490 = arith.addi %mul3A_354, %add3A_489 : i32
          %swap3A_491 = arith.index_cast %add3A_490 : i32 to index
          %swap3A_492 = arith.constant 96 : index
          %swap3A_493 = tpu.vector_load %arg8[%swap3A_491, %swap3A_492] {strides = array<i32>} : memref<64x128xf32, #tpu.memory_space<vmem>>, vector<16xf32>,
          tpu.vector_store %arg8[%swap3A_491, %swap3A_492], %mul3A_488 {strides = array<i32>} : memref<64x128xf32, #tpu.memory_space<vmem>>, vector<16xf32>,
          %add3A_494 = arith.constant 1 : i32
          %add3A_495 = arith.addi %mul3A_354, %add3A_494 : i32
          %get3A_496 = arith.index_cast %add3A_495 : i32 to index
          %get3A_497 = arith.constant 112 : index
          %get3A_498 = tpu.vector_load %arg8[%get3A_496, %get3A_497] {strides = array<i32>} : memref<64x128xf32, #tpu.memory_space<vmem>>, vector<16xf32>,
          %mul3A_499 = arith.mulf %get3A_498, %gather3A_360 : vector<16xf32>
          %add3A_500 = arith.constant 1 : i32
          %add3A_501 = arith.addi %mul3A_354, %add3A_500 : i32
          %swap3A_502 = arith.index_cast %add3A_501 : i32 to index
          %swap3A_503 = arith.constant 112 : index
          %swap3A_504 = tpu.vector_load %arg8[%swap3A_502, %swap3A_503] {strides = array<i32>} : memref<64x128xf32, #tpu.memory_space<vmem>>, vector<16xf32>,
          tpu.vector_store %arg8[%swap3A_502, %swap3A_503], %mul3A_499 {strides = array<i32>} : memref<64x128xf32, #tpu.memory_space<vmem>>, vector<16xf32>,
          %scan3A_505 = arith.constant 0 : i32
          scf.yield %scan3A_505 : i32
        }
        %scan3A_347 = arith.constant 32 : i32
        %dma_start3A_348 = arith.constant 0 : i32
        %dma_start3A_349 = arith.constant 0 : i32
        %dma_start3A_350 = tpu.memref_slice %arg24[%dma_start3A_348, %dma_start3A_349] : memref<10240x128xf32, #tpu.memory_space<vmem_shared>> -> memref<10240x128xf32, #tpu.memory_space<vmem_shared>>
        tpu.enqueue_indirect_dma source(%arg8 : memref<64x128xf32, #tpu.memory_space<vmem>>) target(%dma_start3A_350 : memref<10240x128xf32, #tpu.memory_space<vmem_shared>>) offsets(%arg15 : memref<64xi32, #tpu.memory_space<vmem>>) semaphore(%arg21 : memref<!tpu.dma_semaphore, #tpu.memory_space<semaphore_mem>>) {add = true}
      } else {
      }
      %eq3A_174 = arith.constant 1 : i32
      %eq3A_175 = arith.cmpi eq, %rem3A_170, %eq3A_174 : i32
      %convert_element_type3A_176 = arith.extui %eq3A_175 : i1 to i32
      %cond3A_177 = arith.constant 0 : i32
      %cond3A_178 = arith.cmpi ne, %convert_element_type3A_176, %cond3A_177 : i32
      scf.if %cond3A_178 {
        %gt3A = arith.constant 0 : i32
        %gt3A_185 = arith.cmpi sgt, %while3A_168, %gt3A : i32
        %convert_element_type3A_186 = arith.extui %gt3A_185 : i1 to i32
        %cond3A_187 = arith.constant 0 : i32
        %cond3A_188 = arith.cmpi ne, %convert_element_type3A_186, %cond3A_187 : i32
        scf.if %cond3A_188 {
          %dma_wait3A_351 = arith.constant 0 : i32
          %dma_wait3A_352 = arith.constant 0 : i32
          %dma_wait3A_353 = tpu.memref_slice %arg24[%dma_wait3A_351, %dma_wait3A_352] : memref<10240x128xf32, #tpu.memory_space<vmem_shared>> -> memref<10240x128xf32, #tpu.memory_space<vmem_shared>>
          tpu.wait_indirect_dma semaphore(%arg21 : memref<!tpu.dma_semaphore, #tpu.memory_space<semaphore_mem>>) src(%arg8 : memref<64x128xf32, #tpu.memory_space<vmem>>) dst(%dma_wait3A_353 : memref<10240x128xf32, #tpu.memory_space<vmem_shared>>)
        } else {
        }
        %add3A_189 = arith.constant 2 : i32
        %add3A_190 = arith.addi %while3A_168, %add3A_189 : i32
        %lt3A = arith.cmpi slt, %add3A_190, %select_n3A : i32
        %convert_element_type3A_191 = arith.extui %lt3A : i1 to i32
        %cond3A_192 = arith.constant 0 : i32
        %cond3A_193 = arith.cmpi ne, %convert_element_type3A_191, %cond3A_192 : i32
        scf.if %cond3A_193 {
          %add3A_351 = arith.constant 2 : i32
          %add3A_352 = arith.addi %while3A_168, %add3A_351 : i32
          %mul3A_353 = arith.constant 64 : i32
          %mul3A_354 = arith.muli %add3A_352, %mul3A_353 : i32
          %multiple_of3A_355 = tpu.assume_multiple %mul3A_354, 8 : i32
          %add3A_356 = arith.constant 0 : i32
          %add3A_357 = arith.addi %multiple_of3A_355, %add3A_356 : i32
          %get3A_358 = arith.index_cast %add3A_357 : i32 to index
          %get3A_359 = tpu.vector_load %arg6[%get3A_358] {strides = array<i32>} : memref<11200xi32, #tpu.memory_space<vmem>>, vector<16xi32>,
          %and3A_360 = arith.constant 65535 : i32
          %and3A_361 = vector.broadcast %and3A_360 : i32 to vector<16xi32>
          %and3A_362 = arith.andi %get3A_359, %and3A_361 : vector<16xi32>
          %swap3A_363 = arith.constant 0 : index
          %swap3A_364 = tpu.vector_load %arg12[%swap3A_363] {strides = array<i32>} : memref<64xi32, #tpu.memory_space<vmem>>, vector<16xi32>,
          tpu.vector_store %arg12[%swap3A_363], %and3A_362 {strides = array<i32>} : memref<64xi32, #tpu.memory_space<vmem>>, vector<16xi32>,
          %shift_right_logical3A_365 = arith.constant 16 : i32
          %shift_right_logical3A_366 = vector.broadcast %shift_right_logical3A_365 : i32 to vector<16xi32>
          %shift_right_logical3A_367 = arith.shrui %get3A_359, %shift_right_logical3A_366 : vector<16xi32>
          %swap3A_368 = arith.constant 0 : index
          %swap3A_369 = tpu.vector_load %arg15[%swap3A_368] {strides = array<i32>} : memref<64xi32, #tpu.memory_space<vmem>>, vector<16xi32>,
          tpu.vector_store %arg15[%swap3A_368], %shift_right_logical3A_367 {strides = array<i32>} : memref<64xi32, #tpu.memory_space<vmem>>, vector<16xi32>,
          %add3A_370 = arith.constant 16 : i32
          %add3A_371 = arith.addi %multiple_of3A_355, %add3A_370 : i32
          %get3A_372 = arith.index_cast %add3A_371 : i32 to index
          %get3A_373 = tpu.vector_load %arg6[%get3A_372] {strides = array<i32>} : memref<11200xi32, #tpu.memory_space<vmem>>, vector<16xi32>,
          %and3A_374 = arith.constant 65535 : i32
          %and3A_375 = vector.broadcast %and3A_374 : i32 to vector<16xi32>
          %and3A_376 = arith.andi %get3A_373, %and3A_375 : vector<16xi32>
          %swap3A_377 = arith.constant 16 : index
          %swap3A_378 = tpu.vector_load %arg12[%swap3A_377] {strides = array<i32>} : memref<64xi32, #tpu.memory_space<vmem>>, vector<16xi32>,
          tpu.vector_store %arg12[%swap3A_377], %and3A_376 {strides = array<i32>} : memref<64xi32, #tpu.memory_space<vmem>>, vector<16xi32>,
          %shift_right_logical3A_379 = arith.constant 16 : i32
          %shift_right_logical3A_380 = vector.broadcast %shift_right_logical3A_379 : i32 to vector<16xi32>
          %shift_right_logical3A_381 = arith.shrui %get3A_373, %shift_right_logical3A_380 : vector<16xi32>
          %swap3A_382 = arith.constant 16 : index
          %swap3A_383 = tpu.vector_load %arg15[%swap3A_382] {strides = array<i32>} : memref<64xi32, #tpu.memory_space<vmem>>, vector<16xi32>,
          tpu.vector_store %arg15[%swap3A_382], %shift_right_logical3A_381 {strides = array<i32>} : memref<64xi32, #tpu.memory_space<vmem>>, vector<16xi32>,
          %add3A_384 = arith.constant 32 : i32
          %add3A_385 = arith.addi %multiple_of3A_355, %add3A_384 : i32
          %get3A_386 = arith.index_cast %add3A_385 : i32 to index
          %get3A_387 = tpu.vector_load %arg6[%get3A_386] {strides = array<i32>} : memref<11200xi32, #tpu.memory_space<vmem>>, vector<16xi32>,
          %and3A_388 = arith.constant 65535 : i32
          %and3A_389 = vector.broadcast %and3A_388 : i32 to vector<16xi32>
          %and3A_390 = arith.andi %get3A_387, %and3A_389 : vector<16xi32>
          %swap3A_391 = arith.constant 32 : index
          %swap3A_392 = tpu.vector_load %arg12[%swap3A_391] {strides = array<i32>} : memref<64xi32, #tpu.memory_space<vmem>>, vector<16xi32>,
          tpu.vector_store %arg12[%swap3A_391], %and3A_390 {strides = array<i32>} : memref<64xi32, #tpu.memory_space<vmem>>, vector<16xi32>,
          %shift_right_logical3A_393 = arith.constant 16 : i32
          %shift_right_logical3A_394 = vector.broadcast %shift_right_logical3A_393 : i32 to vector<16xi32>
          %shift_right_logical3A_395 = arith.shrui %get3A_387, %shift_right_logical3A_394 : vector<16xi32>
          %swap3A_396 = arith.constant 32 : index
          %swap3A_397 = tpu.vector_load %arg15[%swap3A_396] {strides = array<i32>} : memref<64xi32, #tpu.memory_space<vmem>>, vector<16xi32>,
          tpu.vector_store %arg15[%swap3A_396], %shift_right_logical3A_395 {strides = array<i32>} : memref<64xi32, #tpu.memory_space<vmem>>, vector<16xi32>,
          %add3A_398 = arith.constant 48 : i32
          %add3A_399 = arith.addi %multiple_of3A_355, %add3A_398 : i32
          %get3A_400 = arith.index_cast %add3A_399 : i32 to index
          %get3A_401 = tpu.vector_load %arg6[%get3A_400] {strides = array<i32>} : memref<11200xi32, #tpu.memory_space<vmem>>, vector<16xi32>,
          %and3A_402 = arith.constant 65535 : i32
          %and3A_403 = vector.broadcast %and3A_402 : i32 to vector<16xi32>
          %and3A_404 = arith.andi %get3A_401, %and3A_403 : vector<16xi32>
          %swap3A_405 = arith.constant 48 : index
          %swap3A_406 = tpu.vector_load %arg12[%swap3A_405] {strides = array<i32>} : memref<64xi32, #tpu.memory_space<vmem>>, vector<16xi32>,
          tpu.vector_store %arg12[%swap3A_405], %and3A_404 {strides = array<i32>} : memref<64xi32, #tpu.memory_space<vmem>>, vector<16xi32>,
          %shift_right_logical3A_407 = arith.constant 16 : i32
          %shift_right_logical3A_408 = vector.broadcast %shift_right_logical3A_407 : i32 to vector<16xi32>
          %shift_right_logical3A_409 = arith.shrui %get3A_401, %shift_right_logical3A_408 : vector<16xi32>
          %swap3A_410 = arith.constant 48 : index
          %swap3A_411 = tpu.vector_load %arg15[%swap3A_410] {strides = array<i32>} : memref<64xi32, #tpu.memory_space<vmem>>, vector<16xi32>,
          tpu.vector_store %arg15[%swap3A_410], %shift_right_logical3A_409 {strides = array<i32>} : memref<64xi32, #tpu.memory_space<vmem>>, vector<16xi32>,
          %dma_start3A_412 = arith.constant 0 : i32
          %dma_start3A_413 = arith.constant 0 : i32
          %dma_start3A_414 = tpu.memref_slice %arg4[%dma_start3A_412, %dma_start3A_413] : memref<10000x128xf32, #tpu.memory_space<hbm>> -> memref<10000x128xf32, #tpu.memory_space<hbm>>
          tpu.enqueue_indirect_dma source(%dma_start3A_414 : memref<10000x128xf32, #tpu.memory_space<hbm>>) target(%arg8 : memref<64x128xf32, #tpu.memory_space<vmem>>) offsets(%arg12 : memref<64xi32, #tpu.memory_space<vmem>>) semaphore(%arg18 : memref<!tpu.dma_semaphore, #tpu.memory_space<semaphore_mem>>)
        } else {
        }
        %dma_wait3A_194 = arith.constant 0 : i32
        %dma_wait3A_195 = arith.constant 0 : i32
        %dma_wait3A_196 = tpu.memref_slice %arg4[%dma_wait3A_194, %dma_wait3A_195] : memref<10000x128xf32, #tpu.memory_space<hbm>> -> memref<10000x128xf32, #tpu.memory_space<hbm>>
        tpu.wait_indirect_dma semaphore(%arg19 : memref<!tpu.dma_semaphore, #tpu.memory_space<semaphore_mem>>) src(%dma_wait3A_196 : memref<10000x128xf32, #tpu.memory_space<hbm>>) dst(%arg9 : memref<64x128xf32, #tpu.memory_space<vmem>>)
        %get3A_197 = arith.constant 0 : index
        %get3A_198 = tpu.vector_load %arg13[%get3A_197] {strides = array<i32>} : memref<64xi32, #tpu.memory_space<vmem>>, vector<16xi32>,
        %get3A_199 = arith.constant 0 : index
        %get3A_200 = tpu.vector_load %arg16[%get3A_199] {strides = array<i32>} : memref<64xi32, #tpu.memory_space<vmem>>, vector<16xi32>,
        %gather3A = tpu.vector_load_idx %arg7[%get3A_200] : memref<10000xi32, #tpu.memory_space<vmem>>[vector<16xi32>], vector<16xi32>,
        %gather3A_201 = tpu.vector_load_idx %arg7[%get3A_198] : memref<10000xi32, #tpu.memory_space<vmem>>[vector<16xi32>], vector<16xi32>,
        %and3A_202 = arith.constant -65536 : i32
        %and3A_203 = vector.broadcast %and3A_202 : i32 to vector<16xi32>
        %and3A_204 = arith.andi %gather3A, %and3A_203 : vector<16xi32>
        %bitcast3A = vector.bitcast %and3A_204 : vector<16xi32> to vector<16xf32>
        %shift_left3A = arith.constant 16 : i32
        %shift_left3A_205 = vector.broadcast %shift_left3A : i32 to vector<16xi32>
        %shift_left3A_206 = arith.shli %gather3A_201, %shift_left3A_205 : vector<16xi32>
        %bitcast3A_207 = vector.bitcast %shift_left3A_206 : vector<16xi32> to vector<16xf32>
        %add3A_208 = arith.addf %bitcast3A, %bitcast3A_207 : vector<16xf32>
        %abs3A = math.absf %add3A_208 : vector<16xf32>
        %mul3A_209 = arith.constant 2.000000e+00 : f32
        %mul3A_210 = vector.broadcast %mul3A_209 : f32 to vector<16xf32>
        %mul3A_211 = arith.mulf %abs3A, %mul3A_210 : vector<16xf32>
        %exp3A = math.exp %mul3A_211 : vector<16xf32>
        %add3A_212 = arith.constant 1.000000e+00 : f32
        %add3A_213 = vector.broadcast %add3A_212 : f32 to vector<16xf32>
        %add3A_214 = arith.addf %exp3A, %add3A_213 : vector<16xf32>
        %div3A = arith.constant 2.000000e+00 : f32
        %div3A_215 = vector.broadcast %div3A : f32 to vector<16xf32>
        %div3A_216 = arith.divf %div3A_215, %add3A_214 : vector<16xf32>
        %sub3A = arith.constant 1.000000e+00 : f32
        %sub3A_217 = vector.broadcast %sub3A : f32 to vector<16xf32>
        %sub3A_218 = arith.subf %sub3A_217, %div3A_216 : vector<16xf32>
        %lt3A_219 = arith.constant 0.000000e+00 : f32
        %lt3A_220 = vector.broadcast %lt3A_219 : f32 to vector<16xf32>
        %lt3A_221 = arith.cmpf olt, %add3A_208, %lt3A_220 : vector<16xf32>
        %neg3A = arith.constant 0.000000e+00 : f32
        %neg3A_222 = vector.broadcast %neg3A : f32 to vector<16xf32>
        %neg3A_223 = arith.subf %neg3A_222, %sub3A_218 : vector<16xf32>
        %select_n3A_224 = arith.select %lt3A_221, %neg3A_223, %sub3A_218 : vector<16xi1>, vector<16xf32>
        %swap3A_225 = arith.constant 0 : index
        %swap3A_226 = tpu.vector_load %arg11[%swap3A_225] {strides = array<i32>} : memref<64xf32, #tpu.memory_space<vmem>>, vector<16xf32>,
        tpu.vector_store %arg11[%swap3A_225], %select_n3A_224 {strides = array<i32>} : memref<64xf32, #tpu.memory_space<vmem>>, vector<16xf32>,
        %get3A_227 = arith.constant 16 : index
        %get3A_228 = tpu.vector_load %arg13[%get3A_227] {strides = array<i32>} : memref<64xi32, #tpu.memory_space<vmem>>, vector<16xi32>,
        %get3A_229 = arith.constant 16 : index
        %get3A_230 = tpu.vector_load %arg16[%get3A_229] {strides = array<i32>} : memref<64xi32, #tpu.memory_space<vmem>>, vector<16xi32>,
        %gather3A_231 = tpu.vector_load_idx %arg7[%get3A_230] : memref<10000xi32, #tpu.memory_space<vmem>>[vector<16xi32>], vector<16xi32>,
        %gather3A_232 = tpu.vector_load_idx %arg7[%get3A_228] : memref<10000xi32, #tpu.memory_space<vmem>>[vector<16xi32>], vector<16xi32>,
        %and3A_233 = arith.constant -65536 : i32
        %and3A_234 = vector.broadcast %and3A_233 : i32 to vector<16xi32>
        %and3A_235 = arith.andi %gather3A_231, %and3A_234 : vector<16xi32>
        %bitcast3A_236 = vector.bitcast %and3A_235 : vector<16xi32> to vector<16xf32>
        %shift_left3A_237 = arith.constant 16 : i32
        %shift_left3A_238 = vector.broadcast %shift_left3A_237 : i32 to vector<16xi32>
        %shift_left3A_239 = arith.shli %gather3A_232, %shift_left3A_238 : vector<16xi32>
        %bitcast3A_240 = vector.bitcast %shift_left3A_239 : vector<16xi32> to vector<16xf32>
        %add3A_241 = arith.addf %bitcast3A_236, %bitcast3A_240 : vector<16xf32>
        %abs3A_242 = math.absf %add3A_241 : vector<16xf32>
        %mul3A_243 = arith.constant 2.000000e+00 : f32
        %mul3A_244 = vector.broadcast %mul3A_243 : f32 to vector<16xf32>
        %mul3A_245 = arith.mulf %abs3A_242, %mul3A_244 : vector<16xf32>
        %exp3A_246 = math.exp %mul3A_245 : vector<16xf32>
        %add3A_247 = arith.constant 1.000000e+00 : f32
        %add3A_248 = vector.broadcast %add3A_247 : f32 to vector<16xf32>
        %add3A_249 = arith.addf %exp3A_246, %add3A_248 : vector<16xf32>
        %div3A_250 = arith.constant 2.000000e+00 : f32
        %div3A_251 = vector.broadcast %div3A_250 : f32 to vector<16xf32>
        %div3A_252 = arith.divf %div3A_251, %add3A_249 : vector<16xf32>
        %sub3A_253 = arith.constant 1.000000e+00 : f32
        %sub3A_254 = vector.broadcast %sub3A_253 : f32 to vector<16xf32>
        %sub3A_255 = arith.subf %sub3A_254, %div3A_252 : vector<16xf32>
        %lt3A_256 = arith.constant 0.000000e+00 : f32
        %lt3A_257 = vector.broadcast %lt3A_256 : f32 to vector<16xf32>
        %lt3A_258 = arith.cmpf olt, %add3A_241, %lt3A_257 : vector<16xf32>
        %neg3A_259 = arith.constant 0.000000e+00 : f32
        %neg3A_260 = vector.broadcast %neg3A_259 : f32 to vector<16xf32>
        %neg3A_261 = arith.subf %neg3A_260, %sub3A_255 : vector<16xf32>
        %select_n3A_262 = arith.select %lt3A_258, %neg3A_261, %sub3A_255 : vector<16xi1>, vector<16xf32>
        %swap3A_263 = arith.constant 16 : index
        %swap3A_264 = tpu.vector_load %arg11[%swap3A_263] {strides = array<i32>} : memref<64xf32, #tpu.memory_space<vmem>>, vector<16xf32>,
        tpu.vector_store %arg11[%swap3A_263], %select_n3A_262 {strides = array<i32>} : memref<64xf32, #tpu.memory_space<vmem>>, vector<16xf32>,
        %get3A_265 = arith.constant 32 : index
        %get3A_266 = tpu.vector_load %arg13[%get3A_265] {strides = array<i32>} : memref<64xi32, #tpu.memory_space<vmem>>, vector<16xi32>,
        %get3A_267 = arith.constant 32 : index
        %get3A_268 = tpu.vector_load %arg16[%get3A_267] {strides = array<i32>} : memref<64xi32, #tpu.memory_space<vmem>>, vector<16xi32>,
        %gather3A_269 = tpu.vector_load_idx %arg7[%get3A_268] : memref<10000xi32, #tpu.memory_space<vmem>>[vector<16xi32>], vector<16xi32>,
        %gather3A_270 = tpu.vector_load_idx %arg7[%get3A_266] : memref<10000xi32, #tpu.memory_space<vmem>>[vector<16xi32>], vector<16xi32>,
        %and3A_271 = arith.constant -65536 : i32
        %and3A_272 = vector.broadcast %and3A_271 : i32 to vector<16xi32>
        %and3A_273 = arith.andi %gather3A_269, %and3A_272 : vector<16xi32>
        %bitcast3A_274 = vector.bitcast %and3A_273 : vector<16xi32> to vector<16xf32>
        %shift_left3A_275 = arith.constant 16 : i32
        %shift_left3A_276 = vector.broadcast %shift_left3A_275 : i32 to vector<16xi32>
        %shift_left3A_277 = arith.shli %gather3A_270, %shift_left3A_276 : vector<16xi32>
        %bitcast3A_278 = vector.bitcast %shift_left3A_277 : vector<16xi32> to vector<16xf32>
        %add3A_279 = arith.addf %bitcast3A_274, %bitcast3A_278 : vector<16xf32>
        %abs3A_280 = math.absf %add3A_279 : vector<16xf32>
        %mul3A_281 = arith.constant 2.000000e+00 : f32
        %mul3A_282 = vector.broadcast %mul3A_281 : f32 to vector<16xf32>
        %mul3A_283 = arith.mulf %abs3A_280, %mul3A_282 : vector<16xf32>
        %exp3A_284 = math.exp %mul3A_283 : vector<16xf32>
        %add3A_285 = arith.constant 1.000000e+00 : f32
        %add3A_286 = vector.broadcast %add3A_285 : f32 to vector<16xf32>
        %add3A_287 = arith.addf %exp3A_284, %add3A_286 : vector<16xf32>
        %div3A_288 = arith.constant 2.000000e+00 : f32
        %div3A_289 = vector.broadcast %div3A_288 : f32 to vector<16xf32>
        %div3A_290 = arith.divf %div3A_289, %add3A_287 : vector<16xf32>
        %sub3A_291 = arith.constant 1.000000e+00 : f32
        %sub3A_292 = vector.broadcast %sub3A_291 : f32 to vector<16xf32>
        %sub3A_293 = arith.subf %sub3A_292, %div3A_290 : vector<16xf32>
        %lt3A_294 = arith.constant 0.000000e+00 : f32
        %lt3A_295 = vector.broadcast %lt3A_294 : f32 to vector<16xf32>
        %lt3A_296 = arith.cmpf olt, %add3A_279, %lt3A_295 : vector<16xf32>
        %neg3A_297 = arith.constant 0.000000e+00 : f32
        %neg3A_298 = vector.broadcast %neg3A_297 : f32 to vector<16xf32>
        %neg3A_299 = arith.subf %neg3A_298, %sub3A_293 : vector<16xf32>
        %select_n3A_300 = arith.select %lt3A_296, %neg3A_299, %sub3A_293 : vector<16xi1>, vector<16xf32>
        %swap3A_301 = arith.constant 32 : index
        %swap3A_302 = tpu.vector_load %arg11[%swap3A_301] {strides = array<i32>} : memref<64xf32, #tpu.memory_space<vmem>>, vector<16xf32>,
        tpu.vector_store %arg11[%swap3A_301], %select_n3A_300 {strides = array<i32>} : memref<64xf32, #tpu.memory_space<vmem>>, vector<16xf32>,
        %get3A_303 = arith.constant 48 : index
        %get3A_304 = tpu.vector_load %arg13[%get3A_303] {strides = array<i32>} : memref<64xi32, #tpu.memory_space<vmem>>, vector<16xi32>,
        %get3A_305 = arith.constant 48 : index
        %get3A_306 = tpu.vector_load %arg16[%get3A_305] {strides = array<i32>} : memref<64xi32, #tpu.memory_space<vmem>>, vector<16xi32>,
        %gather3A_307 = tpu.vector_load_idx %arg7[%get3A_306] : memref<10000xi32, #tpu.memory_space<vmem>>[vector<16xi32>], vector<16xi32>,
        %gather3A_308 = tpu.vector_load_idx %arg7[%get3A_304] : memref<10000xi32, #tpu.memory_space<vmem>>[vector<16xi32>], vector<16xi32>,
        %and3A_309 = arith.constant -65536 : i32
        %and3A_310 = vector.broadcast %and3A_309 : i32 to vector<16xi32>
        %and3A_311 = arith.andi %gather3A_307, %and3A_310 : vector<16xi32>
        %bitcast3A_312 = vector.bitcast %and3A_311 : vector<16xi32> to vector<16xf32>
        %shift_left3A_313 = arith.constant 16 : i32
        %shift_left3A_314 = vector.broadcast %shift_left3A_313 : i32 to vector<16xi32>
        %shift_left3A_315 = arith.shli %gather3A_308, %shift_left3A_314 : vector<16xi32>
        %bitcast3A_316 = vector.bitcast %shift_left3A_315 : vector<16xi32> to vector<16xf32>
        %add3A_317 = arith.addf %bitcast3A_312, %bitcast3A_316 : vector<16xf32>
        %abs3A_318 = math.absf %add3A_317 : vector<16xf32>
        %mul3A_319 = arith.constant 2.000000e+00 : f32
        %mul3A_320 = vector.broadcast %mul3A_319 : f32 to vector<16xf32>
        %mul3A_321 = arith.mulf %abs3A_318, %mul3A_320 : vector<16xf32>
        %exp3A_322 = math.exp %mul3A_321 : vector<16xf32>
        %add3A_323 = arith.constant 1.000000e+00 : f32
        %add3A_324 = vector.broadcast %add3A_323 : f32 to vector<16xf32>
        %add3A_325 = arith.addf %exp3A_322, %add3A_324 : vector<16xf32>
        %div3A_326 = arith.constant 2.000000e+00 : f32
        %div3A_327 = vector.broadcast %div3A_326 : f32 to vector<16xf32>
        %div3A_328 = arith.divf %div3A_327, %add3A_325 : vector<16xf32>
        %sub3A_329 = arith.constant 1.000000e+00 : f32
        %sub3A_330 = vector.broadcast %sub3A_329 : f32 to vector<16xf32>
        %sub3A_331 = arith.subf %sub3A_330, %div3A_328 : vector<16xf32>
        %lt3A_332 = arith.constant 0.000000e+00 : f32
        %lt3A_333 = vector.broadcast %lt3A_332 : f32 to vector<16xf32>
        %lt3A_334 = arith.cmpf olt, %add3A_317, %lt3A_333 : vector<16xf32>
        %neg3A_335 = arith.constant 0.000000e+00 : f32
        %neg3A_336 = vector.broadcast %neg3A_335 : f32 to vector<16xf32>
        %neg3A_337 = arith.subf %neg3A_336, %sub3A_331 : vector<16xf32>
        %select_n3A_338 = arith.select %lt3A_334, %neg3A_337, %sub3A_331 : vector<16xi1>, vector<16xf32>
        %swap3A_339 = arith.constant 48 : index
        %swap3A_340 = tpu.vector_load %arg11[%swap3A_339] {strides = array<i32>} : memref<64xf32, #tpu.memory_space<vmem>>, vector<16xf32>,
        tpu.vector_store %arg11[%swap3A_339], %select_n3A_338 {strides = array<i32>} : memref<64xf32, #tpu.memory_space<vmem>>, vector<16xf32>,
        %scan3A_341 = arith.constant 0 : i32
        %scan3A_342 = arith.constant 0 : i32
        %scan3A_343 = arith.constant 32 : i32
        %scan3A_344 = arith.addi %scan3A_342, %scan3A_343 : i32
        %scan3A_345 = arith.constant 1 : i32
        %scan3A_346 = scf.for %scan3A_351 = %scan3A_342 to %scan3A_344 step %scan3A_345 iter_args(%scan3A_352 = %scan3A_341) -> (i32)  : i32 {
          %mul3A_353 = arith.constant 2 : i32
          %mul3A_354 = arith.muli %scan3A_351, %mul3A_353 : i32
          %broadcast_in_dim3A_355 = vector.broadcast %mul3A_354 : i32 to vector<16xi32>
          %gather3A_356 = tpu.vector_load_idx %arg11[%broadcast_in_dim3A_355] : memref<64xf32, #tpu.memory_space<vmem>>[vector<16xi32>], vector<16xf32>,
          %add3A_357 = arith.constant 1 : i32
          %add3A_358 = arith.addi %mul3A_354, %add3A_357 : i32
          %broadcast_in_dim3A_359 = vector.broadcast %add3A_358 : i32 to vector<16xi32>
          %gather3A_360 = tpu.vector_load_idx %arg11[%broadcast_in_dim3A_359] : memref<64xf32, #tpu.memory_space<vmem>>[vector<16xi32>], vector<16xf32>,
          %get3A_361 = arith.index_cast %mul3A_354 : i32 to index
          %get3A_362 = arith.constant 0 : index
          %get3A_363 = tpu.vector_load %arg9[%get3A_361, %get3A_362] {strides = array<i32>} : memref<64x128xf32, #tpu.memory_space<vmem>>, vector<16xf32>,
          %mul3A_364 = arith.mulf %get3A_363, %gather3A_356 : vector<16xf32>
          %swap3A_365 = arith.index_cast %mul3A_354 : i32 to index
          %swap3A_366 = arith.constant 0 : index
          %swap3A_367 = tpu.vector_load %arg9[%swap3A_365, %swap3A_366] {strides = array<i32>} : memref<64x128xf32, #tpu.memory_space<vmem>>, vector<16xf32>,
          tpu.vector_store %arg9[%swap3A_365, %swap3A_366], %mul3A_364 {strides = array<i32>} : memref<64x128xf32, #tpu.memory_space<vmem>>, vector<16xf32>,
          %get3A_368 = arith.index_cast %mul3A_354 : i32 to index
          %get3A_369 = arith.constant 16 : index
          %get3A_370 = tpu.vector_load %arg9[%get3A_368, %get3A_369] {strides = array<i32>} : memref<64x128xf32, #tpu.memory_space<vmem>>, vector<16xf32>,
          %mul3A_371 = arith.mulf %get3A_370, %gather3A_356 : vector<16xf32>
          %swap3A_372 = arith.index_cast %mul3A_354 : i32 to index
          %swap3A_373 = arith.constant 16 : index
          %swap3A_374 = tpu.vector_load %arg9[%swap3A_372, %swap3A_373] {strides = array<i32>} : memref<64x128xf32, #tpu.memory_space<vmem>>, vector<16xf32>,
          tpu.vector_store %arg9[%swap3A_372, %swap3A_373], %mul3A_371 {strides = array<i32>} : memref<64x128xf32, #tpu.memory_space<vmem>>, vector<16xf32>,
          %get3A_375 = arith.index_cast %mul3A_354 : i32 to index
          %get3A_376 = arith.constant 32 : index
          %get3A_377 = tpu.vector_load %arg9[%get3A_375, %get3A_376] {strides = array<i32>} : memref<64x128xf32, #tpu.memory_space<vmem>>, vector<16xf32>,
          %mul3A_378 = arith.mulf %get3A_377, %gather3A_356 : vector<16xf32>
          %swap3A_379 = arith.index_cast %mul3A_354 : i32 to index
          %swap3A_380 = arith.constant 32 : index
          %swap3A_381 = tpu.vector_load %arg9[%swap3A_379, %swap3A_380] {strides = array<i32>} : memref<64x128xf32, #tpu.memory_space<vmem>>, vector<16xf32>,
          tpu.vector_store %arg9[%swap3A_379, %swap3A_380], %mul3A_378 {strides = array<i32>} : memref<64x128xf32, #tpu.memory_space<vmem>>, vector<16xf32>,
          %get3A_382 = arith.index_cast %mul3A_354 : i32 to index
          %get3A_383 = arith.constant 48 : index
          %get3A_384 = tpu.vector_load %arg9[%get3A_382, %get3A_383] {strides = array<i32>} : memref<64x128xf32, #tpu.memory_space<vmem>>, vector<16xf32>,
          %mul3A_385 = arith.mulf %get3A_384, %gather3A_356 : vector<16xf32>
          %swap3A_386 = arith.index_cast %mul3A_354 : i32 to index
          %swap3A_387 = arith.constant 48 : index
          %swap3A_388 = tpu.vector_load %arg9[%swap3A_386, %swap3A_387] {strides = array<i32>} : memref<64x128xf32, #tpu.memory_space<vmem>>, vector<16xf32>,
          tpu.vector_store %arg9[%swap3A_386, %swap3A_387], %mul3A_385 {strides = array<i32>} : memref<64x128xf32, #tpu.memory_space<vmem>>, vector<16xf32>,
          %get3A_389 = arith.index_cast %mul3A_354 : i32 to index
          %get3A_390 = arith.constant 64 : index
          %get3A_391 = tpu.vector_load %arg9[%get3A_389, %get3A_390] {strides = array<i32>} : memref<64x128xf32, #tpu.memory_space<vmem>>, vector<16xf32>,
          %mul3A_392 = arith.mulf %get3A_391, %gather3A_356 : vector<16xf32>
          %swap3A_393 = arith.index_cast %mul3A_354 : i32 to index
          %swap3A_394 = arith.constant 64 : index
          %swap3A_395 = tpu.vector_load %arg9[%swap3A_393, %swap3A_394] {strides = array<i32>} : memref<64x128xf32, #tpu.memory_space<vmem>>, vector<16xf32>,
          tpu.vector_store %arg9[%swap3A_393, %swap3A_394], %mul3A_392 {strides = array<i32>} : memref<64x128xf32, #tpu.memory_space<vmem>>, vector<16xf32>,
          %get3A_396 = arith.index_cast %mul3A_354 : i32 to index
          %get3A_397 = arith.constant 80 : index
          %get3A_398 = tpu.vector_load %arg9[%get3A_396, %get3A_397] {strides = array<i32>} : memref<64x128xf32, #tpu.memory_space<vmem>>, vector<16xf32>,
          %mul3A_399 = arith.mulf %get3A_398, %gather3A_356 : vector<16xf32>
          %swap3A_400 = arith.index_cast %mul3A_354 : i32 to index
          %swap3A_401 = arith.constant 80 : index
          %swap3A_402 = tpu.vector_load %arg9[%swap3A_400, %swap3A_401] {strides = array<i32>} : memref<64x128xf32, #tpu.memory_space<vmem>>, vector<16xf32>,
          tpu.vector_store %arg9[%swap3A_400, %swap3A_401], %mul3A_399 {strides = array<i32>} : memref<64x128xf32, #tpu.memory_space<vmem>>, vector<16xf32>,
          %get3A_403 = arith.index_cast %mul3A_354 : i32 to index
          %get3A_404 = arith.constant 96 : index
          %get3A_405 = tpu.vector_load %arg9[%get3A_403, %get3A_404] {strides = array<i32>} : memref<64x128xf32, #tpu.memory_space<vmem>>, vector<16xf32>,
          %mul3A_406 = arith.mulf %get3A_405, %gather3A_356 : vector<16xf32>
          %swap3A_407 = arith.index_cast %mul3A_354 : i32 to index
          %swap3A_408 = arith.constant 96 : index
          %swap3A_409 = tpu.vector_load %arg9[%swap3A_407, %swap3A_408] {strides = array<i32>} : memref<64x128xf32, #tpu.memory_space<vmem>>, vector<16xf32>,
          tpu.vector_store %arg9[%swap3A_407, %swap3A_408], %mul3A_406 {strides = array<i32>} : memref<64x128xf32, #tpu.memory_space<vmem>>, vector<16xf32>,
          %get3A_410 = arith.index_cast %mul3A_354 : i32 to index
          %get3A_411 = arith.constant 112 : index
          %get3A_412 = tpu.vector_load %arg9[%get3A_410, %get3A_411] {strides = array<i32>} : memref<64x128xf32, #tpu.memory_space<vmem>>, vector<16xf32>,
          %mul3A_413 = arith.mulf %get3A_412, %gather3A_356 : vector<16xf32>
          %swap3A_414 = arith.index_cast %mul3A_354 : i32 to index
          %swap3A_415 = arith.constant 112 : index
          %swap3A_416 = tpu.vector_load %arg9[%swap3A_414, %swap3A_415] {strides = array<i32>} : memref<64x128xf32, #tpu.memory_space<vmem>>, vector<16xf32>,
          tpu.vector_store %arg9[%swap3A_414, %swap3A_415], %mul3A_413 {strides = array<i32>} : memref<64x128xf32, #tpu.memory_space<vmem>>, vector<16xf32>,
          %add3A_417 = arith.constant 1 : i32
          %add3A_418 = arith.addi %mul3A_354, %add3A_417 : i32
          %get3A_419 = arith.index_cast %add3A_418 : i32 to index
          %get3A_420 = arith.constant 0 : index
          %get3A_421 = tpu.vector_load %arg9[%get3A_419, %get3A_420] {strides = array<i32>} : memref<64x128xf32, #tpu.memory_space<vmem>>, vector<16xf32>,
          %mul3A_422 = arith.mulf %get3A_421, %gather3A_360 : vector<16xf32>
          %add3A_423 = arith.constant 1 : i32
          %add3A_424 = arith.addi %mul3A_354, %add3A_423 : i32
          %swap3A_425 = arith.index_cast %add3A_424 : i32 to index
          %swap3A_426 = arith.constant 0 : index
          %swap3A_427 = tpu.vector_load %arg9[%swap3A_425, %swap3A_426] {strides = array<i32>} : memref<64x128xf32, #tpu.memory_space<vmem>>, vector<16xf32>,
          tpu.vector_store %arg9[%swap3A_425, %swap3A_426], %mul3A_422 {strides = array<i32>} : memref<64x128xf32, #tpu.memory_space<vmem>>, vector<16xf32>,
          %add3A_428 = arith.constant 1 : i32
          %add3A_429 = arith.addi %mul3A_354, %add3A_428 : i32
          %get3A_430 = arith.index_cast %add3A_429 : i32 to index
          %get3A_431 = arith.constant 16 : index
          %get3A_432 = tpu.vector_load %arg9[%get3A_430, %get3A_431] {strides = array<i32>} : memref<64x128xf32, #tpu.memory_space<vmem>>, vector<16xf32>,
          %mul3A_433 = arith.mulf %get3A_432, %gather3A_360 : vector<16xf32>
          %add3A_434 = arith.constant 1 : i32
          %add3A_435 = arith.addi %mul3A_354, %add3A_434 : i32
          %swap3A_436 = arith.index_cast %add3A_435 : i32 to index
          %swap3A_437 = arith.constant 16 : index
          %swap3A_438 = tpu.vector_load %arg9[%swap3A_436, %swap3A_437] {strides = array<i32>} : memref<64x128xf32, #tpu.memory_space<vmem>>, vector<16xf32>,
          tpu.vector_store %arg9[%swap3A_436, %swap3A_437], %mul3A_433 {strides = array<i32>} : memref<64x128xf32, #tpu.memory_space<vmem>>, vector<16xf32>,
          %add3A_439 = arith.constant 1 : i32
          %add3A_440 = arith.addi %mul3A_354, %add3A_439 : i32
          %get3A_441 = arith.index_cast %add3A_440 : i32 to index
          %get3A_442 = arith.constant 32 : index
          %get3A_443 = tpu.vector_load %arg9[%get3A_441, %get3A_442] {strides = array<i32>} : memref<64x128xf32, #tpu.memory_space<vmem>>, vector<16xf32>,
          %mul3A_444 = arith.mulf %get3A_443, %gather3A_360 : vector<16xf32>
          %add3A_445 = arith.constant 1 : i32
          %add3A_446 = arith.addi %mul3A_354, %add3A_445 : i32
          %swap3A_447 = arith.index_cast %add3A_446 : i32 to index
          %swap3A_448 = arith.constant 32 : index
          %swap3A_449 = tpu.vector_load %arg9[%swap3A_447, %swap3A_448] {strides = array<i32>} : memref<64x128xf32, #tpu.memory_space<vmem>>, vector<16xf32>,
          tpu.vector_store %arg9[%swap3A_447, %swap3A_448], %mul3A_444 {strides = array<i32>} : memref<64x128xf32, #tpu.memory_space<vmem>>, vector<16xf32>,
          %add3A_450 = arith.constant 1 : i32
          %add3A_451 = arith.addi %mul3A_354, %add3A_450 : i32
          %get3A_452 = arith.index_cast %add3A_451 : i32 to index
          %get3A_453 = arith.constant 48 : index
          %get3A_454 = tpu.vector_load %arg9[%get3A_452, %get3A_453] {strides = array<i32>} : memref<64x128xf32, #tpu.memory_space<vmem>>, vector<16xf32>,
          %mul3A_455 = arith.mulf %get3A_454, %gather3A_360 : vector<16xf32>
          %add3A_456 = arith.constant 1 : i32
          %add3A_457 = arith.addi %mul3A_354, %add3A_456 : i32
          %swap3A_458 = arith.index_cast %add3A_457 : i32 to index
          %swap3A_459 = arith.constant 48 : index
          %swap3A_460 = tpu.vector_load %arg9[%swap3A_458, %swap3A_459] {strides = array<i32>} : memref<64x128xf32, #tpu.memory_space<vmem>>, vector<16xf32>,
          tpu.vector_store %arg9[%swap3A_458, %swap3A_459], %mul3A_455 {strides = array<i32>} : memref<64x128xf32, #tpu.memory_space<vmem>>, vector<16xf32>,
          %add3A_461 = arith.constant 1 : i32
          %add3A_462 = arith.addi %mul3A_354, %add3A_461 : i32
          %get3A_463 = arith.index_cast %add3A_462 : i32 to index
          %get3A_464 = arith.constant 64 : index
          %get3A_465 = tpu.vector_load %arg9[%get3A_463, %get3A_464] {strides = array<i32>} : memref<64x128xf32, #tpu.memory_space<vmem>>, vector<16xf32>,
          %mul3A_466 = arith.mulf %get3A_465, %gather3A_360 : vector<16xf32>
          %add3A_467 = arith.constant 1 : i32
          %add3A_468 = arith.addi %mul3A_354, %add3A_467 : i32
          %swap3A_469 = arith.index_cast %add3A_468 : i32 to index
          %swap3A_470 = arith.constant 64 : index
          %swap3A_471 = tpu.vector_load %arg9[%swap3A_469, %swap3A_470] {strides = array<i32>} : memref<64x128xf32, #tpu.memory_space<vmem>>, vector<16xf32>,
          tpu.vector_store %arg9[%swap3A_469, %swap3A_470], %mul3A_466 {strides = array<i32>} : memref<64x128xf32, #tpu.memory_space<vmem>>, vector<16xf32>,
          %add3A_472 = arith.constant 1 : i32
          %add3A_473 = arith.addi %mul3A_354, %add3A_472 : i32
          %get3A_474 = arith.index_cast %add3A_473 : i32 to index
          %get3A_475 = arith.constant 80 : index
          %get3A_476 = tpu.vector_load %arg9[%get3A_474, %get3A_475] {strides = array<i32>} : memref<64x128xf32, #tpu.memory_space<vmem>>, vector<16xf32>,
          %mul3A_477 = arith.mulf %get3A_476, %gather3A_360 : vector<16xf32>
          %add3A_478 = arith.constant 1 : i32
          %add3A_479 = arith.addi %mul3A_354, %add3A_478 : i32
          %swap3A_480 = arith.index_cast %add3A_479 : i32 to index
          %swap3A_481 = arith.constant 80 : index
          %swap3A_482 = tpu.vector_load %arg9[%swap3A_480, %swap3A_481] {strides = array<i32>} : memref<64x128xf32, #tpu.memory_space<vmem>>, vector<16xf32>,
          tpu.vector_store %arg9[%swap3A_480, %swap3A_481], %mul3A_477 {strides = array<i32>} : memref<64x128xf32, #tpu.memory_space<vmem>>, vector<16xf32>,
          %add3A_483 = arith.constant 1 : i32
          %add3A_484 = arith.addi %mul3A_354, %add3A_483 : i32
          %get3A_485 = arith.index_cast %add3A_484 : i32 to index
          %get3A_486 = arith.constant 96 : index
          %get3A_487 = tpu.vector_load %arg9[%get3A_485, %get3A_486] {strides = array<i32>} : memref<64x128xf32, #tpu.memory_space<vmem>>, vector<16xf32>,
          %mul3A_488 = arith.mulf %get3A_487, %gather3A_360 : vector<16xf32>
          %add3A_489 = arith.constant 1 : i32
          %add3A_490 = arith.addi %mul3A_354, %add3A_489 : i32
          %swap3A_491 = arith.index_cast %add3A_490 : i32 to index
          %swap3A_492 = arith.constant 96 : index
          %swap3A_493 = tpu.vector_load %arg9[%swap3A_491, %swap3A_492] {strides = array<i32>} : memref<64x128xf32, #tpu.memory_space<vmem>>, vector<16xf32>,
          tpu.vector_store %arg9[%swap3A_491, %swap3A_492], %mul3A_488 {strides = array<i32>} : memref<64x128xf32, #tpu.memory_space<vmem>>, vector<16xf32>,
          %add3A_494 = arith.constant 1 : i32
          %add3A_495 = arith.addi %mul3A_354, %add3A_494 : i32
          %get3A_496 = arith.index_cast %add3A_495 : i32 to index
          %get3A_497 = arith.constant 112 : index
          %get3A_498 = tpu.vector_load %arg9[%get3A_496, %get3A_497] {strides = array<i32>} : memref<64x128xf32, #tpu.memory_space<vmem>>, vector<16xf32>,
          %mul3A_499 = arith.mulf %get3A_498, %gather3A_360 : vector<16xf32>
          %add3A_500 = arith.constant 1 : i32
          %add3A_501 = arith.addi %mul3A_354, %add3A_500 : i32
          %swap3A_502 = arith.index_cast %add3A_501 : i32 to index
          %swap3A_503 = arith.constant 112 : index
          %swap3A_504 = tpu.vector_load %arg9[%swap3A_502, %swap3A_503] {strides = array<i32>} : memref<64x128xf32, #tpu.memory_space<vmem>>, vector<16xf32>,
          tpu.vector_store %arg9[%swap3A_502, %swap3A_503], %mul3A_499 {strides = array<i32>} : memref<64x128xf32, #tpu.memory_space<vmem>>, vector<16xf32>,
          %scan3A_505 = arith.constant 0 : i32
          scf.yield %scan3A_505 : i32
        }
        %scan3A_347 = arith.constant 32 : i32
        %dma_start3A_348 = arith.constant 0 : i32
        %dma_start3A_349 = arith.constant 0 : i32
        %dma_start3A_350 = tpu.memref_slice %arg24[%dma_start3A_348, %dma_start3A_349] : memref<10240x128xf32, #tpu.memory_space<vmem_shared>> -> memref<10240x128xf32, #tpu.memory_space<vmem_shared>>
        tpu.enqueue_indirect_dma source(%arg9 : memref<64x128xf32, #tpu.memory_space<vmem>>) target(%dma_start3A_350 : memref<10240x128xf32, #tpu.memory_space<vmem_shared>>) offsets(%arg16 : memref<64xi32, #tpu.memory_space<vmem>>) semaphore(%arg22 : memref<!tpu.dma_semaphore, #tpu.memory_space<semaphore_mem>>) {add = true}
      } else {
      }
      %eq3A_179 = arith.constant 2 : i32
      %eq3A_180 = arith.cmpi eq, %rem3A_170, %eq3A_179 : i32
      %convert_element_type3A_181 = arith.extui %eq3A_180 : i1 to i32
      %cond3A_182 = arith.constant 0 : i32
      %cond3A_183 = arith.cmpi ne, %convert_element_type3A_181, %cond3A_182 : i32
      scf.if %cond3A_183 {
        %gt3A = arith.constant 0 : i32
        %gt3A_185 = arith.cmpi sgt, %while3A_168, %gt3A : i32
        %convert_element_type3A_186 = arith.extui %gt3A_185 : i1 to i32
        %cond3A_187 = arith.constant 0 : i32
        %cond3A_188 = arith.cmpi ne, %convert_element_type3A_186, %cond3A_187 : i32
        scf.if %cond3A_188 {
          %dma_wait3A_351 = arith.constant 0 : i32
          %dma_wait3A_352 = arith.constant 0 : i32
          %dma_wait3A_353 = tpu.memref_slice %arg24[%dma_wait3A_351, %dma_wait3A_352] : memref<10240x128xf32, #tpu.memory_space<vmem_shared>> -> memref<10240x128xf32, #tpu.memory_space<vmem_shared>>
          tpu.wait_indirect_dma semaphore(%arg22 : memref<!tpu.dma_semaphore, #tpu.memory_space<semaphore_mem>>) src(%arg9 : memref<64x128xf32, #tpu.memory_space<vmem>>) dst(%dma_wait3A_353 : memref<10240x128xf32, #tpu.memory_space<vmem_shared>>)
        } else {
        }
        %add3A_189 = arith.constant 2 : i32
        %add3A_190 = arith.addi %while3A_168, %add3A_189 : i32
        %lt3A = arith.cmpi slt, %add3A_190, %select_n3A : i32
        %convert_element_type3A_191 = arith.extui %lt3A : i1 to i32
        %cond3A_192 = arith.constant 0 : i32
        %cond3A_193 = arith.cmpi ne, %convert_element_type3A_191, %cond3A_192 : i32
        scf.if %cond3A_193 {
          %add3A_351 = arith.constant 2 : i32
          %add3A_352 = arith.addi %while3A_168, %add3A_351 : i32
          %mul3A_353 = arith.constant 64 : i32
          %mul3A_354 = arith.muli %add3A_352, %mul3A_353 : i32
          %multiple_of3A_355 = tpu.assume_multiple %mul3A_354, 8 : i32
          %add3A_356 = arith.constant 0 : i32
          %add3A_357 = arith.addi %multiple_of3A_355, %add3A_356 : i32
          %get3A_358 = arith.index_cast %add3A_357 : i32 to index
          %get3A_359 = tpu.vector_load %arg6[%get3A_358] {strides = array<i32>} : memref<11200xi32, #tpu.memory_space<vmem>>, vector<16xi32>,
          %and3A_360 = arith.constant 65535 : i32
          %and3A_361 = vector.broadcast %and3A_360 : i32 to vector<16xi32>
          %and3A_362 = arith.andi %get3A_359, %and3A_361 : vector<16xi32>
          %swap3A_363 = arith.constant 0 : index
          %swap3A_364 = tpu.vector_load %arg13[%swap3A_363] {strides = array<i32>} : memref<64xi32, #tpu.memory_space<vmem>>, vector<16xi32>,
          tpu.vector_store %arg13[%swap3A_363], %and3A_362 {strides = array<i32>} : memref<64xi32, #tpu.memory_space<vmem>>, vector<16xi32>,
          %shift_right_logical3A_365 = arith.constant 16 : i32
          %shift_right_logical3A_366 = vector.broadcast %shift_right_logical3A_365 : i32 to vector<16xi32>
          %shift_right_logical3A_367 = arith.shrui %get3A_359, %shift_right_logical3A_366 : vector<16xi32>
          %swap3A_368 = arith.constant 0 : index
          %swap3A_369 = tpu.vector_load %arg16[%swap3A_368] {strides = array<i32>} : memref<64xi32, #tpu.memory_space<vmem>>, vector<16xi32>,
          tpu.vector_store %arg16[%swap3A_368], %shift_right_logical3A_367 {strides = array<i32>} : memref<64xi32, #tpu.memory_space<vmem>>, vector<16xi32>,
          %add3A_370 = arith.constant 16 : i32
          %add3A_371 = arith.addi %multiple_of3A_355, %add3A_370 : i32
          %get3A_372 = arith.index_cast %add3A_371 : i32 to index
          %get3A_373 = tpu.vector_load %arg6[%get3A_372] {strides = array<i32>} : memref<11200xi32, #tpu.memory_space<vmem>>, vector<16xi32>,
          %and3A_374 = arith.constant 65535 : i32
          %and3A_375 = vector.broadcast %and3A_374 : i32 to vector<16xi32>
          %and3A_376 = arith.andi %get3A_373, %and3A_375 : vector<16xi32>
          %swap3A_377 = arith.constant 16 : index
          %swap3A_378 = tpu.vector_load %arg13[%swap3A_377] {strides = array<i32>} : memref<64xi32, #tpu.memory_space<vmem>>, vector<16xi32>,
          tpu.vector_store %arg13[%swap3A_377], %and3A_376 {strides = array<i32>} : memref<64xi32, #tpu.memory_space<vmem>>, vector<16xi32>,
          %shift_right_logical3A_379 = arith.constant 16 : i32
          %shift_right_logical3A_380 = vector.broadcast %shift_right_logical3A_379 : i32 to vector<16xi32>
          %shift_right_logical3A_381 = arith.shrui %get3A_373, %shift_right_logical3A_380 : vector<16xi32>
          %swap3A_382 = arith.constant 16 : index
          %swap3A_383 = tpu.vector_load %arg16[%swap3A_382] {strides = array<i32>} : memref<64xi32, #tpu.memory_space<vmem>>, vector<16xi32>,
          tpu.vector_store %arg16[%swap3A_382], %shift_right_logical3A_381 {strides = array<i32>} : memref<64xi32, #tpu.memory_space<vmem>>, vector<16xi32>,
          %add3A_384 = arith.constant 32 : i32
          %add3A_385 = arith.addi %multiple_of3A_355, %add3A_384 : i32
          %get3A_386 = arith.index_cast %add3A_385 : i32 to index
          %get3A_387 = tpu.vector_load %arg6[%get3A_386] {strides = array<i32>} : memref<11200xi32, #tpu.memory_space<vmem>>, vector<16xi32>,
          %and3A_388 = arith.constant 65535 : i32
          %and3A_389 = vector.broadcast %and3A_388 : i32 to vector<16xi32>
          %and3A_390 = arith.andi %get3A_387, %and3A_389 : vector<16xi32>
          %swap3A_391 = arith.constant 32 : index
          %swap3A_392 = tpu.vector_load %arg13[%swap3A_391] {strides = array<i32>} : memref<64xi32, #tpu.memory_space<vmem>>, vector<16xi32>,
          tpu.vector_store %arg13[%swap3A_391], %and3A_390 {strides = array<i32>} : memref<64xi32, #tpu.memory_space<vmem>>, vector<16xi32>,
          %shift_right_logical3A_393 = arith.constant 16 : i32
          %shift_right_logical3A_394 = vector.broadcast %shift_right_logical3A_393 : i32 to vector<16xi32>
          %shift_right_logical3A_395 = arith.shrui %get3A_387, %shift_right_logical3A_394 : vector<16xi32>
          %swap3A_396 = arith.constant 32 : index
          %swap3A_397 = tpu.vector_load %arg16[%swap3A_396] {strides = array<i32>} : memref<64xi32, #tpu.memory_space<vmem>>, vector<16xi32>,
          tpu.vector_store %arg16[%swap3A_396], %shift_right_logical3A_395 {strides = array<i32>} : memref<64xi32, #tpu.memory_space<vmem>>, vector<16xi32>,
          %add3A_398 = arith.constant 48 : i32
          %add3A_399 = arith.addi %multiple_of3A_355, %add3A_398 : i32
          %get3A_400 = arith.index_cast %add3A_399 : i32 to index
          %get3A_401 = tpu.vector_load %arg6[%get3A_400] {strides = array<i32>} : memref<11200xi32, #tpu.memory_space<vmem>>, vector<16xi32>,
          %and3A_402 = arith.constant 65535 : i32
          %and3A_403 = vector.broadcast %and3A_402 : i32 to vector<16xi32>
          %and3A_404 = arith.andi %get3A_401, %and3A_403 : vector<16xi32>
          %swap3A_405 = arith.constant 48 : index
          %swap3A_406 = tpu.vector_load %arg13[%swap3A_405] {strides = array<i32>} : memref<64xi32, #tpu.memory_space<vmem>>, vector<16xi32>,
          tpu.vector_store %arg13[%swap3A_405], %and3A_404 {strides = array<i32>} : memref<64xi32, #tpu.memory_space<vmem>>, vector<16xi32>,
          %shift_right_logical3A_407 = arith.constant 16 : i32
          %shift_right_logical3A_408 = vector.broadcast %shift_right_logical3A_407 : i32 to vector<16xi32>
          %shift_right_logical3A_409 = arith.shrui %get3A_401, %shift_right_logical3A_408 : vector<16xi32>
          %swap3A_410 = arith.constant 48 : index
          %swap3A_411 = tpu.vector_load %arg16[%swap3A_410] {strides = array<i32>} : memref<64xi32, #tpu.memory_space<vmem>>, vector<16xi32>,
          tpu.vector_store %arg16[%swap3A_410], %shift_right_logical3A_409 {strides = array<i32>} : memref<64xi32, #tpu.memory_space<vmem>>, vector<16xi32>,
          %dma_start3A_412 = arith.constant 0 : i32
          %dma_start3A_413 = arith.constant 0 : i32
          %dma_start3A_414 = tpu.memref_slice %arg4[%dma_start3A_412, %dma_start3A_413] : memref<10000x128xf32, #tpu.memory_space<hbm>> -> memref<10000x128xf32, #tpu.memory_space<hbm>>
          tpu.enqueue_indirect_dma source(%dma_start3A_414 : memref<10000x128xf32, #tpu.memory_space<hbm>>) target(%arg9 : memref<64x128xf32, #tpu.memory_space<vmem>>) offsets(%arg13 : memref<64xi32, #tpu.memory_space<vmem>>) semaphore(%arg19 : memref<!tpu.dma_semaphore, #tpu.memory_space<semaphore_mem>>)
        } else {
        }
        %dma_wait3A_194 = arith.constant 0 : i32
        %dma_wait3A_195 = arith.constant 0 : i32
        %dma_wait3A_196 = tpu.memref_slice %arg4[%dma_wait3A_194, %dma_wait3A_195] : memref<10000x128xf32, #tpu.memory_space<hbm>> -> memref<10000x128xf32, #tpu.memory_space<hbm>>
        tpu.wait_indirect_dma semaphore(%arg20 : memref<!tpu.dma_semaphore, #tpu.memory_space<semaphore_mem>>) src(%dma_wait3A_196 : memref<10000x128xf32, #tpu.memory_space<hbm>>) dst(%arg10 : memref<64x128xf32, #tpu.memory_space<vmem>>)
        %get3A_197 = arith.constant 0 : index
        %get3A_198 = tpu.vector_load %arg14[%get3A_197] {strides = array<i32>} : memref<64xi32, #tpu.memory_space<vmem>>, vector<16xi32>,
        %get3A_199 = arith.constant 0 : index
        %get3A_200 = tpu.vector_load %arg17[%get3A_199] {strides = array<i32>} : memref<64xi32, #tpu.memory_space<vmem>>, vector<16xi32>,
        %gather3A = tpu.vector_load_idx %arg7[%get3A_200] : memref<10000xi32, #tpu.memory_space<vmem>>[vector<16xi32>], vector<16xi32>,
        %gather3A_201 = tpu.vector_load_idx %arg7[%get3A_198] : memref<10000xi32, #tpu.memory_space<vmem>>[vector<16xi32>], vector<16xi32>,
        %and3A_202 = arith.constant -65536 : i32
        %and3A_203 = vector.broadcast %and3A_202 : i32 to vector<16xi32>
        %and3A_204 = arith.andi %gather3A, %and3A_203 : vector<16xi32>
        %bitcast3A = vector.bitcast %and3A_204 : vector<16xi32> to vector<16xf32>
        %shift_left3A = arith.constant 16 : i32
        %shift_left3A_205 = vector.broadcast %shift_left3A : i32 to vector<16xi32>
        %shift_left3A_206 = arith.shli %gather3A_201, %shift_left3A_205 : vector<16xi32>
        %bitcast3A_207 = vector.bitcast %shift_left3A_206 : vector<16xi32> to vector<16xf32>
        %add3A_208 = arith.addf %bitcast3A, %bitcast3A_207 : vector<16xf32>
        %abs3A = math.absf %add3A_208 : vector<16xf32>
        %mul3A_209 = arith.constant 2.000000e+00 : f32
        %mul3A_210 = vector.broadcast %mul3A_209 : f32 to vector<16xf32>
        %mul3A_211 = arith.mulf %abs3A, %mul3A_210 : vector<16xf32>
        %exp3A = math.exp %mul3A_211 : vector<16xf32>
        %add3A_212 = arith.constant 1.000000e+00 : f32
        %add3A_213 = vector.broadcast %add3A_212 : f32 to vector<16xf32>
        %add3A_214 = arith.addf %exp3A, %add3A_213 : vector<16xf32>
        %div3A = arith.constant 2.000000e+00 : f32
        %div3A_215 = vector.broadcast %div3A : f32 to vector<16xf32>
        %div3A_216 = arith.divf %div3A_215, %add3A_214 : vector<16xf32>
        %sub3A = arith.constant 1.000000e+00 : f32
        %sub3A_217 = vector.broadcast %sub3A : f32 to vector<16xf32>
        %sub3A_218 = arith.subf %sub3A_217, %div3A_216 : vector<16xf32>
        %lt3A_219 = arith.constant 0.000000e+00 : f32
        %lt3A_220 = vector.broadcast %lt3A_219 : f32 to vector<16xf32>
        %lt3A_221 = arith.cmpf olt, %add3A_208, %lt3A_220 : vector<16xf32>
        %neg3A = arith.constant 0.000000e+00 : f32
        %neg3A_222 = vector.broadcast %neg3A : f32 to vector<16xf32>
        %neg3A_223 = arith.subf %neg3A_222, %sub3A_218 : vector<16xf32>
        %select_n3A_224 = arith.select %lt3A_221, %neg3A_223, %sub3A_218 : vector<16xi1>, vector<16xf32>
        %swap3A_225 = arith.constant 0 : index
        %swap3A_226 = tpu.vector_load %arg11[%swap3A_225] {strides = array<i32>} : memref<64xf32, #tpu.memory_space<vmem>>, vector<16xf32>,
        tpu.vector_store %arg11[%swap3A_225], %select_n3A_224 {strides = array<i32>} : memref<64xf32, #tpu.memory_space<vmem>>, vector<16xf32>,
        %get3A_227 = arith.constant 16 : index
        %get3A_228 = tpu.vector_load %arg14[%get3A_227] {strides = array<i32>} : memref<64xi32, #tpu.memory_space<vmem>>, vector<16xi32>,
        %get3A_229 = arith.constant 16 : index
        %get3A_230 = tpu.vector_load %arg17[%get3A_229] {strides = array<i32>} : memref<64xi32, #tpu.memory_space<vmem>>, vector<16xi32>,
        %gather3A_231 = tpu.vector_load_idx %arg7[%get3A_230] : memref<10000xi32, #tpu.memory_space<vmem>>[vector<16xi32>], vector<16xi32>,
        %gather3A_232 = tpu.vector_load_idx %arg7[%get3A_228] : memref<10000xi32, #tpu.memory_space<vmem>>[vector<16xi32>], vector<16xi32>,
        %and3A_233 = arith.constant -65536 : i32
        %and3A_234 = vector.broadcast %and3A_233 : i32 to vector<16xi32>
        %and3A_235 = arith.andi %gather3A_231, %and3A_234 : vector<16xi32>
        %bitcast3A_236 = vector.bitcast %and3A_235 : vector<16xi32> to vector<16xf32>
        %shift_left3A_237 = arith.constant 16 : i32
        %shift_left3A_238 = vector.broadcast %shift_left3A_237 : i32 to vector<16xi32>
        %shift_left3A_239 = arith.shli %gather3A_232, %shift_left3A_238 : vector<16xi32>
        %bitcast3A_240 = vector.bitcast %shift_left3A_239 : vector<16xi32> to vector<16xf32>
        %add3A_241 = arith.addf %bitcast3A_236, %bitcast3A_240 : vector<16xf32>
        %abs3A_242 = math.absf %add3A_241 : vector<16xf32>
        %mul3A_243 = arith.constant 2.000000e+00 : f32
        %mul3A_244 = vector.broadcast %mul3A_243 : f32 to vector<16xf32>
        %mul3A_245 = arith.mulf %abs3A_242, %mul3A_244 : vector<16xf32>
        %exp3A_246 = math.exp %mul3A_245 : vector<16xf32>
        %add3A_247 = arith.constant 1.000000e+00 : f32
        %add3A_248 = vector.broadcast %add3A_247 : f32 to vector<16xf32>
        %add3A_249 = arith.addf %exp3A_246, %add3A_248 : vector<16xf32>
        %div3A_250 = arith.constant 2.000000e+00 : f32
        %div3A_251 = vector.broadcast %div3A_250 : f32 to vector<16xf32>
        %div3A_252 = arith.divf %div3A_251, %add3A_249 : vector<16xf32>
        %sub3A_253 = arith.constant 1.000000e+00 : f32
        %sub3A_254 = vector.broadcast %sub3A_253 : f32 to vector<16xf32>
        %sub3A_255 = arith.subf %sub3A_254, %div3A_252 : vector<16xf32>
        %lt3A_256 = arith.constant 0.000000e+00 : f32
        %lt3A_257 = vector.broadcast %lt3A_256 : f32 to vector<16xf32>
        %lt3A_258 = arith.cmpf olt, %add3A_241, %lt3A_257 : vector<16xf32>
        %neg3A_259 = arith.constant 0.000000e+00 : f32
        %neg3A_260 = vector.broadcast %neg3A_259 : f32 to vector<16xf32>
        %neg3A_261 = arith.subf %neg3A_260, %sub3A_255 : vector<16xf32>
        %select_n3A_262 = arith.select %lt3A_258, %neg3A_261, %sub3A_255 : vector<16xi1>, vector<16xf32>
        %swap3A_263 = arith.constant 16 : index
        %swap3A_264 = tpu.vector_load %arg11[%swap3A_263] {strides = array<i32>} : memref<64xf32, #tpu.memory_space<vmem>>, vector<16xf32>,
        tpu.vector_store %arg11[%swap3A_263], %select_n3A_262 {strides = array<i32>} : memref<64xf32, #tpu.memory_space<vmem>>, vector<16xf32>,
        %get3A_265 = arith.constant 32 : index
        %get3A_266 = tpu.vector_load %arg14[%get3A_265] {strides = array<i32>} : memref<64xi32, #tpu.memory_space<vmem>>, vector<16xi32>,
        %get3A_267 = arith.constant 32 : index
        %get3A_268 = tpu.vector_load %arg17[%get3A_267] {strides = array<i32>} : memref<64xi32, #tpu.memory_space<vmem>>, vector<16xi32>,
        %gather3A_269 = tpu.vector_load_idx %arg7[%get3A_268] : memref<10000xi32, #tpu.memory_space<vmem>>[vector<16xi32>], vector<16xi32>,
        %gather3A_270 = tpu.vector_load_idx %arg7[%get3A_266] : memref<10000xi32, #tpu.memory_space<vmem>>[vector<16xi32>], vector<16xi32>,
        %and3A_271 = arith.constant -65536 : i32
        %and3A_272 = vector.broadcast %and3A_271 : i32 to vector<16xi32>
        %and3A_273 = arith.andi %gather3A_269, %and3A_272 : vector<16xi32>
        %bitcast3A_274 = vector.bitcast %and3A_273 : vector<16xi32> to vector<16xf32>
        %shift_left3A_275 = arith.constant 16 : i32
        %shift_left3A_276 = vector.broadcast %shift_left3A_275 : i32 to vector<16xi32>
        %shift_left3A_277 = arith.shli %gather3A_270, %shift_left3A_276 : vector<16xi32>
        %bitcast3A_278 = vector.bitcast %shift_left3A_277 : vector<16xi32> to vector<16xf32>
        %add3A_279 = arith.addf %bitcast3A_274, %bitcast3A_278 : vector<16xf32>
        %abs3A_280 = math.absf %add3A_279 : vector<16xf32>
        %mul3A_281 = arith.constant 2.000000e+00 : f32
        %mul3A_282 = vector.broadcast %mul3A_281 : f32 to vector<16xf32>
        %mul3A_283 = arith.mulf %abs3A_280, %mul3A_282 : vector<16xf32>
        %exp3A_284 = math.exp %mul3A_283 : vector<16xf32>
        %add3A_285 = arith.constant 1.000000e+00 : f32
        %add3A_286 = vector.broadcast %add3A_285 : f32 to vector<16xf32>
        %add3A_287 = arith.addf %exp3A_284, %add3A_286 : vector<16xf32>
        %div3A_288 = arith.constant 2.000000e+00 : f32
        %div3A_289 = vector.broadcast %div3A_288 : f32 to vector<16xf32>
        %div3A_290 = arith.divf %div3A_289, %add3A_287 : vector<16xf32>
        %sub3A_291 = arith.constant 1.000000e+00 : f32
        %sub3A_292 = vector.broadcast %sub3A_291 : f32 to vector<16xf32>
        %sub3A_293 = arith.subf %sub3A_292, %div3A_290 : vector<16xf32>
        %lt3A_294 = arith.constant 0.000000e+00 : f32
        %lt3A_295 = vector.broadcast %lt3A_294 : f32 to vector<16xf32>
        %lt3A_296 = arith.cmpf olt, %add3A_279, %lt3A_295 : vector<16xf32>
        %neg3A_297 = arith.constant 0.000000e+00 : f32
        %neg3A_298 = vector.broadcast %neg3A_297 : f32 to vector<16xf32>
        %neg3A_299 = arith.subf %neg3A_298, %sub3A_293 : vector<16xf32>
        %select_n3A_300 = arith.select %lt3A_296, %neg3A_299, %sub3A_293 : vector<16xi1>, vector<16xf32>
        %swap3A_301 = arith.constant 32 : index
        %swap3A_302 = tpu.vector_load %arg11[%swap3A_301] {strides = array<i32>} : memref<64xf32, #tpu.memory_space<vmem>>, vector<16xf32>,
        tpu.vector_store %arg11[%swap3A_301], %select_n3A_300 {strides = array<i32>} : memref<64xf32, #tpu.memory_space<vmem>>, vector<16xf32>,
        %get3A_303 = arith.constant 48 : index
        %get3A_304 = tpu.vector_load %arg14[%get3A_303] {strides = array<i32>} : memref<64xi32, #tpu.memory_space<vmem>>, vector<16xi32>,
        %get3A_305 = arith.constant 48 : index
        %get3A_306 = tpu.vector_load %arg17[%get3A_305] {strides = array<i32>} : memref<64xi32, #tpu.memory_space<vmem>>, vector<16xi32>,
        %gather3A_307 = tpu.vector_load_idx %arg7[%get3A_306] : memref<10000xi32, #tpu.memory_space<vmem>>[vector<16xi32>], vector<16xi32>,
        %gather3A_308 = tpu.vector_load_idx %arg7[%get3A_304] : memref<10000xi32, #tpu.memory_space<vmem>>[vector<16xi32>], vector<16xi32>,
        %and3A_309 = arith.constant -65536 : i32
        %and3A_310 = vector.broadcast %and3A_309 : i32 to vector<16xi32>
        %and3A_311 = arith.andi %gather3A_307, %and3A_310 : vector<16xi32>
        %bitcast3A_312 = vector.bitcast %and3A_311 : vector<16xi32> to vector<16xf32>
        %shift_left3A_313 = arith.constant 16 : i32
        %shift_left3A_314 = vector.broadcast %shift_left3A_313 : i32 to vector<16xi32>
        %shift_left3A_315 = arith.shli %gather3A_308, %shift_left3A_314 : vector<16xi32>
        %bitcast3A_316 = vector.bitcast %shift_left3A_315 : vector<16xi32> to vector<16xf32>
        %add3A_317 = arith.addf %bitcast3A_312, %bitcast3A_316 : vector<16xf32>
        %abs3A_318 = math.absf %add3A_317 : vector<16xf32>
        %mul3A_319 = arith.constant 2.000000e+00 : f32
        %mul3A_320 = vector.broadcast %mul3A_319 : f32 to vector<16xf32>
        %mul3A_321 = arith.mulf %abs3A_318, %mul3A_320 : vector<16xf32>
        %exp3A_322 = math.exp %mul3A_321 : vector<16xf32>
        %add3A_323 = arith.constant 1.000000e+00 : f32
        %add3A_324 = vector.broadcast %add3A_323 : f32 to vector<16xf32>
        %add3A_325 = arith.addf %exp3A_322, %add3A_324 : vector<16xf32>
        %div3A_326 = arith.constant 2.000000e+00 : f32
        %div3A_327 = vector.broadcast %div3A_326 : f32 to vector<16xf32>
        %div3A_328 = arith.divf %div3A_327, %add3A_325 : vector<16xf32>
        %sub3A_329 = arith.constant 1.000000e+00 : f32
        %sub3A_330 = vector.broadcast %sub3A_329 : f32 to vector<16xf32>
        %sub3A_331 = arith.subf %sub3A_330, %div3A_328 : vector<16xf32>
        %lt3A_332 = arith.constant 0.000000e+00 : f32
        %lt3A_333 = vector.broadcast %lt3A_332 : f32 to vector<16xf32>
        %lt3A_334 = arith.cmpf olt, %add3A_317, %lt3A_333 : vector<16xf32>
        %neg3A_335 = arith.constant 0.000000e+00 : f32
        %neg3A_336 = vector.broadcast %neg3A_335 : f32 to vector<16xf32>
        %neg3A_337 = arith.subf %neg3A_336, %sub3A_331 : vector<16xf32>
        %select_n3A_338 = arith.select %lt3A_334, %neg3A_337, %sub3A_331 : vector<16xi1>, vector<16xf32>
        %swap3A_339 = arith.constant 48 : index
        %swap3A_340 = tpu.vector_load %arg11[%swap3A_339] {strides = array<i32>} : memref<64xf32, #tpu.memory_space<vmem>>, vector<16xf32>,
        tpu.vector_store %arg11[%swap3A_339], %select_n3A_338 {strides = array<i32>} : memref<64xf32, #tpu.memory_space<vmem>>, vector<16xf32>,
        %scan3A_341 = arith.constant 0 : i32
        %scan3A_342 = arith.constant 0 : i32
        %scan3A_343 = arith.constant 32 : i32
        %scan3A_344 = arith.addi %scan3A_342, %scan3A_343 : i32
        %scan3A_345 = arith.constant 1 : i32
        %scan3A_346 = scf.for %scan3A_351 = %scan3A_342 to %scan3A_344 step %scan3A_345 iter_args(%scan3A_352 = %scan3A_341) -> (i32)  : i32 {
          %mul3A_353 = arith.constant 2 : i32
          %mul3A_354 = arith.muli %scan3A_351, %mul3A_353 : i32
          %broadcast_in_dim3A_355 = vector.broadcast %mul3A_354 : i32 to vector<16xi32>
          %gather3A_356 = tpu.vector_load_idx %arg11[%broadcast_in_dim3A_355] : memref<64xf32, #tpu.memory_space<vmem>>[vector<16xi32>], vector<16xf32>,
          %add3A_357 = arith.constant 1 : i32
          %add3A_358 = arith.addi %mul3A_354, %add3A_357 : i32
          %broadcast_in_dim3A_359 = vector.broadcast %add3A_358 : i32 to vector<16xi32>
          %gather3A_360 = tpu.vector_load_idx %arg11[%broadcast_in_dim3A_359] : memref<64xf32, #tpu.memory_space<vmem>>[vector<16xi32>], vector<16xf32>,
          %get3A_361 = arith.index_cast %mul3A_354 : i32 to index
          %get3A_362 = arith.constant 0 : index
          %get3A_363 = tpu.vector_load %arg10[%get3A_361, %get3A_362] {strides = array<i32>} : memref<64x128xf32, #tpu.memory_space<vmem>>, vector<16xf32>,
          %mul3A_364 = arith.mulf %get3A_363, %gather3A_356 : vector<16xf32>
          %swap3A_365 = arith.index_cast %mul3A_354 : i32 to index
          %swap3A_366 = arith.constant 0 : index
          %swap3A_367 = tpu.vector_load %arg10[%swap3A_365, %swap3A_366] {strides = array<i32>} : memref<64x128xf32, #tpu.memory_space<vmem>>, vector<16xf32>,
          tpu.vector_store %arg10[%swap3A_365, %swap3A_366], %mul3A_364 {strides = array<i32>} : memref<64x128xf32, #tpu.memory_space<vmem>>, vector<16xf32>,
          %get3A_368 = arith.index_cast %mul3A_354 : i32 to index
          %get3A_369 = arith.constant 16 : index
          %get3A_370 = tpu.vector_load %arg10[%get3A_368, %get3A_369] {strides = array<i32>} : memref<64x128xf32, #tpu.memory_space<vmem>>, vector<16xf32>,
          %mul3A_371 = arith.mulf %get3A_370, %gather3A_356 : vector<16xf32>
          %swap3A_372 = arith.index_cast %mul3A_354 : i32 to index
          %swap3A_373 = arith.constant 16 : index
          %swap3A_374 = tpu.vector_load %arg10[%swap3A_372, %swap3A_373] {strides = array<i32>} : memref<64x128xf32, #tpu.memory_space<vmem>>, vector<16xf32>,
          tpu.vector_store %arg10[%swap3A_372, %swap3A_373], %mul3A_371 {strides = array<i32>} : memref<64x128xf32, #tpu.memory_space<vmem>>, vector<16xf32>,
          %get3A_375 = arith.index_cast %mul3A_354 : i32 to index
          %get3A_376 = arith.constant 32 : index
          %get3A_377 = tpu.vector_load %arg10[%get3A_375, %get3A_376] {strides = array<i32>} : memref<64x128xf32, #tpu.memory_space<vmem>>, vector<16xf32>,
          %mul3A_378 = arith.mulf %get3A_377, %gather3A_356 : vector<16xf32>
          %swap3A_379 = arith.index_cast %mul3A_354 : i32 to index
          %swap3A_380 = arith.constant 32 : index
          %swap3A_381 = tpu.vector_load %arg10[%swap3A_379, %swap3A_380] {strides = array<i32>} : memref<64x128xf32, #tpu.memory_space<vmem>>, vector<16xf32>,
          tpu.vector_store %arg10[%swap3A_379, %swap3A_380], %mul3A_378 {strides = array<i32>} : memref<64x128xf32, #tpu.memory_space<vmem>>, vector<16xf32>,
          %get3A_382 = arith.index_cast %mul3A_354 : i32 to index
          %get3A_383 = arith.constant 48 : index
          %get3A_384 = tpu.vector_load %arg10[%get3A_382, %get3A_383] {strides = array<i32>} : memref<64x128xf32, #tpu.memory_space<vmem>>, vector<16xf32>,
          %mul3A_385 = arith.mulf %get3A_384, %gather3A_356 : vector<16xf32>
          %swap3A_386 = arith.index_cast %mul3A_354 : i32 to index
          %swap3A_387 = arith.constant 48 : index
          %swap3A_388 = tpu.vector_load %arg10[%swap3A_386, %swap3A_387] {strides = array<i32>} : memref<64x128xf32, #tpu.memory_space<vmem>>, vector<16xf32>,
          tpu.vector_store %arg10[%swap3A_386, %swap3A_387], %mul3A_385 {strides = array<i32>} : memref<64x128xf32, #tpu.memory_space<vmem>>, vector<16xf32>,
          %get3A_389 = arith.index_cast %mul3A_354 : i32 to index
          %get3A_390 = arith.constant 64 : index
          %get3A_391 = tpu.vector_load %arg10[%get3A_389, %get3A_390] {strides = array<i32>} : memref<64x128xf32, #tpu.memory_space<vmem>>, vector<16xf32>,
          %mul3A_392 = arith.mulf %get3A_391, %gather3A_356 : vector<16xf32>
          %swap3A_393 = arith.index_cast %mul3A_354 : i32 to index
          %swap3A_394 = arith.constant 64 : index
          %swap3A_395 = tpu.vector_load %arg10[%swap3A_393, %swap3A_394] {strides = array<i32>} : memref<64x128xf32, #tpu.memory_space<vmem>>, vector<16xf32>,
          tpu.vector_store %arg10[%swap3A_393, %swap3A_394], %mul3A_392 {strides = array<i32>} : memref<64x128xf32, #tpu.memory_space<vmem>>, vector<16xf32>,
          %get3A_396 = arith.index_cast %mul3A_354 : i32 to index
          %get3A_397 = arith.constant 80 : index
          %get3A_398 = tpu.vector_load %arg10[%get3A_396, %get3A_397] {strides = array<i32>} : memref<64x128xf32, #tpu.memory_space<vmem>>, vector<16xf32>,
          %mul3A_399 = arith.mulf %get3A_398, %gather3A_356 : vector<16xf32>
          %swap3A_400 = arith.index_cast %mul3A_354 : i32 to index
          %swap3A_401 = arith.constant 80 : index
          %swap3A_402 = tpu.vector_load %arg10[%swap3A_400, %swap3A_401] {strides = array<i32>} : memref<64x128xf32, #tpu.memory_space<vmem>>, vector<16xf32>,
          tpu.vector_store %arg10[%swap3A_400, %swap3A_401], %mul3A_399 {strides = array<i32>} : memref<64x128xf32, #tpu.memory_space<vmem>>, vector<16xf32>,
          %get3A_403 = arith.index_cast %mul3A_354 : i32 to index
          %get3A_404 = arith.constant 96 : index
          %get3A_405 = tpu.vector_load %arg10[%get3A_403, %get3A_404] {strides = array<i32>} : memref<64x128xf32, #tpu.memory_space<vmem>>, vector<16xf32>,
          %mul3A_406 = arith.mulf %get3A_405, %gather3A_356 : vector<16xf32>
          %swap3A_407 = arith.index_cast %mul3A_354 : i32 to index
          %swap3A_408 = arith.constant 96 : index
          %swap3A_409 = tpu.vector_load %arg10[%swap3A_407, %swap3A_408] {strides = array<i32>} : memref<64x128xf32, #tpu.memory_space<vmem>>, vector<16xf32>,
          tpu.vector_store %arg10[%swap3A_407, %swap3A_408], %mul3A_406 {strides = array<i32>} : memref<64x128xf32, #tpu.memory_space<vmem>>, vector<16xf32>,
          %get3A_410 = arith.index_cast %mul3A_354 : i32 to index
          %get3A_411 = arith.constant 112 : index
          %get3A_412 = tpu.vector_load %arg10[%get3A_410, %get3A_411] {strides = array<i32>} : memref<64x128xf32, #tpu.memory_space<vmem>>, vector<16xf32>,
          %mul3A_413 = arith.mulf %get3A_412, %gather3A_356 : vector<16xf32>
          %swap3A_414 = arith.index_cast %mul3A_354 : i32 to index
          %swap3A_415 = arith.constant 112 : index
          %swap3A_416 = tpu.vector_load %arg10[%swap3A_414, %swap3A_415] {strides = array<i32>} : memref<64x128xf32, #tpu.memory_space<vmem>>, vector<16xf32>,
          tpu.vector_store %arg10[%swap3A_414, %swap3A_415], %mul3A_413 {strides = array<i32>} : memref<64x128xf32, #tpu.memory_space<vmem>>, vector<16xf32>,
          %add3A_417 = arith.constant 1 : i32
          %add3A_418 = arith.addi %mul3A_354, %add3A_417 : i32
          %get3A_419 = arith.index_cast %add3A_418 : i32 to index
          %get3A_420 = arith.constant 0 : index
          %get3A_421 = tpu.vector_load %arg10[%get3A_419, %get3A_420] {strides = array<i32>} : memref<64x128xf32, #tpu.memory_space<vmem>>, vector<16xf32>,
          %mul3A_422 = arith.mulf %get3A_421, %gather3A_360 : vector<16xf32>
          %add3A_423 = arith.constant 1 : i32
          %add3A_424 = arith.addi %mul3A_354, %add3A_423 : i32
          %swap3A_425 = arith.index_cast %add3A_424 : i32 to index
          %swap3A_426 = arith.constant 0 : index
          %swap3A_427 = tpu.vector_load %arg10[%swap3A_425, %swap3A_426] {strides = array<i32>} : memref<64x128xf32, #tpu.memory_space<vmem>>, vector<16xf32>,
          tpu.vector_store %arg10[%swap3A_425, %swap3A_426], %mul3A_422 {strides = array<i32>} : memref<64x128xf32, #tpu.memory_space<vmem>>, vector<16xf32>,
          %add3A_428 = arith.constant 1 : i32
          %add3A_429 = arith.addi %mul3A_354, %add3A_428 : i32
          %get3A_430 = arith.index_cast %add3A_429 : i32 to index
          %get3A_431 = arith.constant 16 : index
          %get3A_432 = tpu.vector_load %arg10[%get3A_430, %get3A_431] {strides = array<i32>} : memref<64x128xf32, #tpu.memory_space<vmem>>, vector<16xf32>,
          %mul3A_433 = arith.mulf %get3A_432, %gather3A_360 : vector<16xf32>
          %add3A_434 = arith.constant 1 : i32
          %add3A_435 = arith.addi %mul3A_354, %add3A_434 : i32
          %swap3A_436 = arith.index_cast %add3A_435 : i32 to index
          %swap3A_437 = arith.constant 16 : index
          %swap3A_438 = tpu.vector_load %arg10[%swap3A_436, %swap3A_437] {strides = array<i32>} : memref<64x128xf32, #tpu.memory_space<vmem>>, vector<16xf32>,
          tpu.vector_store %arg10[%swap3A_436, %swap3A_437], %mul3A_433 {strides = array<i32>} : memref<64x128xf32, #tpu.memory_space<vmem>>, vector<16xf32>,
          %add3A_439 = arith.constant 1 : i32
          %add3A_440 = arith.addi %mul3A_354, %add3A_439 : i32
          %get3A_441 = arith.index_cast %add3A_440 : i32 to index
          %get3A_442 = arith.constant 32 : index
          %get3A_443 = tpu.vector_load %arg10[%get3A_441, %get3A_442] {strides = array<i32>} : memref<64x128xf32, #tpu.memory_space<vmem>>, vector<16xf32>,
          %mul3A_444 = arith.mulf %get3A_443, %gather3A_360 : vector<16xf32>
          %add3A_445 = arith.constant 1 : i32
          %add3A_446 = arith.addi %mul3A_354, %add3A_445 : i32
          %swap3A_447 = arith.index_cast %add3A_446 : i32 to index
          %swap3A_448 = arith.constant 32 : index
          %swap3A_449 = tpu.vector_load %arg10[%swap3A_447, %swap3A_448] {strides = array<i32>} : memref<64x128xf32, #tpu.memory_space<vmem>>, vector<16xf32>,
          tpu.vector_store %arg10[%swap3A_447, %swap3A_448], %mul3A_444 {strides = array<i32>} : memref<64x128xf32, #tpu.memory_space<vmem>>, vector<16xf32>,
          %add3A_450 = arith.constant 1 : i32
          %add3A_451 = arith.addi %mul3A_354, %add3A_450 : i32
          %get3A_452 = arith.index_cast %add3A_451 : i32 to index
          %get3A_453 = arith.constant 48 : index
          %get3A_454 = tpu.vector_load %arg10[%get3A_452, %get3A_453] {strides = array<i32>} : memref<64x128xf32, #tpu.memory_space<vmem>>, vector<16xf32>,
          %mul3A_455 = arith.mulf %get3A_454, %gather3A_360 : vector<16xf32>
          %add3A_456 = arith.constant 1 : i32
          %add3A_457 = arith.addi %mul3A_354, %add3A_456 : i32
          %swap3A_458 = arith.index_cast %add3A_457 : i32 to index
          %swap3A_459 = arith.constant 48 : index
          %swap3A_460 = tpu.vector_load %arg10[%swap3A_458, %swap3A_459] {strides = array<i32>} : memref<64x128xf32, #tpu.memory_space<vmem>>, vector<16xf32>,
          tpu.vector_store %arg10[%swap3A_458, %swap3A_459], %mul3A_455 {strides = array<i32>} : memref<64x128xf32, #tpu.memory_space<vmem>>, vector<16xf32>,
          %add3A_461 = arith.constant 1 : i32
          %add3A_462 = arith.addi %mul3A_354, %add3A_461 : i32
          %get3A_463 = arith.index_cast %add3A_462 : i32 to index
          %get3A_464 = arith.constant 64 : index
          %get3A_465 = tpu.vector_load %arg10[%get3A_463, %get3A_464] {strides = array<i32>} : memref<64x128xf32, #tpu.memory_space<vmem>>, vector<16xf32>,
          %mul3A_466 = arith.mulf %get3A_465, %gather3A_360 : vector<16xf32>
          %add3A_467 = arith.constant 1 : i32
          %add3A_468 = arith.addi %mul3A_354, %add3A_467 : i32
          %swap3A_469 = arith.index_cast %add3A_468 : i32 to index
          %swap3A_470 = arith.constant 64 : index
          %swap3A_471 = tpu.vector_load %arg10[%swap3A_469, %swap3A_470] {strides = array<i32>} : memref<64x128xf32, #tpu.memory_space<vmem>>, vector<16xf32>,
          tpu.vector_store %arg10[%swap3A_469, %swap3A_470], %mul3A_466 {strides = array<i32>} : memref<64x128xf32, #tpu.memory_space<vmem>>, vector<16xf32>,
          %add3A_472 = arith.constant 1 : i32
          %add3A_473 = arith.addi %mul3A_354, %add3A_472 : i32
          %get3A_474 = arith.index_cast %add3A_473 : i32 to index
          %get3A_475 = arith.constant 80 : index
          %get3A_476 = tpu.vector_load %arg10[%get3A_474, %get3A_475] {strides = array<i32>} : memref<64x128xf32, #tpu.memory_space<vmem>>, vector<16xf32>,
          %mul3A_477 = arith.mulf %get3A_476, %gather3A_360 : vector<16xf32>
          %add3A_478 = arith.constant 1 : i32
          %add3A_479 = arith.addi %mul3A_354, %add3A_478 : i32
          %swap3A_480 = arith.index_cast %add3A_479 : i32 to index
          %swap3A_481 = arith.constant 80 : index
          %swap3A_482 = tpu.vector_load %arg10[%swap3A_480, %swap3A_481] {strides = array<i32>} : memref<64x128xf32, #tpu.memory_space<vmem>>, vector<16xf32>,
          tpu.vector_store %arg10[%swap3A_480, %swap3A_481], %mul3A_477 {strides = array<i32>} : memref<64x128xf32, #tpu.memory_space<vmem>>, vector<16xf32>,
          %add3A_483 = arith.constant 1 : i32
          %add3A_484 = arith.addi %mul3A_354, %add3A_483 : i32
          %get3A_485 = arith.index_cast %add3A_484 : i32 to index
          %get3A_486 = arith.constant 96 : index
          %get3A_487 = tpu.vector_load %arg10[%get3A_485, %get3A_486] {strides = array<i32>} : memref<64x128xf32, #tpu.memory_space<vmem>>, vector<16xf32>,
          %mul3A_488 = arith.mulf %get3A_487, %gather3A_360 : vector<16xf32>
          %add3A_489 = arith.constant 1 : i32
          %add3A_490 = arith.addi %mul3A_354, %add3A_489 : i32
          %swap3A_491 = arith.index_cast %add3A_490 : i32 to index
          %swap3A_492 = arith.constant 96 : index
          %swap3A_493 = tpu.vector_load %arg10[%swap3A_491, %swap3A_492] {strides = array<i32>} : memref<64x128xf32, #tpu.memory_space<vmem>>, vector<16xf32>,
          tpu.vector_store %arg10[%swap3A_491, %swap3A_492], %mul3A_488 {strides = array<i32>} : memref<64x128xf32, #tpu.memory_space<vmem>>, vector<16xf32>,
          %add3A_494 = arith.constant 1 : i32
          %add3A_495 = arith.addi %mul3A_354, %add3A_494 : i32
          %get3A_496 = arith.index_cast %add3A_495 : i32 to index
          %get3A_497 = arith.constant 112 : index
          %get3A_498 = tpu.vector_load %arg10[%get3A_496, %get3A_497] {strides = array<i32>} : memref<64x128xf32, #tpu.memory_space<vmem>>, vector<16xf32>,
          %mul3A_499 = arith.mulf %get3A_498, %gather3A_360 : vector<16xf32>
          %add3A_500 = arith.constant 1 : i32
          %add3A_501 = arith.addi %mul3A_354, %add3A_500 : i32
          %swap3A_502 = arith.index_cast %add3A_501 : i32 to index
          %swap3A_503 = arith.constant 112 : index
          %swap3A_504 = tpu.vector_load %arg10[%swap3A_502, %swap3A_503] {strides = array<i32>} : memref<64x128xf32, #tpu.memory_space<vmem>>, vector<16xf32>,
          tpu.vector_store %arg10[%swap3A_502, %swap3A_503], %mul3A_499 {strides = array<i32>} : memref<64x128xf32, #tpu.memory_space<vmem>>, vector<16xf32>,
          %scan3A_505 = arith.constant 0 : i32
          scf.yield %scan3A_505 : i32
        }
        %scan3A_347 = arith.constant 32 : i32
        %dma_start3A_348 = arith.constant 0 : i32
        %dma_start3A_349 = arith.constant 0 : i32
        %dma_start3A_350 = tpu.memref_slice %arg24[%dma_start3A_348, %dma_start3A_349] : memref<10240x128xf32, #tpu.memory_space<vmem_shared>> -> memref<10240x128xf32, #tpu.memory_space<vmem_shared>>
        tpu.enqueue_indirect_dma source(%arg10 : memref<64x128xf32, #tpu.memory_space<vmem>>) target(%dma_start3A_350 : memref<10240x128xf32, #tpu.memory_space<vmem_shared>>) offsets(%arg17 : memref<64xi32, #tpu.memory_space<vmem>>) semaphore(%arg23 : memref<!tpu.dma_semaphore, #tpu.memory_space<semaphore_mem>>) {add = true}
      } else {
      }
      %while3A_184 = arith.constant 0 : i32
      scf.yield %while3A_184 : i32
    }
    %dma_wait3A = arith.constant 0 : i32
    %dma_wait3A_161 = arith.constant 0 : i32
    %dma_wait3A_162 = tpu.memref_slice %arg24[%dma_wait3A, %dma_wait3A_161] : memref<10240x128xf32, #tpu.memory_space<vmem_shared>> -> memref<10240x128xf32, #tpu.memory_space<vmem_shared>>
    tpu.wait_indirect_dma semaphore(%arg21 : memref<!tpu.dma_semaphore, #tpu.memory_space<semaphore_mem>>) src(%arg8 : memref<64x128xf32, #tpu.memory_space<vmem>>) dst(%dma_wait3A_162 : memref<10240x128xf32, #tpu.memory_space<vmem_shared>>)
    %barrier3A_163 = arith.constant 0 : index
    tpu.barrier barrier_id(%barrier3A_163)
    %mul3A_164 = arith.constant 640 : i32
    %mul3A_165 = arith.muli %arg1, %mul3A_164 : i32
    %mul3A_166 = arith.constant 640 : i32
    %mul3A_167 = arith.muli %arg1, %mul3A_166 : i32
    "tpu.region"() ({
      %run_scoped3A = tpu.sem_alloc : memref<!tpu.dma_semaphore, #tpu.memory_space<semaphore_mem>>
      %dma_start3A_168 = arith.constant 0 : i32
      %dma_start3A_169 = tpu.memref_slice %arg5[%arg0, %mul3A_167, %dma_start3A_168] : memref<2x10240x128xf32, #tpu.memory_space<hbm>> -> memref<1x640x128xf32, #tpu.memory_space<hbm>>
      %dma_start3A_170 = tpu.memref_squeeze %dma_start3A_169 : memref<1x640x128xf32, #tpu.memory_space<hbm>> -> memref<640x128xf32, #tpu.memory_space<hbm>>
      %dma_start3A_171 = arith.constant 0 : i32
      %dma_start3A_172 = tpu.memref_slice %arg24[%mul3A_165, %dma_start3A_171] : memref<10240x128xf32, #tpu.memory_space<vmem_shared>> -> memref<640x128xf32, #tpu.memory_space<vmem_shared>>
      tpu.enqueue_dma source(%dma_start3A_172 : memref<640x128xf32, #tpu.memory_space<vmem_shared>>) target(%dma_start3A_170 : memref<640x128xf32, #tpu.memory_space<hbm>>) target_semaphore(%run_scoped3A : memref<!tpu.dma_semaphore, #tpu.memory_space<semaphore_mem>>)
      %dma_wait3A_173 = arith.constant 0 : i32
      %dma_wait3A_174 = tpu.memref_slice %arg5[%arg0, %mul3A_167, %dma_wait3A_173] : memref<2x10240x128xf32, #tpu.memory_space<hbm>> -> memref<1x640x128xf32, #tpu.memory_space<hbm>>
      %dma_wait3A_175 = tpu.memref_squeeze %dma_wait3A_174 : memref<1x640x128xf32, #tpu.memory_space<hbm>> -> memref<640x128xf32, #tpu.memory_space<hbm>>
      %dma_wait3A_176 = arith.constant 0 : i32
      %dma_wait3A_177 = tpu.memref_slice %arg24[%mul3A_165, %dma_wait3A_176] : memref<10240x128xf32, #tpu.memory_space<vmem_shared>> -> memref<640x128xf32, #tpu.memory_space<vmem_shared>>
      tpu.wait_dma2 semaphore(%run_scoped3A : memref<!tpu.dma_semaphore, #tpu.memory_space<semaphore_mem>>) src(%dma_wait3A_177 : memref<640x128xf32, #tpu.memory_space<vmem_shared>>) dst(%dma_wait3A_175 : memref<640x128xf32, #tpu.memory_space<hbm>>)
      tpu.yield
    }) : () -> ()
    return
  }
}

module attributes {stable_mosaic.version = 14 : i64} {
  func.func @_proj_body(%arg0: memref<10000x128xf32, #tpu.memory_space<vmem>>, %arg1: memref<2x128xf32, #tpu.memory_space<vmem>>, %arg2: memref<2x1xf32, #tpu.memory_space<vmem>>, %arg3: memref<10000x1xf32, #tpu.memory_space<vmem>>, %arg4: memref<1x10000xi32, #tpu.memory_space<vmem>>, %arg5: memref<10000x128xf32, #tpu.memory_space<vmem>>) attributes {dimension_semantics = [], scalar_prefetch = 0 : i64, scratch_operands = 0 : i64, tpu.core_type = #tpu.core_type<tc>} {
    %get3A = arith.constant 0 : index
    %get3A_0 = arith.constant 0 : index
    %get3A_1 = vector.load %arg1[%get3A, %get3A_0] : memref<2x128xf32, #tpu.memory_space<vmem>>, vector<2x128xf32>
    %get3A_2 = arith.constant 0 : index
    %get3A_3 = arith.constant 0 : index
    %get3A_4 = vector.load %arg0[%get3A_2, %get3A_3] : memref<10000x128xf32, #tpu.memory_space<vmem>>, vector<10000x128xf32>
    %dot_general3A = arith.constant dense<0.000000e+00> : vector<2x10000xf32>
    %dot_general3A_5 = tpu.matmul %get3A_1, %get3A_4, %dot_general3A {dimension_numbers = #tpu.dot_dimension_numbers<[1], [1], [0], [0], [0, 0, 1, 0], [], []>, transpose_lhs_hint = false} : vector<2x128xf32>, vector<10000x128xf32>, vector<2x10000xf32> -> vector<2x10000xf32>
    %get3A_6 = arith.constant 0 : index
    %get3A_7 = arith.constant 0 : index
    %get3A_8 = vector.load %arg2[%get3A_6, %get3A_7] : memref<2x1xf32, #tpu.memory_space<vmem>>, vector<2x1xf32>
    %add3A = vector.broadcast %get3A_8 : vector<2x1xf32> to vector<2x10000xf32>
    %add3A_9 = arith.addf %dot_general3A_5, %add3A : vector<2x10000xf32>
    %bitcast_convert_type3A = tpu.bitcast %add3A_9 : vector<2x10000xf32> -> vector<2x10000xi32>
    %slice3A = vector.extract_strided_slice %bitcast_convert_type3A {offsets = [0, 0], sizes = [1, 10000], strides = [1, 1]} : vector<2x10000xi32> to vector<1x10000xi32>
    %and3A = arith.constant -65536 : i32
    %and3A_10 = vector.broadcast %and3A : i32 to vector<1x10000xi32>
    %and3A_11 = arith.andi %slice3A, %and3A_10 : vector<1x10000xi32>
    %slice3A_12 = vector.extract_strided_slice %bitcast_convert_type3A {offsets = [1, 0], sizes = [1, 10000], strides = [1, 1]} : vector<2x10000xi32> to vector<1x10000xi32>
    %shift_right_logical3A = arith.constant 16 : i32
    %shift_right_logical3A_13 = vector.broadcast %shift_right_logical3A : i32 to vector<1x10000xi32>
    %shift_right_logical3A_14 = arith.shrui %slice3A_12, %shift_right_logical3A_13 : vector<1x10000xi32>
    %or3A = arith.ori %and3A_11, %shift_right_logical3A_14 : vector<1x10000xi32>
    %swap3A = arith.constant 0 : index
    %swap3A_15 = arith.constant 0 : index
    %swap3A_16 = vector.load %arg4[%swap3A, %swap3A_15] : memref<1x10000xi32, #tpu.memory_space<vmem>>, vector<1x10000xi32>
    tpu.vector_store %arg4[%swap3A, %swap3A_15], %or3A {strides = array<i32>} : memref<1x10000xi32, #tpu.memory_space<vmem>>, vector<1x10000xi32>,
    %get3A_17 = arith.constant 0 : index
    %get3A_18 = arith.constant 0 : index
    %get3A_19 = vector.load %arg0[%get3A_17, %get3A_18] : memref<10000x128xf32, #tpu.memory_space<vmem>>, vector<10000x128xf32>
    %get3A_20 = arith.constant 0 : index
    %get3A_21 = arith.constant 0 : index
    %get3A_22 = vector.load %arg3[%get3A_20, %get3A_21] : memref<10000x1xf32, #tpu.memory_space<vmem>>, vector<10000x1xf32>
    %mul3A = vector.broadcast %get3A_22 : vector<10000x1xf32> to vector<10000x128xf32>
    %mul3A_23 = arith.mulf %get3A_19, %mul3A : vector<10000x128xf32>
    %swap3A_24 = arith.constant 0 : index
    %swap3A_25 = arith.constant 0 : index
    %swap3A_26 = vector.load %arg5[%swap3A_24, %swap3A_25] : memref<10000x128xf32, #tpu.memory_space<vmem>>, vector<10000x128xf32>
    tpu.vector_store %arg5[%swap3A_24, %swap3A_25], %mul3A_23 {strides = array<i32>} : memref<10000x128xf32, #tpu.memory_space<vmem>>, vector<10000x128xf32>,
    return
  }
}

module attributes {stable_mosaic.version = 14 : i64} {
  func.func @_add_body(%arg0: i32, %arg1: memref<2x1000x128xf32, #tpu.memory_space<vmem>>, %arg2: memref<1000x1xf32, #tpu.memory_space<vmem>>, %arg3: memref<1000x128xf32, #tpu.memory_space<vmem>>) attributes {dimension_semantics = [#tpu.dimension_semantics<arbitrary>], iteration_bounds = array<i64: 10>, scalar_prefetch = 0 : i64, scratch_operands = 0 : i64, tpu.core_type = #tpu.core_type<tc>, window_params = [{transform_indices = @transform_0, window_bounds = array<i64: 2, 1000, 128>}, {transform_indices = @transform_1, window_bounds = array<i64: 1000, 1>}, {transform_indices = @transform_2, window_bounds = array<i64: 1000, 128>}]} {
    %get3A = arith.constant 0 : index
    %get3A_0 = arith.constant 0 : index
    %get3A_1 = arith.constant 0 : index
    %get3A_2 = vector.load %arg1[%get3A, %get3A_0, %get3A_1] : memref<2x1000x128xf32, #tpu.memory_space<vmem>>, vector<1x1000x128xf32>
    %get3A_3 = vector.shape_cast %get3A_2 : vector<1x1000x128xf32> to vector<1000x128xf32>
    %get3A_4 = arith.constant 1 : index
    %get3A_5 = arith.constant 0 : index
    %get3A_6 = arith.constant 0 : index
    %get3A_7 = vector.load %arg1[%get3A_4, %get3A_5, %get3A_6] : memref<2x1000x128xf32, #tpu.memory_space<vmem>>, vector<1x1000x128xf32>
    %get3A_8 = vector.shape_cast %get3A_7 : vector<1x1000x128xf32> to vector<1000x128xf32>
    %add3A = arith.addf %get3A_3, %get3A_8 : vector<1000x128xf32>
    %get3A_9 = arith.constant 0 : index
    %get3A_10 = arith.constant 0 : index
    %get3A_11 = vector.load %arg2[%get3A_9, %get3A_10] : memref<1000x1xf32, #tpu.memory_space<vmem>>, vector<1000x1xf32>
    %mul3A = vector.broadcast %get3A_11 : vector<1000x1xf32> to vector<1000x128xf32>
    %mul3A_12 = arith.mulf %add3A, %mul3A : vector<1000x128xf32>
    %swap3A = arith.constant 0 : index
    %swap3A_13 = arith.constant 0 : index
    %swap3A_14 = vector.load %arg3[%swap3A, %swap3A_13] : memref<1000x128xf32, #tpu.memory_space<vmem>>, vector<1000x128xf32>
    tpu.vector_store %arg3[%swap3A, %swap3A_13], %mul3A_12 {strides = array<i32>} : memref<1000x128xf32, #tpu.memory_space<vmem>>, vector<1000x128xf32>,
    return
  }
  func.func @transform_0(%arg0: i32) -> (i32, i32, i32) {
    %c0_i32 = arith.constant 0 : i32
    %c0_i32_0 = arith.constant 0 : i32
    %c0_i32_1 = arith.constant 0 : i32
    return %c0_i32, %arg0, %c0_i32_0 : i32, i32, i32
  }
  func.func @transform_1(%arg0: i32) -> (i32, i32) {
    %c0_i32 = arith.constant 0 : i32
    %c0_i32_0 = arith.constant 0 : i32
    return %arg0, %c0_i32 : i32, i32
  }
  func.func @transform_2(%arg0: i32) -> (i32, i32) {
    %c0_i32 = arith.constant 0 : i32
    %c0_i32_0 = arith.constant 0 : i32
    return %arg0, %c0_i32 : i32, i32
  }
}

</mosaic_0001>

<sc_bundles>
// kernel: kernel.5.cloned.1.call-start
scs
__scs_entry_jumppad:
0x0: {  	(pc) =	sbr.rel $0x88, $3  }
0x1: {  	(tag) =	ssettag $0x0;
	lr =	simm.s32 $0x1  }
0x2: {  	[smem:$0x3F9C] =	sst lr;
	_ =	strace $0xD0000000  }
0x3: {  	_ = 	snop  }
0x4: {  	_ = 	snop  }
0x5: {  	_ = 	snop  }
0x6: {  	_ = 	snop  }
0x7: {  	_ = 	snop  }
__scs_overlays_trampoline_lowered:
0x8: {  	[smem:$0x3FAB] =	sst s0  }
0x9: {  	[smem:$0x3FAC] =	sst s1  }
0xa: {  	[smem:$0x3FAD] =	sst s2  }
0xb: {  	[smem:$0x3FAE] =	sst s3  }
0xc: {  	[smem:$0x3FAF] =	sst s4  }
0xd: {  	[smem:$0x3FB0] =	sst s5  }
0xe: {  	[smem:$0x3FB1] =	sst s6  }
0xf: {  	[smem:$0x3FB2] =	sst s7  }
0x10: {  	[smem:$0x3FB3] =	sst s8  }
0x11: {  	[smem:$0x3FB4] =	sst s9;
	s0 =	simm.s32 @!p0 $0x0  }
0x12: {  	s1 =	sld [smem:$0x3F9A];
	s0 =	simm.s32 @p0 $0x1  }
0x13: {  	[smem:$0x3FB5] =	sst s0;
	s0 =	simm.s32 @!p1 $0x0  }
0x14: {  	s2 =	sld [smem:$0x3F99];
	s0 =	simm.s32 @p1 $0x1  }
0x15: {  	[smem:$0x3FB6] =	sst s0;
	s0 =	simm.s32 @!p2 $0x0  }
0x16: {  	s3 =	sld [smem:$0x3FDB];
	s0 =	simm.s32 @p2 $0x1  }
0x17: {  	s4 =	simm.s32 $0x1BF5;
	[smem:$0x3FB8] =	sst s0  }
0x18: {  	s0 =	sld [smem:$0x3F9B];
	_ =	swait.ge [sflag:s4], $0x0  }
0x19: {  	s7 =	sld [smem:$0x3F9C]  }
0x1a: {  	s8 =	sadd.s32 $0xFFFFE003, lr  }
0x1b: {  	s9 =	sadd.s32 $0xFFFFFEF7, lr;
	s5 =	simm.s32 $0xFFFFFFFF;
	p2 =	slt.u32 s8, $0xFFFFF086  }
0x1c: {  	p1 =	slt.u32 s9, $0xF7A;
	s5 =	simm.s32 @!p2 $0x0  }
0x1d: {  	s5 =	simm.s32 @p1 $0x1;
	p0 =	seq.s32 s7, s2  }
0x1e: {  	s7 =	smul.u32 @!p0 $0xF7A, s2;
	p2 =	seq.s32 @!p0 s5, $0x0  }
0x1f: {  	s9 =	smul.u32 $0xF7A, s1;
	s8 =	simm.s32 @!p0 $0x1BF5;
	p2 =	por !p2, p0  }
0x20: {  	[sflag:s8] =	ssyncset.s32 @!p0 $0xFFFFF086;
	s6 =	sadd.s32 @!p0 s3, s7;
	s7 =	simm.s32 @!p0 $0x108  }
0x21: {  	s3 =	sadd.s32 s3, s9;
	s6 =	sadd.s32 @!p0 $0x88, s6;
	s7 =	simm.s32 @p2 $0x1082  }
0x22: {  	[simem:s7], [sflag:s8] =	dma.local @!p0 [hbm:s6], $0xF7A  }
0x23: {  	s9 =	sor.u32 $0xD0000000, s2;
	s6 =	simm.s32 $0x108;
	_ =	swait.ge @!p0 [sflag:s8], $0x0  }
0x24: {  	s3 =	sadd.s32 $0x88, s3;
	s6 =	simm.s32 @!p1 $0x1082;
	[sflag:s4] =	ssyncset.s32 $0xFFFFF086  }
0x25: {  	[simem:s6], [sflag:s4] =	dma.local [hbm:s3], $0xF7A  }
0x26: {  	[smem:$0x3F9C] =	sst s1;
	(tag) =	ssettag s2;
	_ =	strace s9  }
0x27: {  	s1 =	sld [smem:$0x3FAC]  }
0x28: {  	s2 =	sld [smem:$0x3FAD]  }
0x29: {  	s4 =	sld [smem:$0x3FAF]  }
0x2a: {  	p0 =	seq.s32 s5, $0x0;
	s5 =	sld [smem:$0x3FB0]  }
0x2b: {  	s6 =	sld [smem:$0x3FB1]  }
0x2c: {  	s7 =	sld [smem:$0x3FB2]  }
0x2d: {  	s3 =	simm.s32 $0x108;
	s8 =	sld [smem:$0x3FB3]  }
0x2e: {  	s3 =	simm.s32 @!p0 $0x1082;
	s9 =	sld [smem:$0x3FB4]  }
0x2f: {  	lr =	sadd.s32 s0, s3;
	s0 =	sld [smem:$0x3FAB]  }
0x30: {  	s3 =	sld [smem:$0x3FAE]  }
0x31: {  	[smem:$0x3FB7] =	sst s10  }
0x32: {  	s10 =	sld [smem:$0x3FB5];
	_ =	sdelay $0x3  }
0x33: {  	p0 =	seq.s32 s10, $0x1;
	s10 =	sld [smem:$0x3FB7];
	_ =	sdelay $0x3  }
0x34: {  	[smem:$0x3FB7] =	sst s10  }
0x35: {  	s10 =	sld [smem:$0x3FB6];
	_ =	sdelay $0x3  }
0x36: {  	p1 =	seq.s32 s10, $0x1;
	s10 =	sld [smem:$0x3FB7];
	_ =	sdelay $0x3  }
0x37: {  	[smem:$0x3FB7] =	sst s10  }
0x38: {  	s10 =	sld [smem:$0x3FB8]  }
0x39: {  	_ = 	snop;
	(pc) =	sbr.ind lr, $3  }
0x3a: {  	_ = 	snop  }
0x3b: {  	_ = 	snop  }
0x3c: {  	p2 =	seq.s32 s10, $0x1;
	s10 =	sld [smem:$0x3FB7]  }
0x3d: {  	_ =	shalt  }
0x3e: {  	_ =	shalt  }
0x3f: {  	_ =	shalt  }
0x40: {  	_ =	shalt  }
0x41: {  	_ =	shalt  }
0x42: {  	_ =	shalt  }
0x43: {  	_ =	shalt  }
0x44: {  	_ =	shalt  }
0x45: {  	_ =	shalt  }
0x46: {  	_ =	shalt  }
0x47: {  	_ =	shalt  }
0x48: {  	_ =	shalt  }
0x49: {  	_ =	shalt  }
0x4a: {  	_ =	shalt  }
0x4b: {  	_ =	shalt  }
0x4c: {  	_ =	shalt  }
0x4d: {  	_ =	shalt  }
0x4e: {  	_ =	shalt  }
0x4f: {  	_ =	shalt  }
0x50: {  	_ =	shalt  }
0x51: {  	_ =	shalt  }
0x52: {  	_ =	shalt  }
0x53: {  	_ =	shalt  }
0x54: {  	_ =	shalt  }
0x55: {  	_ =	shalt  }
0x56: {  	_ =	shalt  }
0x57: {  	_ =	shalt  }
0x58: {  	_ =	shalt  }
0x59: {  	_ =	shalt  }
0x5a: {  	_ =	shalt  }
0x5b: {  	_ =	shalt  }
0x5c: {  	_ =	shalt  }
0x5d: {  	_ =	shalt  }
0x5e: {  	_ =	shalt  }
0x5f: {  	_ =	shalt  }
0x60: {  	_ =	shalt  }
0x61: {  	_ =	shalt  }
0x62: {  	_ =	shalt  }
0x63: {  	_ =	shalt  }
0x64: {  	_ =	shalt  }
0x65: {  	_ =	shalt  }
0x66: {  	_ =	shalt  }
0x67: {  	_ =	shalt  }
0x68: {  	_ =	shalt  }
0x69: {  	_ =	shalt  }
0x6a: {  	_ =	shalt  }
0x6b: {  	_ =	shalt  }
0x6c: {  	_ =	shalt  }
0x6d: {  	_ =	shalt  }
0x6e: {  	_ =	shalt  }
0x6f: {  	_ =	shalt  }
0x70: {  	_ =	shalt  }
0x71: {  	_ =	shalt  }
0x72: {  	_ =	shalt  }
0x73: {  	_ =	shalt  }
0x74: {  	_ =	shalt  }
0x75: {  	_ =	shalt  }
0x76: {  	_ =	shalt  }
0x77: {  	_ =	shalt  }
0x78: {  	_ =	shalt  }
0x79: {  	_ =	shalt  }
0x7a: {  	_ =	shalt  }
0x7b: {  	_ =	shalt  }
0x7c: {  	_ =	shalt  }
0x7d: {  	_ =	shalt  }
0x7e: {  	_ =	shalt  }
0x7f: {  	_ =	shalt  }
0x80: {  	_ =	shalt  }
0x81: {  	_ =	shalt  }
0x82: {  	_ =	shalt  }
0x83: {  	_ =	shalt  }
0x84: {  	_ =	shalt  }
0x85: {  	_ =	shalt  }
0x86: {  	_ =	shalt  }
0x87: {  	_ =	shalt  }
.Lfunc_end0:
.L_simem_size_0:
called_computation_lowered:
.L_overlay_start_0:
0x88: {  	s2 =	sld [smem:$0x3FD9]  }
0x89: {  	s3 =	sld [smem:$0x3FFE];
	_ =	sdelay $0x1  }
0x8a: {  	s1 =	srdreg.scid  }
0x8b: {  	s0 =	sand.u32 $0x1, s1  }
0x8c: {  	s17 =	sshll.u32 s0, $0xA;
	s2 =	sadd.s32 s3, s2  }
0x8d: {  	s2 =	sadd.s32 s2, s17  }
0x8e: {  	[smem:$0x3FC3] =	sst s2  }
0x8f: {  	_ = 	snop  }
0x90: {  	s2 =	sld [smem:$0x3FD0];
	(tm) =	ssettm $0x1  }
0x91: {  	s18 =	sld [smem:$0x3FFB];
	_ =	sdelay $0x3  }
0x92: {  	_ =	strace s18  }
0x93: {  	s3 =	sld [smem:$0x3FFC];
	_ =	sdelay $0x3  }
0x94: {  	_ =	strace s3  }
0x95: {  	s3 =	sld [smem:$0x3FFD];
	_ =	sdelay $0x3  }
0x96: {  	_ =	strace s3  }
0x97: {  	_ =	strace $0x8FFFFFFF  }
0x98: {  	s19 =	sld [smem:$0x3FDB];
	_ =	sdelay $0x1  }
0x99: {  	s4 =	simm.s32 $_scs_section_size  }
0x9a: {  	s5 =	simm.s32 $_size__tile_overlayer_lowered;
	s6 =	simm.s32 $_tile_overlayer_lowered  }
0x9b: {  	s22 =	simm.s32 $0x1BFF;
	s21 =	sshll.u32 s6, $0x1;
	s3 =	sadd.s32 s4, s19  }
0x9c: {  	s7 =	simm.s32 $0x0;
	s20 =	sshll.u32 s5, $0x1;
	s5 =	sadd.s32 s21, s3  }
0x9d: {  	[timem:s7], [sflag:s22] =	dma.local [hbm:s5], s20  }
0x9e: {  	_ =	swait.ge [sflag:s22], s20  }
0x9f: {  	s4 =	ssub.s32 $0x0, s20;
	[sflag:s22] =	ssyncset.done $0x0  }
0xa0: {  	[sflag:s22] =	ssyncadd.s32 s4;
	_ =	sdelay $0x1  }
0xa1: {  	s23 =	simm.s32 $0x1B8B  }
0xa2: {  	_ =	swait.ge [sflag:s23], $0x1  }
0xa3: {  	[sflag:s23] =	ssyncset.done $0x0  }
0xa4: {  	s25 =	simm.s32 $0x1B8E;
	s24 =	sld [smem:$0x3FFE];
	[sflag:s23] =	ssyncadd.s32 $0xFFFFFFFF  }
0xa5: {  	s26 =	simm.s32 $execute0_lowered;
	[smem:$0x3FD2] =	sst s25  }
0xa6: {  	s5 =	sshll.u32 s26, $0x1;
	_ =	strace $0x80000046;
	[dreg:$0x1] =	wrdreg $0xFFFFFFFF  }
0xa7: {  	s28 =	simm.s32 $_size_execute0_lowered;
	s3 =	sadd.s32 s3, s5;
	[dreg:$0x0] =	wrdreg $0x0  }
0xa8: {  	s5 =	sshll.u32 s28, $0x1;
	[dreg:$0x2] =	wrdreg s3  }
0xa9: {  	[dreg:$0x3] =	wrdreg s5  }
0xaa: {  	[dreg:$0x4] =	wrdreg $0xC0  }
0xab: {  	_ =	task [dreg:s7], $0x5FFFF  }
0xac: {  	[dreg:$0x1] =	wrdreg $0xFFFFFFFF  }
0xad: {  	[dreg:$0x0] =	wrdreg $0x60  }
0xae: {  	[dreg:$0x2] =	wrdreg s24  }
0xaf: {  	[dreg:$0x3] =	wrdreg s2  }
0xb0: {  	[dreg:$0x4] =	wrdreg $0xB7000  }
0xb1: {  	[dreg:$0x5] =	wrdreg $0x9  }
0xb2: {  	_ =	task.clear_ibuf [dreg:s7], $0x6FFFF;
	_ =	strace $0x90000046  }
0xb3: {  	s29 =	simm.s32 $0x9;
	_ =	strace $0x80000048  }
0xb4: {  	_ =	swait.ge [sflag:s29], $0x1  }
0xb5: {  	[sflag:s29] =	ssyncadd.s32 $0xFFFFFFFF  }
0xb6: {  	_ =	strace $0x90000048  }
0xb7: {  	_ =	sfence  }
0xb8: {  	s30 =	sld [smem:$0x0];
	_ =	sdelay $0x2  }
0xb9: {  	s31 =	sshll.u32 s1, $0xD;
	s1 =	sshrl.u32 s1, $0x2  }
0xba: {  	s3 =	sand.u32 $0x4000, s31;
	s1 =	sadd.s32 s1, s30  }
0xbb: {  	s0 =	sor.u32 s3, s0;
	s1 =	sshll.u32 s1, $0x11  }
0xbc: {  	s0 =	sor.u32 s1, s0  }
0xbd: {  	s0 =	sadd.s32 $0x8F2B, s0  }
0xbe: {  	[sflag:s0] =	ssyncadd.remote.s32 $0x1  }
0xbf: {  	_ =	sfence.sel $0xFFFF  }
0xc0: {  	[dreg:$0x0] =	wrdreg $0xFFFFFFFF;
	(pc) =	sbr.abs _section_cstart, $3  }
0xc1: {  	[dreg:$0x1] =	wrdreg $0xFFFFFFFF  }
0xc2: {  	_ =	task.clear_ibuf [dreg:s7], $0x2FFFF;
	_ =	strace $0x9FFFFFFF  }
0xc3: {  	(tm) =	ssettm $0x7FFFFFFF  }
tec
execute0_lowered:
.L_overlay_start_1:
0x0: {  	(tag) =	ssettag $0x1  }
0x1: {  	s2 =	rddreg [dreg:$0x0]  }
0x2: {  	s0 =	srdreg.scid;
	s1 =	simm.s32 $0xAF;
	s3 =	rddreg [dreg:$0x1]  }
0x3: {  	s8 =	stileid.u32;
	s4 =	rddreg [dreg:$0x2];
	s7 =	simm.s32 $0x0  }
0x4: {  	s28 =	simm.s32 $0x5;
	s29 =	simm.s32 $0x3;
	s30 =	simm.s32 $0xB380  }
0x5: {  	s31 =	simm.s32 $0xB680;
	s0 =	sand.u32 $0x1, s0;
	s19 =	smul.u32 $0x14000, s8  }
0x6: {  	[smem:$0x7FF] =	sst s7;
	p0 =	seq.s32 s0, $0x0;
	s6 =	smul.u32 $0x2BC00, s0  }
0x7: {  	s9 =	sadd.s32 $0xA800, s2;
	s18 =	smul.u32 $0x140000, s0;
	s1 =	simm.s32 @!p0 $0x8B  }
0x8: {  	_ =	strace $0x80000047;
	s0 =	ssub.s32 $0x2, s0;
	s5 =	smul.u32 s1, s8  }
0x9: {  	[dreg:$0x4] =	wrdreg s9;
	s20 =	sshrl.u32 s0, $0x1;
	s8 =	smul.u32 $0x50000, s8  }
0xa: {  	s0 =	ssub.s32 s0, s20;
	s20 =	simm.s32 $0x2C00;
	s5 =	sshll.u32 s5, $0x6  }
0xb: {  	s8 =	sshrl.u32 s8, $0x2;
	s5 =	sadd.s32 s6, s5;
	s6 =	sadd.s32 s19, s18  }
0xc: {  	s7 =	sadd.s32 s8, s4;
	s19 =	smax.u32 s0, $0x1;
	s0 =	simm.s32 $0xB600  }
0xd: {  	s8 =	simm.s32 $0x0;
	s5 =	sshrl.u32 s5, $0x3;
	s21 =	sadd.s32 $0x2000, s7  }
0xe: {  	s6 =	sshrl.u32 s6, $0x3;
	s22 =	sadd.s32 $0x4000, s7;
	[dreg:$0x6] =	wrdreg s21  }
0xf: {  	s23 =	sadd.s32 $0x6000, s7;
	s24 =	sadd.s32 $0x8000, s7;
	[dreg:$0x7] =	wrdreg s22  }
0x10: {  	s25 =	sadd.s32 $0xA000, s7;
	s26 =	sadd.s32 $0xC000, s7;
	[dreg:$0x8] =	wrdreg s23  }
0x11: {  	s15 =	sadd.s32 $0xE000, s7;
	s16 =	sadd.s32 $0x10000, s7;
	[dreg:$0x9] =	wrdreg s24  }
0x12: {  	s17 =	sadd.s32 $0x12000, s7;
	s5 =	sadd.s32 s5, s2;
	[dreg:$0xa] =	wrdreg s25  }
.Ltmp0:
0x13: {  	s2 =	sadd.s32 s6, s2;
	[dreg:$0xb] =	wrdreg s26;
	(pc) =	sbr.rel .LBB2_1-.Ltmp0, $4  }
0x14: {  	s21 =	simm.s32 $0x7;
	s22 =	simm.s32 $0x5380;
	s23 =	simm.s32 $0x40  }
0x15: {  	s26 =	simm.s32 $0x7380;
	s24 =	simm.s32 $0x4;
	s25 =	simm.s32 $0x2  }
0x16: {  	s6 =	simm.s32 $0xB580;
	s5 =	sadd.s32 $0xA00, s5;
	s18 =	sadd.s32 $0xAE00, s2  }
0x17: {  	v0 =	vimm.f32 $0.0e+00;
	s2 =	simm.s32 $0x9380;
	[dreg:$0x5] =	wrdreg s5;
	s5 =	simm.s32 $0x1  }
.LBB2_16:
0x18: {  	_ =	swait.ge [sflag:s24], $0x2000;
	s9 =	stileid.u32  }
0x19: {  	s10 =	sshrl.u32 s7, $0x3;
	s8 =	sadd.s32 $0x1, s8;
	[sflag:s24] =	ssyncset.done $0x0  }
0x1a: {  	s9 =	sshll.u32 s9, $0x6;
	p0 =	sne.s32 s8, s19;
	[sflag:s24] =	ssyncadd.s32 $0xFFFFE000  }
.Ltmp1:
0x1b: {  	s9 =	sor.u32 $0x1C07, s9;
	[bflag:$0x0] =	sbarrier.arrive $0xFFFF;
	(pc) =	sbr.rel @!p0 .LBB2_17-.Ltmp1, $4  }
0x1c: {  	[hbm:s18], [sflag:s9] =	dma.local [spmem:s10], $0x2800  }
0x1d: {  	_ =	swait.ge [sflag:s21], $0x2800  }
0x1e: {  	[sflag:s21] =	ssyncset.done $0x0  }
0x1f: {  	[sflag:s21] =	ssyncadd.s32 $0xFFFFD800  }
.LBB2_1:
0x20: {  	s9 =	simm.s32 $0x0;
	s10 =	rddreg [dreg:$0x4]  }
0x21: {  	[tilespmem:s20], [sflag:$0x7] =	stream.linear.gather [hbm4b:s10+s9], $0x2780, $0x38;
	[tilespmem:$0x1F700] =	vst v63  }
0x22: {  	_ =	swait.ge [sflag:s21], $0x2780  }
0x23: {  	[sflag:s21] =	ssyncset.done $0x0  }
0x24: {  	s14 =	rddreg [dreg:$0x5];
	[sflag:s21] =	ssyncadd.s32 $0xFFFFD880  }
0x25: {  	[tilespmem:s9], [sflag:$0x7] =	stream.linear.gather [hbm4b:s14+s9], $0x2BC0, $0x38;
	[tilespmem:$0x1F700] =	vst v63  }
0x26: {  	_ =	swait.ge [sflag:s21], $0x2BC0  }
0x27: {  	[sflag:s21] =	ssyncset.done $0x0  }
0x28: {  	s10 =	simm.s32 $0x200;
	s9 =	simm.s32 $0x0;
	[sflag:s21] =	ssyncadd.s32 $0xFFFFD440  }
.LBB2_2:
0x29: {  	p0 =	sne.s32 s10, $0x7E00;
	[tilespmem:s9+$0x53F0] =	vst v0  }
0x2a: {  	[tilespmem:s9+$0x5380] =	vst v0  }
0x2b: {  	[tilespmem:s9+$0x5390] =	vst v0  }
.Ltmp2:
0x2c: {  	[tilespmem:s9+$0x53A0] =	vst v0;
	(pc) =	sbr.rel @p0 .LBB2_2-.Ltmp2, $4  }
0x2d: {  	[tilespmem:s9+$0x53B0] =	vst v0  }
0x2e: {  	[tilespmem:s9+$0x53C0] =	vst v0  }
0x2f: {  	[tilespmem:s9+$0x53D0] =	vst v0  }
0x30: {  	[tilespmem:s9+$0x53E0] =	vst v0;
	s9 =	sshra.s32 s10, $0x2;
	s10 =	sadd.s32 $0x200, s10  }
0x31: {  	[tilespmem:s9+$0x53F0] =	vst v0  }
0x32: {  	[tilespmem:s9+$0x5380] =	vst v0  }
0x33: {  	[tilespmem:s9+$0x5390] =	vst v0  }
0x34: {  	[tilespmem:s9+$0x53A0] =	vst v0  }
0x35: {  	[tilespmem:s9+$0x53B0] =	vst v0  }
0x36: {  	[tilespmem:s9+$0x53C0] =	vst v0  }
0x37: {  	[tilespmem:s9+$0x53D0] =	vst v0  }
0x38: {  	[tilespmem:s9+$0x53E0] =	vst v0  }
0x39: {  	[spmem:s7] =	stream.linear.scatter [tilespmem:s22], [sflag:$0x7], $0x2000, $0x38;
	[tilespmem:$0x1F700] =	vst v63  }
0x3a: {  	_ =	swait.ge [sflag:s21], $0x2000  }
0x3b: {  	[sflag:s21] =	ssyncset.done $0x0  }
0x3c: {  	s12 =	rddreg [dreg:$0x6];
	[sflag:s21] =	ssyncadd.s32 $0xFFFFE000  }
0x3d: {  	[spmem:s12] =	stream.linear.scatter [tilespmem:s22], [sflag:$0x7], $0x2000, $0x38;
	[tilespmem:$0x1F700] =	vst v63  }
0x3e: {  	_ =	swait.ge [sflag:s21], $0x2000  }
0x3f: {  	[sflag:s21] =	ssyncset.done $0x0  }
0x40: {  	s13 =	rddreg [dreg:$0x7];
	[sflag:s21] =	ssyncadd.s32 $0xFFFFE000  }
0x41: {  	[spmem:s13] =	stream.linear.scatter [tilespmem:s22], [sflag:$0x7], $0x2000, $0x38;
	[tilespmem:$0x1F700] =	vst v63  }
0x42: {  	_ =	swait.ge [sflag:s21], $0x2000  }
0x43: {  	[sflag:s21] =	ssyncset.done $0x0  }
0x44: {  	s14 =	rddreg [dreg:$0x8];
	[sflag:s21] =	ssyncadd.s32 $0xFFFFE000  }
0x45: {  	[spmem:s14] =	stream.linear.scatter [tilespmem:s22], [sflag:$0x7], $0x2000, $0x38;
	[tilespmem:$0x1F700] =	vst v63  }
0x46: {  	_ =	swait.ge [sflag:s21], $0x2000  }
0x47: {  	[sflag:s21] =	ssyncset.done $0x0  }
0x48: {  	s10 =	rddreg [dreg:$0x9];
	[sflag:s21] =	ssyncadd.s32 $0xFFFFE000  }
0x49: {  	[spmem:s10] =	stream.linear.scatter [tilespmem:s22], [sflag:$0x7], $0x2000, $0x38;
	[tilespmem:$0x1F700] =	vst v63  }
0x4a: {  	_ =	swait.ge [sflag:s21], $0x2000  }
0x4b: {  	[sflag:s21] =	ssyncset.done $0x0  }
0x4c: {  	s11 =	rddreg [dreg:$0xa];
	[sflag:s21] =	ssyncadd.s32 $0xFFFFE000  }
0x4d: {  	[spmem:s11] =	stream.linear.scatter [tilespmem:s22], [sflag:$0x7], $0x2000, $0x38;
	[tilespmem:$0x1F700] =	vst v63  }
0x4e: {  	_ =	swait.ge [sflag:s21], $0x2000  }
0x4f: {  	[sflag:s21] =	ssyncset.done $0x0  }
0x50: {  	s12 =	rddreg [dreg:$0xb];
	[sflag:s21] =	ssyncadd.s32 $0xFFFFE000  }
0x51: {  	[spmem:s12] =	stream.linear.scatter [tilespmem:s22], [sflag:$0x7], $0x2000, $0x38;
	[tilespmem:$0x1F700] =	vst v63  }
0x52: {  	_ =	swait.ge [sflag:s21], $0x2000  }
0x53: {  	[sflag:s21] =	ssyncset.done $0x0  }
0x54: {  	[sflag:s21] =	ssyncadd.s32 $0xFFFFE000  }
0x55: {  	[spmem:s15] =	stream.linear.scatter [tilespmem:s22], [sflag:$0x7], $0x2000, $0x38;
	[tilespmem:$0x1F700] =	vst v63  }
0x56: {  	_ =	swait.ge [sflag:s21], $0x2000  }
0x57: {  	[sflag:s21] =	ssyncset.done $0x0  }
0x58: {  	[sflag:s21] =	ssyncadd.s32 $0xFFFFE000  }
0x59: {  	[spmem:s16] =	stream.linear.scatter [tilespmem:s22], [sflag:$0x7], $0x2000, $0x38;
	[tilespmem:$0x1F700] =	vst v63  }
0x5a: {  	_ =	swait.ge [sflag:s21], $0x2000  }
0x5b: {  	[sflag:s21] =	ssyncset.done $0x0  }
0x5c: {  	[sflag:s21] =	ssyncadd.s32 $0xFFFFE000  }
0x5d: {  	[spmem:s17] =	stream.linear.scatter [tilespmem:s22], [sflag:$0x7], $0x2000, $0x38;
	[tilespmem:$0x1F700] =	vst v63  }
0x5e: {  	_ =	swait.ge [sflag:s21], $0x2000  }
0x5f: {  	[sflag:s21] =	ssyncset.done $0x0  }
0x60: {  	[sflag:s21] =	ssyncadd.s32 $0xFFFFE000  }
0x61: {  	[bflag:$0x0] =	sbarrier.arrive $0xFFFF  }
0x62: {  	v1 =	vld [tilespmem:$0x0];
	_ =	sdelay $0x1  }
0x63: {  	v2 =	vld [tilespmem:$0x10];
	_ =	sdelay $0x1  }
0x64: {  	v3 =	vld [tilespmem:$0x20]  }
0x65: {  	v4 =	vand.u32 $0xFFFF, v1  }
0x66: {  	v61 =	vld [tilespmem:$0x30];
	v1 =	vshrl.u32 v1, $0x10;
	[tilespmem:$0xB400] =	vst v4  }
0x67: {  	[tilespmem:$0xB580] =	vst v1;
	v1 =	vand.u32 $0xFFFF, v2  }
0x68: {  	[tilespmem:$0xB410] =	vst v1;
	v1 =	vshrl.u32 v2, $0x10  }
0x69: {  	[tilespmem:$0xB590] =	vst v1;
	v1 =	vand.u32 $0xFFFF, v3  }
0x6a: {  	[tilespmem:$0xB420] =	vst v1;
	v1 =	vshrl.u32 v3, $0x10  }
0x6b: {  	[tilespmem:$0xB5A0] =	vst v1;
	v1 =	vand.u32 $0xFFFF, v61  }
0x6c: {  	[tilespmem:$0xB430] =	vst v1;
	v1 =	vshrl.u32 v61, $0x10  }
0x6d: {  	s13 =	simm.s32 $0xB400;
	[tilespmem:$0xB5B0] =	vst v1  }
0x6e: {  	[tilespmem:s22], [sflag:$0x1] =	stream.indirect.gather [hbm4b:s3+s23], $0x80, s13, s23, $0xb8;
	[tilespmem:$0x1F700] =	vst v63  }
0x6f: {  	v1 =	vld [tilespmem:$0x40];
	_ =	sdelay $0x1  }
0x70: {  	v2 =	vld [tilespmem:$0x50];
	_ =	sdelay $0x1  }
0x71: {  	v3 =	vld [tilespmem:$0x60]  }
0x72: {  	v62 =	vand.u32 $0xFFFF, v1  }
0x73: {  	v63 =	vld [tilespmem:$0x70];
	v1 =	vshrl.u32 v1, $0x10;
	[tilespmem:$0xB480] =	vst v62  }
0x74: {  	[tilespmem:$0xB600] =	vst v1;
	v1 =	vand.u32 $0xFFFF, v2  }
0x75: {  	[tilespmem:$0xB490] =	vst v1;
	v1 =	vshrl.u32 v2, $0x10  }
0x76: {  	[tilespmem:$0xB610] =	vst v1;
	v1 =	vand.u32 $0xFFFF, v3  }
.Ltmp3:
0x77: {  	[tilespmem:$0xB4A0] =	vst v1;
	v1 =	vshrl.u32 v3, $0x10;
	(pc) =	sbr.rel .LBB2_4-.Ltmp3, $4  }
0x78: {  	[tilespmem:$0xB620] =	vst v1;
	v1 =	vand.u32 $0xFFFF, v63  }
0x79: {  	[tilespmem:$0xB4B0] =	vst v1;
	v1 =	vshrl.u32 v63, $0x10  }
0x7a: {  	s9 =	simm.s32 $0x0;
	s14 =	simm.s32 $0xB480;
	[tilespmem:$0xB630] =	vst v1  }
0x7b: {  	[tilespmem:s26], [sflag:$0x2] =	stream.indirect.gather [hbm4b:s3+s23], $0x80, s14, s23, $0xb8;
	[tilespmem:$0x1F700] =	vst v63  }
.LBB2_15:
0x7c: {  	s9 =	sadd.s32 $0x1, s9  }
0x7d: {  	p0 =	sne.s32 s9, s1  }
.Ltmp4:
0x7e: {  	_ = 	snop;
	(pc) =	sbr.rel @!p0 .LBB2_16-.Ltmp4, $1  }
0x7f: {  	_ =	sdelay $0x3  }
.LBB2_4:
0x80: {  	s10 =	smulhi.u32 $0xAAAAAAAB, s9;
	_ =	sdelay $0x1  }
0x81: {  	s10 =	sshrl.u32 s10, $0x1  }
0x82: {  	s10 =	smul.u32 $0x3, s10;
	_ =	sdelay $0x1  }
0x83: {  	s11 =	ssub.s32 s9, s10  }
0x84: {  	p0 =	seq.s32 s11, $0x2  }
.Ltmp5:
0x85: {  	_ = 	snop;
	(pc) =	sbr.rel @p0 .LBB2_12-.Ltmp5, $2  }
0x86: {  	_ =	sdelay $0x2  }
0x87: {  	s10 =	sadd.s32 $0x2, s9  }
0x88: {  	p1 =	seq.s32 s11, $0x1  }
.Ltmp6:
0x89: {  	_ = 	snop;
	(pc) =	sbr.rel @!p1 .LBB2_6-.Ltmp6, $2  }
0x8a: {  	_ =	sdelay $0x2  }
0x8b: {  	p0 =	sge.u32 s10, s1  }
0x8c: {  	_ =	swait.ge [sflag:s24], $0x2000  }
0x8d: {  	s10 =	sshll.u32 @!p0 s10, $0x6;
	[sflag:s24] =	ssyncset.done $0x0  }
0x8e: {  	s10 =	sand.u32 @!p0 $0x3FFFFFC0, s10;
	[sflag:s24] =	ssyncadd.s32 $0xFFFFE000  }
0x8f: {  	v1 =	vld @!p0 [tilespmem:s10+$0x0];
	_ =	sdelay $0x4  }
0x90: {  	v2 =	vand.u32 @!p0 $0xFFFF, v1  }
0x91: {  	v1 =	vshrl.u32 @!p0 v1, $0x10;
	[tilespmem:$0xB400] =	vst @!p0 v2  }
0x92: {  	[tilespmem:$0xB580] =	vst @!p0 v1  }
0x93: {  	v1 =	vld @!p0 [tilespmem:s10+$0x10];
	_ =	sdelay $0x4  }
0x94: {  	v2 =	vand.u32 @!p0 $0xFFFF, v1  }
0x95: {  	v1 =	vshrl.u32 @!p0 v1, $0x10;
	[tilespmem:$0xB410] =	vst @!p0 v2  }
0x96: {  	[tilespmem:$0xB590] =	vst @!p0 v1  }
0x97: {  	v1 =	vld @!p0 [tilespmem:s10+$0x20];
	_ =	sdelay $0x4  }
0x98: {  	v2 =	vand.u32 @!p0 $0xFFFF, v1  }
0x99: {  	v1 =	vshrl.u32 @!p0 v1, $0x10;
	[tilespmem:$0xB420] =	vst @!p0 v2  }
0x9a: {  	[tilespmem:$0xB5A0] =	vst @!p0 v1  }
0x9b: {  	v1 =	vld @!p0 [tilespmem:s10+$0x30];
	_ =	sdelay $0x4  }
0x9c: {  	v2 =	vand.u32 @!p0 $0xFFFF, v1  }
0x9d: {  	v1 =	vshrl.u32 @!p0 v1, $0x10;
	[tilespmem:$0xB430] =	vst @!p0 v2  }
0x9e: {  	s11 =	simm.s32 @!p0 $0xB400;
	s12 =	simm.s32 @!p0 $0x5380;
	s10 =	simm.s32 @!p0 $0x40;
	[tilespmem:$0xB5B0] =	vst @!p0 v1  }
0x9f: {  	[tilespmem:s12], [sflag:$0x1] =	stream.indirect.gather @!p0 [hbm4b:s3+s10], $0x80, s11, s10, $0xb8;
	[tilespmem:$0x1F700] =	vst v63  }
0xa0: {  	_ =	swait.ge [sflag:s25], $0x2000  }
0xa1: {  	[sflag:s25] =	ssyncset.done $0x0  }
0xa2: {  	[sflag:s25] =	ssyncadd.s32 $0xFFFFE000  }
0xa3: {  	v1 =	vld [tilespmem:$0xB600]  }
0xa4: {  	v2 =	vld [tilespmem:$0xB480];
	_ =	sdelay $0x6  }
0xa5: {  	v1 =	vld.idx.msk [tilespmem:v1+s20+$0x0], $0xffff  }
0xa6: {  	v2 =	vld.idx.msk [tilespmem:v2+s20+$0x0], $0xffff;
	_ =	sdelay $0x4  }
0xa7: {  	v1 =	vand.u32 $0xFFFF0000, v1;
	v2 =	vshll.u32 v2, $0x10  }
0xa8: {  	v1 =	vadd.f32 v2, v1;
	_ =	sdelay $0x1  }
0xa9: {  	v2 =	vand.u32 $0x7FFFFFFF, v1  }
0xaa: {  	v2 =	vadd.f32 v2, v2;
	_ =	sdelay $0x1  }
0xab: {  	v2 =	vmul.f32 $1.442695020e+00, v2;
	_ =	sdelay $0x1  }
0xac: {  	(erf) = vpow2.f32 v2;
	_ =	sdelay $0x8  }
0xad: {  	v2 =	vpop (erf)  }
0xae: {  	v2 =	vadd.f32 $1.000000000e+00, v2;
	_ =	sdelay $0x1  }
0xaf: {  	(erf) = vrcp.f32 v2;
	_ =	sdelay $0x8  }
0xb0: {  	v2 =	vpop (erf)  }
0xb1: {  	v3 =	vld [tilespmem:$0xB610];
	v2 =	vadd.f32 v2, v2  }
0xb2: {  	v4 =	vld [tilespmem:$0xB490]  }
0xb3: {  	v2 =	vsub.f32 $1.000000000e+00, v2;
	_ =	sdelay $0x1  }
0xb4: {  	v5 =	vsub.f32 $0.0e+00, v2  }
0xb5: {  	vm0 =	vlt.f32 v1, $0.0e+00  }
0xb6: {  	v1 =	vsel vm0, v5, v2  }
0xb7: {  	[tilespmem:$0xB380] =	vst v1  }
0xb8: {  	v1 =	vld.idx.msk [tilespmem:v3+s20+$0x0], $0xffff  }
0xb9: {  	v2 =	vld.idx.msk [tilespmem:v4+s20+$0x0], $0xffff;
	_ =	sdelay $0x4  }
0xba: {  	v1 =	vand.u32 $0xFFFF0000, v1;
	v2 =	vshll.u32 v2, $0x10  }
0xbb: {  	v1 =	vadd.f32 v2, v1;
	_ =	sdelay $0x1  }
0xbc: {  	v2 =	vand.u32 $0x7FFFFFFF, v1  }
0xbd: {  	v2 =	vadd.f32 v2, v2;
	_ =	sdelay $0x1  }
0xbe: {  	v2 =	vmul.f32 $1.442695020e+00, v2;
	_ =	sdelay $0x1  }
0xbf: {  	(erf) = vpow2.f32 v2;
	_ =	sdelay $0x8  }
0xc0: {  	v2 =	vpop (erf)  }
0xc1: {  	v2 =	vadd.f32 $1.000000000e+00, v2;
	_ =	sdelay $0x1  }
0xc2: {  	(erf) = vrcp.f32 v2;
	_ =	sdelay $0x8  }
0xc3: {  	v2 =	vpop (erf)  }
0xc4: {  	v3 =	vld [tilespmem:$0xB620];
	v2 =	vadd.f32 v2, v2  }
0xc5: {  	v4 =	vld [tilespmem:$0xB4A0]  }
0xc6: {  	v2 =	vsub.f32 $1.000000000e+00, v2;
	_ =	sdelay $0x1  }
0xc7: {  	v5 =	vsub.f32 $0.0e+00, v2  }
0xc8: {  	vm13 =	vlt.f32 v1, $0.0e+00  }
0xc9: {  	v1 =	vsel vm13, v5, v2  }
0xca: {  	[tilespmem:$0xB390] =	vst v1  }
0xcb: {  	v1 =	vld.idx.msk [tilespmem:v3+s20+$0x0], $0xffff  }
0xcc: {  	v2 =	vld.idx.msk [tilespmem:v4+s20+$0x0], $0xffff;
	_ =	sdelay $0x4  }
0xcd: {  	v1 =	vand.u32 $0xFFFF0000, v1;
	v2 =	vshll.u32 v2, $0x10  }
0xce: {  	v1 =	vadd.f32 v2, v1;
	_ =	sdelay $0x1  }
0xcf: {  	v2 =	vand.u32 $0x7FFFFFFF, v1  }
0xd0: {  	v2 =	vadd.f32 v2, v2;
	_ =	sdelay $0x1  }
0xd1: {  	v2 =	vmul.f32 $1.442695020e+00, v2;
	_ =	sdelay $0x1  }
0xd2: {  	(erf) = vpow2.f32 v2;
	_ =	sdelay $0x8  }
0xd3: {  	v2 =	vpop (erf)  }
0xd4: {  	v2 =	vadd.f32 $1.000000000e+00, v2;
	_ =	sdelay $0x1  }
0xd5: {  	(erf) = vrcp.f32 v2;
	_ =	sdelay $0x8  }
0xd6: {  	v2 =	vpop (erf)  }
0xd7: {  	v3 =	vld [tilespmem:$0xB630];
	v2 =	vadd.f32 v2, v2  }
0xd8: {  	v4 =	vld [tilespmem:$0xB4B0]  }
0xd9: {  	v2 =	vsub.f32 $1.000000000e+00, v2;
	_ =	sdelay $0x1  }
0xda: {  	v5 =	vsub.f32 $0.0e+00, v2  }
0xdb: {  	vm14 =	vlt.f32 v1, $0.0e+00  }
0xdc: {  	v1 =	vsel vm14, v5, v2  }
0xdd: {  	[tilespmem:$0xB3A0] =	vst v1  }
0xde: {  	v1 =	vld.idx.msk [tilespmem:v3+s20+$0x0], $0xffff  }
0xdf: {  	v2 =	vld.idx.msk [tilespmem:v4+s20+$0x0], $0xffff;
	_ =	sdelay $0x4  }
0xe0: {  	v1 =	vand.u32 $0xFFFF0000, v1;
	v2 =	vshll.u32 v2, $0x10  }
0xe1: {  	v1 =	vadd.f32 v2, v1;
	_ =	sdelay $0x1  }
0xe2: {  	v2 =	vand.u32 $0x7FFFFFFF, v1  }
0xe3: {  	v2 =	vadd.f32 v2, v2;
	_ =	sdelay $0x1  }
0xe4: {  	v2 =	vmul.f32 $1.442695020e+00, v2;
	_ =	sdelay $0x1  }
0xe5: {  	(erf) = vpow2.f32 v2;
	_ =	sdelay $0x8  }
0xe6: {  	v2 =	vpop (erf)  }
0xe7: {  	v2 =	vadd.f32 $1.000000000e+00, v2;
	_ =	sdelay $0x1  }
0xe8: {  	(erf) = vrcp.f32 v2;
	_ =	sdelay $0x8  }
0xe9: {  	v2 =	vpop (erf)  }
0xea: {  	v2 =	vadd.f32 v2, v2;
	_ =	sdelay $0x1  }
0xeb: {  	v2 =	vsub.f32 $1.000000000e+00, v2;
	_ =	sdelay $0x1  }
0xec: {  	v3 =	vsub.f32 $0.0e+00, v2  }
0xed: {  	vm15 =	vlt.f32 v1, $0.0e+00  }
0xee: {  	v1 =	vsel vm15, v3, v2  }
0xef: {  	s13 =	simm.s32 $0x1;
	s10 =	simm.s32 $0x7400;
	[tilespmem:$0xB3B0] =	vst v1  }
0xf0: {  	v1 =	vmov s13;
	v6 =	vld [tilespmem:s10+$0xFFFFFFF0]  }
0xf1: {  	v5 =	vld [tilespmem:s10+$0x50]  }
0xf2: {  	v10 =	vld [tilespmem:s10+$0xFFFFFFD0]  }
0xf3: {  	s14 =	simm.s32 $0x0;
	v3 =	vld [tilespmem:s10+$0x60]  }
0xf4: {  	v2 =	vmov s14;
	v4 =	vld [tilespmem:s10+$0x70]  }
0xf5: {  	v2 =	vand.u32 $0xFFFFFFFE, v2;
	v7 =	vld.idx.msk [tilespmem:v1+s30+$0x0], $0xffff  }
0xf6: {  	v1 =	vbroadcast v2, $0x0;
	v2 =	vld [tilespmem:s10+$0x0]  }
0xf7: {  	v8 =	vld [tilespmem:s10+$0x10]  }
0xf8: {  	v9 =	vld [tilespmem:s10+$0x20]  }
0xf9: {  	v11 =	vld [tilespmem:s10+$0x30]  }
0xfa: {  	v12 =	vld [tilespmem:s10+$0x40]  }
0xfb: {  	v13 =	vld [tilespmem:s10+$0xFFFFFF80];
	v14 =	vmul.f32 v2, v7  }
0xfc: {  	v15 =	vld [tilespmem:s10+$0xFFFFFFA0];
	v8 =	vmul.f32 v8, v7  }
0xfd: {  	v9 =	vmul.f32 v9, v7;
	v2 =	vld.idx.msk [tilespmem:v1+s30+$0x0], $0xffff;
	[tilespmem:s10+$0x0] =	vst v14  }
0xfe: {  	v11 =	vmul.f32 v11, v7;
	v63 =	vmul.f32 v5, v7;
	v5 =	vld [tilespmem:s10+$0xFFFFFF90];
	[tilespmem:s10+$0x10] =	vst v8  }
0xff: {  	v1 =	vmul.f32 v3, v7;
	v3 =	vld [tilespmem:s10+$0xFFFFFFE0];
	[tilespmem:s10+$0x20] =	vst v9  }
0x100: {  	v12 =	vmul.f32 v12, v7;
	v4 =	vmul.f32 v4, v7;
	v7 =	vld [tilespmem:s10+$0xFFFFFFC0];
	[tilespmem:s10+$0x30] =	vst v11  }
0x101: {  	[tilespmem:s10+$0x60] =	vst v1;
	v1 =	vld [tilespmem:s10+$0xFFFFFFB0]  }
0x102: {  	[tilespmem:s10+$0x40] =	vst v12;
	v8 =	vmul.f32 v13, v2;
	v9 =	vmul.f32 v6, v2  }
0x103: {  	s11 =	simm.s32 $0x2;
	s12 =	simm.s32 $0x7400;
	[tilespmem:s10+$0x50] =	vst v63;
	v6 =	vmul.f32 v15, v2;
	v10 =	vmul.f32 v10, v2  }
.LBB2_10:
0x104: {  	p0 =	sne.s32 s11, $0x3E  }
0x105: {  	v5 =	vmul.f32 v5, v2;
	v3 =	vmul.f32 v3, v2;
	[tilespmem:s10+$0x70] =	vst v4;
	s12 =	sadd.s32 $0x100, s12;
	s13 =	smov.u32 s11;
	s11 =	sadd.s32 $0x2, s11  }
0x106: {  	v1 =	vmul.f32 v1, v2;
	v2 =	vmul.f32 v7, v2;
	[tilespmem:s10+$0xFFFFFFF0] =	vst v9  }
0x107: {  	[tilespmem:s10+$0xFFFFFF80] =	vst v8  }
0x108: {  	s14 =	sadd.s32 $0x1, s13;
	v9 =	vld [tilespmem:s12+$0xFFFFFFF0];
	[tilespmem:s10+$0xFFFFFFD0] =	vst v10  }
0x109: {  	v4 =	vmov s14;
	v8 =	vld [tilespmem:s12+$0x50];
	[tilespmem:s10+$0xFFFFFFA0] =	vst v6  }
0x10a: {  	v10 =	vld [tilespmem:s12+$0xFFFFFFD0];
	[tilespmem:s10+$0xFFFFFFB0] =	vst v1  }
0x10b: {  	v1 =	vld [tilespmem:s12+$0xFFFFFFB0];
	[tilespmem:s10+$0xFFFFFFC0] =	vst v2  }
0x10c: {  	v6 =	vld [tilespmem:s12+$0x60];
	[tilespmem:s10+$0xFFFFFFE0] =	vst v3  }
0x10d: {  	v2 =	vmov s13;
	v3 =	vld [tilespmem:s12+$0x70];
	[tilespmem:s10+$0xFFFFFF90] =	vst v5;
	s10 =	smov.u32 s12  }
0x10e: {  	v2 =	vand.u32 $0xFFFFFFFE, v2;
	v11 =	vld.idx.msk [tilespmem:v4+s30+$0x0], $0xffff  }
0x10f: {  	v2 =	vbroadcast v2, $0x0;
	v4 =	vld [tilespmem:s12+$0x0]  }
0x110: {  	v5 =	vld [tilespmem:s12+$0x10]  }
0x111: {  	v7 =	vld [tilespmem:s12+$0x20]  }
0x112: {  	v12 =	vld [tilespmem:s12+$0x30]  }
0x113: {  	v13 =	vld [tilespmem:s12+$0x40]  }
0x114: {  	v14 =	vld [tilespmem:s12+$0xFFFFFF80];
	v15 =	vmul.f32 v4, v11;
	v4 =	vmul.f32 v3, v11  }
0x115: {  	v2 =	vld.idx.msk [tilespmem:v2+s30+$0x0], $0xffff;
	v16 =	vmul.f32 v5, v11;
	v5 =	vmul.f32 v6, v11  }
0x116: {  	v6 =	vld [tilespmem:s12+$0xFFFFFFA0];
	[tilespmem:s12+$0x0] =	vst v15;
	v15 =	vmul.f32 v7, v11  }
0x117: {  	v3 =	vld [tilespmem:s12+$0xFFFFFFE0];
	v12 =	vmul.f32 v12, v11;
	[tilespmem:s12+$0x60] =	vst v5  }
.Ltmp7:
0x118: {  	v5 =	vld [tilespmem:s12+$0xFFFFFF90];
	[tilespmem:s12+$0x10] =	vst v16;
	v13 =	vmul.f32 v13, v11;
	(pc) =	sbr.rel @p0 .LBB2_10-.Ltmp7, $4  }
0x119: {  	v11 =	vmul.f32 v8, v11;
	v7 =	vld [tilespmem:s12+$0xFFFFFFC0];
	[tilespmem:s12+$0x20] =	vst v15  }
0x11a: {  	[tilespmem:s12+$0x30] =	vst v12  }
0x11b: {  	v8 =	vmul.f32 v14, v2;
	v9 =	vmul.f32 v9, v2;
	[tilespmem:s12+$0x40] =	vst v13  }
0x11c: {  	v10 =	vmul.f32 v10, v2;
	v6 =	vmul.f32 v6, v2;
	[tilespmem:s12+$0x50] =	vst v11  }
0x11d: {  	[tilespmem:s10+$0x70] =	vst v4  }
0x11e: {  	[tilespmem:s10+$0xFFFFFFF0] =	vst v9  }
0x11f: {  	[tilespmem:s10+$0xFFFFFF80] =	vst v8  }
0x120: {  	v1 =	vmul.f32 v1, v2;
	[tilespmem:s10+$0xFFFFFFD0] =	vst v10  }
0x121: {  	v3 =	vmul.f32 v3, v2;
	[tilespmem:s10+$0xFFFFFFA0] =	vst v6  }
.Ltmp8:
0x122: {  	v63 =	vmul.f32 v7, v2;
	[tilespmem:s10+$0xFFFFFFB0] =	vst v1;
	(pc) =	sbr.rel .LBB2_15-.Ltmp8, $4  }
0x123: {  	v1 =	vmul.f32 v5, v2;
	[tilespmem:s10+$0xFFFFFFE0] =	vst v3  }
0x124: {  	[tilespmem:s10+$0xFFFFFFC0] =	vst v63  }
0x125: {  	[tilespmem:s10+$0xFFFFFF90] =	vst v1  }
0x126: {  	[spmem:s4] =	stream.indirect.scatter.add.f32 [tilespmem:s26], [sflag:$0x5], $0x80, s0, s23, $0xb8;
	[tilespmem:$0x1F700] =	vst v63  }
.LBB2_12:
0x127: {  	_ =	swait.ge [sflag:s28], $0x2000;
	p0 =	sge.u32 s10, s1  }
0x128: {  	[sflag:s28] =	ssyncset.done $0x0;
	s10 =	sshll.u32 @!p0 s10, $0x6  }
0x129: {  	[sflag:s28] =	ssyncadd.s32 $0xFFFFE000;
	s10 =	sand.u32 @!p0 $0x3FFFFFC0, s10  }
0x12a: {  	v1 =	vld @!p0 [tilespmem:s10+$0x0];
	_ =	sdelay $0x4  }
0x12b: {  	v2 =	vand.u32 @!p0 $0xFFFF, v1  }
0x12c: {  	v1 =	vshrl.u32 @!p0 v1, $0x10;
	[tilespmem:$0xB480] =	vst @!p0 v2  }
0x12d: {  	[tilespmem:$0xB600] =	vst @!p0 v1  }
0x12e: {  	v1 =	vld @!p0 [tilespmem:s10+$0x10];
	_ =	sdelay $0x4  }
0x12f: {  	v2 =	vand.u32 @!p0 $0xFFFF, v1  }
0x130: {  	v1 =	vshrl.u32 @!p0 v1, $0x10;
	[tilespmem:$0xB490] =	vst @!p0 v2  }
0x131: {  	[tilespmem:$0xB610] =	vst @!p0 v1  }
0x132: {  	v1 =	vld @!p0 [tilespmem:s10+$0x20];
	_ =	sdelay $0x4  }
0x133: {  	v2 =	vand.u32 @!p0 $0xFFFF, v1  }
0x134: {  	v1 =	vshrl.u32 @!p0 v1, $0x10;
	[tilespmem:$0xB4A0] =	vst @!p0 v2  }
0x135: {  	[tilespmem:$0xB620] =	vst @!p0 v1  }
0x136: {  	v1 =	vld @!p0 [tilespmem:s10+$0x30];
	_ =	sdelay $0x4  }
0x137: {  	v2 =	vand.u32 @!p0 $0xFFFF, v1  }
0x138: {  	v1 =	vshrl.u32 @!p0 v1, $0x10;
	[tilespmem:$0xB4B0] =	vst @!p0 v2  }
0x139: {  	s11 =	simm.s32 @!p0 $0xB480;
	s12 =	simm.s32 @!p0 $0x7380;
	s10 =	simm.s32 @!p0 $0x40;
	[tilespmem:$0xB630] =	vst @!p0 v1  }
0x13a: {  	[tilespmem:s12], [sflag:$0x2] =	stream.indirect.gather @!p0 [hbm4b:s3+s10], $0x80, s11, s10, $0xb8;
	[tilespmem:$0x1F700] =	vst v63  }
0x13b: {  	_ =	swait.ge [sflag:s29], $0x2000  }
0x13c: {  	[sflag:s29] =	ssyncset.done $0x0  }
0x13d: {  	[sflag:s29] =	ssyncadd.s32 $0xFFFFE000  }
0x13e: {  	v1 =	vld [tilespmem:$0xB680]  }
0x13f: {  	v2 =	vld [tilespmem:$0xB500];
	_ =	sdelay $0x6  }
0x140: {  	v1 =	vld.idx.msk [tilespmem:v1+s20+$0x0], $0xffff  }
0x141: {  	v2 =	vld.idx.msk [tilespmem:v2+s20+$0x0], $0xffff;
	_ =	sdelay $0x4  }
0x142: {  	v1 =	vand.u32 $0xFFFF0000, v1;
	v2 =	vshll.u32 v2, $0x10  }
0x143: {  	v1 =	vadd.f32 v2, v1;
	_ =	sdelay $0x1  }
0x144: {  	v2 =	vand.u32 $0x7FFFFFFF, v1  }
0x145: {  	v2 =	vadd.f32 v2, v2;
	_ =	sdelay $0x1  }
0x146: {  	v2 =	vmul.f32 $1.442695020e+00, v2;
	_ =	sdelay $0x1  }
0x147: {  	(erf) = vpow2.f32 v2;
	_ =	sdelay $0x8  }
0x148: {  	v2 =	vpop (erf)  }
0x149: {  	v2 =	vadd.f32 $1.000000000e+00, v2;
	_ =	sdelay $0x1  }
0x14a: {  	(erf) = vrcp.f32 v2;
	_ =	sdelay $0x8  }
0x14b: {  	v2 =	vpop (erf)  }
0x14c: {  	v3 =	vld [tilespmem:$0xB690];
	v2 =	vadd.f32 v2, v2  }
0x14d: {  	v4 =	vld [tilespmem:$0xB510]  }
0x14e: {  	v2 =	vsub.f32 $1.000000000e+00, v2;
	_ =	sdelay $0x1  }
0x14f: {  	v5 =	vsub.f32 $0.0e+00, v2  }
0x150: {  	vm0 =	vlt.f32 v1, $0.0e+00  }
0x151: {  	v1 =	vsel vm0, v5, v2  }
0x152: {  	[tilespmem:$0xB380] =	vst v1  }
0x153: {  	v1 =	vld.idx.msk [tilespmem:v3+s20+$0x0], $0xffff  }
0x154: {  	v2 =	vld.idx.msk [tilespmem:v4+s20+$0x0], $0xffff;
	_ =	sdelay $0x4  }
0x155: {  	v1 =	vand.u32 $0xFFFF0000, v1;
	v2 =	vshll.u32 v2, $0x10  }
0x156: {  	v1 =	vadd.f32 v2, v1;
	_ =	sdelay $0x1  }
0x157: {  	v2 =	vand.u32 $0x7FFFFFFF, v1  }
0x158: {  	v2 =	vadd.f32 v2, v2;
	_ =	sdelay $0x1  }
0x159: {  	v2 =	vmul.f32 $1.442695020e+00, v2;
	_ =	sdelay $0x1  }
0x15a: {  	(erf) = vpow2.f32 v2;
	_ =	sdelay $0x8  }
0x15b: {  	v2 =	vpop (erf)  }
0x15c: {  	v2 =	vadd.f32 $1.000000000e+00, v2;
	_ =	sdelay $0x1  }
0x15d: {  	(erf) = vrcp.f32 v2;
	_ =	sdelay $0x8  }
0x15e: {  	v2 =	vpop (erf)  }
0x15f: {  	v3 =	vld [tilespmem:$0xB6A0];
	v2 =	vadd.f32 v2, v2  }
0x160: {  	v4 =	vld [tilespmem:$0xB520]  }
0x161: {  	v2 =	vsub.f32 $1.000000000e+00, v2;
	_ =	sdelay $0x1  }
0x162: {  	v5 =	vsub.f32 $0.0e+00, v2  }
0x163: {  	vm13 =	vlt.f32 v1, $0.0e+00  }
0x164: {  	v1 =	vsel vm13, v5, v2  }
0x165: {  	[tilespmem:$0xB390] =	vst v1  }
0x166: {  	v1 =	vld.idx.msk [tilespmem:v3+s20+$0x0], $0xffff  }
0x167: {  	v2 =	vld.idx.msk [tilespmem:v4+s20+$0x0], $0xffff;
	_ =	sdelay $0x4  }
0x168: {  	v1 =	vand.u32 $0xFFFF0000, v1;
	v2 =	vshll.u32 v2, $0x10  }
0x169: {  	v1 =	vadd.f32 v2, v1;
	_ =	sdelay $0x1  }
0x16a: {  	v2 =	vand.u32 $0x7FFFFFFF, v1  }
0x16b: {  	v2 =	vadd.f32 v2, v2;
	_ =	sdelay $0x1  }
0x16c: {  	v2 =	vmul.f32 $1.442695020e+00, v2;
	_ =	sdelay $0x1  }
0x16d: {  	(erf) = vpow2.f32 v2;
	_ =	sdelay $0x8  }
0x16e: {  	v2 =	vpop (erf)  }
0x16f: {  	v2 =	vadd.f32 $1.000000000e+00, v2;
	_ =	sdelay $0x1  }
0x170: {  	(erf) = vrcp.f32 v2;
	_ =	sdelay $0x8  }
0x171: {  	v2 =	vpop (erf)  }
0x172: {  	v3 =	vld [tilespmem:$0xB6B0];
	v2 =	vadd.f32 v2, v2  }
0x173: {  	v4 =	vld [tilespmem:$0xB530]  }
0x174: {  	v2 =	vsub.f32 $1.000000000e+00, v2;
	_ =	sdelay $0x1  }
0x175: {  	v5 =	vsub.f32 $0.0e+00, v2  }
0x176: {  	vm14 =	vlt.f32 v1, $0.0e+00  }
0x177: {  	v1 =	vsel vm14, v5, v2  }
0x178: {  	[tilespmem:$0xB3A0] =	vst v1  }
0x179: {  	v1 =	vld.idx.msk [tilespmem:v3+s20+$0x0], $0xffff  }
0x17a: {  	v2 =	vld.idx.msk [tilespmem:v4+s20+$0x0], $0xffff;
	_ =	sdelay $0x4  }
0x17b: {  	v1 =	vand.u32 $0xFFFF0000, v1;
	v2 =	vshll.u32 v2, $0x10  }
0x17c: {  	v1 =	vadd.f32 v2, v1;
	_ =	sdelay $0x1  }
0x17d: {  	v2 =	vand.u32 $0x7FFFFFFF, v1  }
0x17e: {  	v2 =	vadd.f32 v2, v2;
	_ =	sdelay $0x1  }
0x17f: {  	v2 =	vmul.f32 $1.442695020e+00, v2;
	_ =	sdelay $0x1  }
0x180: {  	(erf) = vpow2.f32 v2;
	_ =	sdelay $0x8  }
0x181: {  	v2 =	vpop (erf)  }
0x182: {  	v2 =	vadd.f32 $1.000000000e+00, v2;
	_ =	sdelay $0x1  }
0x183: {  	(erf) = vrcp.f32 v2;
	_ =	sdelay $0x8  }
0x184: {  	v2 =	vpop (erf)  }
0x185: {  	v2 =	vadd.f32 v2, v2;
	_ =	sdelay $0x1  }
0x186: {  	v2 =	vsub.f32 $1.000000000e+00, v2;
	_ =	sdelay $0x1  }
0x187: {  	v3 =	vsub.f32 $0.0e+00, v2  }
0x188: {  	vm15 =	vlt.f32 v1, $0.0e+00  }
0x189: {  	v1 =	vsel vm15, v3, v2  }
0x18a: {  	s13 =	simm.s32 $0x1;
	s10 =	simm.s32 $0x9400;
	[tilespmem:$0xB3B0] =	vst v1  }
0x18b: {  	v1 =	vmov s13;
	v6 =	vld [tilespmem:s10+$0xFFFFFFF0]  }
0x18c: {  	v5 =	vld [tilespmem:s10+$0x50]  }
0x18d: {  	v10 =	vld [tilespmem:s10+$0xFFFFFFD0]  }
0x18e: {  	s14 =	simm.s32 $0x0;
	v3 =	vld [tilespmem:s10+$0x60]  }
0x18f: {  	v2 =	vmov s14;
	v4 =	vld [tilespmem:s10+$0x70]  }
0x190: {  	v2 =	vand.u32 $0xFFFFFFFE, v2;
	v7 =	vld.idx.msk [tilespmem:v1+s30+$0x0], $0xffff  }
0x191: {  	v1 =	vbroadcast v2, $0x0;
	v2 =	vld [tilespmem:s10+$0x0]  }
0x192: {  	v8 =	vld [tilespmem:s10+$0x10]  }
0x193: {  	v9 =	vld [tilespmem:s10+$0x20]  }
0x194: {  	v11 =	vld [tilespmem:s10+$0x30]  }
0x195: {  	v12 =	vld [tilespmem:s10+$0x40]  }
0x196: {  	v13 =	vld [tilespmem:s10+$0xFFFFFF80];
	v14 =	vmul.f32 v2, v7  }
0x197: {  	v15 =	vld [tilespmem:s10+$0xFFFFFFA0];
	v8 =	vmul.f32 v8, v7  }
0x198: {  	v9 =	vmul.f32 v9, v7;
	v2 =	vld.idx.msk [tilespmem:v1+s30+$0x0], $0xffff;
	[tilespmem:s10+$0x0] =	vst v14  }
0x199: {  	v11 =	vmul.f32 v11, v7;
	v63 =	vmul.f32 v5, v7;
	v5 =	vld [tilespmem:s10+$0xFFFFFF90];
	[tilespmem:s10+$0x10] =	vst v8  }
0x19a: {  	v1 =	vmul.f32 v3, v7;
	v3 =	vld [tilespmem:s10+$0xFFFFFFE0];
	[tilespmem:s10+$0x20] =	vst v9  }
0x19b: {  	v12 =	vmul.f32 v12, v7;
	v4 =	vmul.f32 v4, v7;
	v7 =	vld [tilespmem:s10+$0xFFFFFFC0];
	[tilespmem:s10+$0x30] =	vst v11  }
0x19c: {  	[tilespmem:s10+$0x60] =	vst v1;
	v1 =	vld [tilespmem:s10+$0xFFFFFFB0]  }
0x19d: {  	[tilespmem:s10+$0x40] =	vst v12;
	v8 =	vmul.f32 v13, v2;
	v9 =	vmul.f32 v6, v2  }
0x19e: {  	s11 =	simm.s32 $0x2;
	s12 =	simm.s32 $0x9400;
	[tilespmem:s10+$0x50] =	vst v63;
	v6 =	vmul.f32 v15, v2;
	v10 =	vmul.f32 v10, v2  }
.LBB2_13:
0x19f: {  	p0 =	sne.s32 s11, $0x3E  }
0x1a0: {  	v5 =	vmul.f32 v5, v2;
	v3 =	vmul.f32 v3, v2;
	[tilespmem:s10+$0x70] =	vst v4;
	s12 =	sadd.s32 $0x100, s12;
	s13 =	smov.u32 s11;
	s11 =	sadd.s32 $0x2, s11  }
0x1a1: {  	v1 =	vmul.f32 v1, v2;
	v2 =	vmul.f32 v7, v2;
	[tilespmem:s10+$0xFFFFFFF0] =	vst v9  }
0x1a2: {  	[tilespmem:s10+$0xFFFFFF80] =	vst v8  }
0x1a3: {  	s14 =	sadd.s32 $0x1, s13;
	v9 =	vld [tilespmem:s12+$0xFFFFFFF0];
	[tilespmem:s10+$0xFFFFFFD0] =	vst v10  }
0x1a4: {  	v4 =	vmov s14;
	v8 =	vld [tilespmem:s12+$0x50];
	[tilespmem:s10+$0xFFFFFFA0] =	vst v6  }
0x1a5: {  	v10 =	vld [tilespmem:s12+$0xFFFFFFD0];
	[tilespmem:s10+$0xFFFFFFB0] =	vst v1  }
0x1a6: {  	v1 =	vld [tilespmem:s12+$0xFFFFFFB0];
	[tilespmem:s10+$0xFFFFFFC0] =	vst v2  }
0x1a7: {  	v6 =	vld [tilespmem:s12+$0x60];
	[tilespmem:s10+$0xFFFFFFE0] =	vst v3  }
0x1a8: {  	v2 =	vmov s13;
	v3 =	vld [tilespmem:s12+$0x70];
	[tilespmem:s10+$0xFFFFFF90] =	vst v5;
	s10 =	smov.u32 s12  }
0x1a9: {  	v2 =	vand.u32 $0xFFFFFFFE, v2;
	v11 =	vld.idx.msk [tilespmem:v4+s30+$0x0], $0xffff  }
0x1aa: {  	v2 =	vbroadcast v2, $0x0;
	v4 =	vld [tilespmem:s12+$0x0]  }
0x1ab: {  	v5 =	vld [tilespmem:s12+$0x10]  }
0x1ac: {  	v7 =	vld [tilespmem:s12+$0x20]  }
0x1ad: {  	v12 =	vld [tilespmem:s12+$0x30]  }
0x1ae: {  	v13 =	vld [tilespmem:s12+$0x40]  }
0x1af: {  	v14 =	vld [tilespmem:s12+$0xFFFFFF80];
	v15 =	vmul.f32 v4, v11;
	v4 =	vmul.f32 v3, v11  }
0x1b0: {  	v2 =	vld.idx.msk [tilespmem:v2+s30+$0x0], $0xffff;
	v16 =	vmul.f32 v5, v11;
	v5 =	vmul.f32 v6, v11  }
0x1b1: {  	v6 =	vld [tilespmem:s12+$0xFFFFFFA0];
	[tilespmem:s12+$0x0] =	vst v15;
	v15 =	vmul.f32 v7, v11  }
0x1b2: {  	v3 =	vld [tilespmem:s12+$0xFFFFFFE0];
	v12 =	vmul.f32 v12, v11;
	[tilespmem:s12+$0x60] =	vst v5  }
.Ltmp9:
0x1b3: {  	v5 =	vld [tilespmem:s12+$0xFFFFFF90];
	[tilespmem:s12+$0x10] =	vst v16;
	v13 =	vmul.f32 v13, v11;
	(pc) =	sbr.rel @p0 .LBB2_13-.Ltmp9, $4  }
0x1b4: {  	v11 =	vmul.f32 v8, v11;
	v7 =	vld [tilespmem:s12+$0xFFFFFFC0];
	[tilespmem:s12+$0x20] =	vst v15  }
0x1b5: {  	[tilespmem:s12+$0x30] =	vst v12  }
0x1b6: {  	v8 =	vmul.f32 v14, v2;
	v9 =	vmul.f32 v9, v2;
	[tilespmem:s12+$0x40] =	vst v13  }
0x1b7: {  	v10 =	vmul.f32 v10, v2;
	v6 =	vmul.f32 v6, v2;
	[tilespmem:s12+$0x50] =	vst v11  }
0x1b8: {  	[tilespmem:s10+$0x70] =	vst v4  }
0x1b9: {  	[tilespmem:s10+$0xFFFFFFF0] =	vst v9  }
0x1ba: {  	[tilespmem:s10+$0xFFFFFF80] =	vst v8  }
0x1bb: {  	v1 =	vmul.f32 v1, v2;
	[tilespmem:s10+$0xFFFFFFD0] =	vst v10  }
0x1bc: {  	v3 =	vmul.f32 v3, v2;
	[tilespmem:s10+$0xFFFFFFA0] =	vst v6  }
.Ltmp10:
0x1bd: {  	v63 =	vmul.f32 v7, v2;
	[tilespmem:s10+$0xFFFFFFB0] =	vst v1;
	(pc) =	sbr.rel .LBB2_15-.Ltmp10, $4  }
0x1be: {  	v1 =	vmul.f32 v5, v2;
	[tilespmem:s10+$0xFFFFFFE0] =	vst v3  }
0x1bf: {  	[tilespmem:s10+$0xFFFFFFC0] =	vst v63  }
0x1c0: {  	[tilespmem:s10+$0xFFFFFF90] =	vst v1  }
0x1c1: {  	[spmem:s4] =	stream.indirect.scatter.add.f32 [tilespmem:s2], [sflag:$0x6], $0x80, s31, s23, $0xb8;
	[tilespmem:$0x1F700] =	vst v63  }
.LBB2_6:
0x1c2: {  	p1 =	seq.s32 s9, $0x0  }
0x1c3: {  	s11 =	simm.s32 @!p1 $0x6  }
0x1c4: {  	_ =	swait.ge @!p1 [sflag:s11], $0x2000  }
0x1c5: {  	s10 =	sshll.u32 @!p0 s10, $0x6;
	[sflag:s11] =	ssyncset.done @!p1 $0x0  }
0x1c6: {  	s10 =	sand.u32 @!p0 $0x3FFFFFC0, s10;
	[sflag:s11] =	ssyncadd.s32 @!p1 $0xFFFFE000  }
0x1c7: {  	v1 =	vld @!p0 [tilespmem:s10+$0x0];
	_ =	sdelay $0x4  }
0x1c8: {  	v2 =	vand.u32 @!p0 $0xFFFF, v1  }
0x1c9: {  	v1 =	vshrl.u32 @!p0 v1, $0x10;
	[tilespmem:$0xB500] =	vst @!p0 v2  }
0x1ca: {  	[tilespmem:$0xB680] =	vst @!p0 v1  }
0x1cb: {  	v1 =	vld @!p0 [tilespmem:s10+$0x10];
	_ =	sdelay $0x4  }
0x1cc: {  	v2 =	vand.u32 @!p0 $0xFFFF, v1  }
0x1cd: {  	v1 =	vshrl.u32 @!p0 v1, $0x10;
	[tilespmem:$0xB510] =	vst @!p0 v2  }
0x1ce: {  	[tilespmem:$0xB690] =	vst @!p0 v1  }
0x1cf: {  	v1 =	vld @!p0 [tilespmem:s10+$0x20];
	_ =	sdelay $0x4  }
0x1d0: {  	v2 =	vand.u32 @!p0 $0xFFFF, v1  }
0x1d1: {  	v1 =	vshrl.u32 @!p0 v1, $0x10;
	[tilespmem:$0xB520] =	vst @!p0 v2  }
0x1d2: {  	[tilespmem:$0xB6A0] =	vst @!p0 v1  }
0x1d3: {  	v1 =	vld @!p0 [tilespmem:s10+$0x30];
	_ =	sdelay $0x4  }
0x1d4: {  	v2 =	vand.u32 @!p0 $0xFFFF, v1  }
0x1d5: {  	v1 =	vshrl.u32 @!p0 v1, $0x10;
	[tilespmem:$0xB530] =	vst @!p0 v2  }
0x1d6: {  	s12 =	simm.s32 @!p0 $0x9380;
	s11 =	simm.s32 @!p0 $0xB500;
	s10 =	simm.s32 @!p0 $0x40;
	[tilespmem:$0xB6B0] =	vst @!p0 v1  }
0x1d7: {  	[tilespmem:s12], [sflag:$0x3] =	stream.indirect.gather @!p0 [hbm4b:s3+s10], $0x80, s11, s10, $0xb8;
	[tilespmem:$0x1F700] =	vst v63  }
0x1d8: {  	_ =	swait.ge [sflag:s5], $0x2000  }
0x1d9: {  	[sflag:s5] =	ssyncset.done $0x0  }
0x1da: {  	[sflag:s5] =	ssyncadd.s32 $0xFFFFE000  }
0x1db: {  	v1 =	vld [tilespmem:$0xB580]  }
0x1dc: {  	v2 =	vld [tilespmem:$0xB400];
	_ =	sdelay $0x6  }
0x1dd: {  	v1 =	vld.idx.msk [tilespmem:v1+s20+$0x0], $0xffff  }
0x1de: {  	v2 =	vld.idx.msk [tilespmem:v2+s20+$0x0], $0xffff;
	_ =	sdelay $0x4  }
0x1df: {  	v1 =	vand.u32 $0xFFFF0000, v1;
	v2 =	vshll.u32 v2, $0x10  }
0x1e0: {  	v1 =	vadd.f32 v2, v1;
	_ =	sdelay $0x1  }
0x1e1: {  	v2 =	vand.u32 $0x7FFFFFFF, v1  }
0x1e2: {  	v2 =	vadd.f32 v2, v2;
	_ =	sdelay $0x1  }
0x1e3: {  	v2 =	vmul.f32 $1.442695020e+00, v2;
	_ =	sdelay $0x1  }
0x1e4: {  	(erf) = vpow2.f32 v2;
	_ =	sdelay $0x8  }
0x1e5: {  	v2 =	vpop (erf)  }
0x1e6: {  	v2 =	vadd.f32 $1.000000000e+00, v2;
	_ =	sdelay $0x1  }
0x1e7: {  	(erf) = vrcp.f32 v2;
	_ =	sdelay $0x8  }
0x1e8: {  	v2 =	vpop (erf)  }
0x1e9: {  	v3 =	vld [tilespmem:$0xB590];
	v2 =	vadd.f32 v2, v2  }
0x1ea: {  	v4 =	vld [tilespmem:$0xB410]  }
0x1eb: {  	v2 =	vsub.f32 $1.000000000e+00, v2;
	_ =	sdelay $0x1  }
0x1ec: {  	v5 =	vsub.f32 $0.0e+00, v2  }
0x1ed: {  	vm0 =	vlt.f32 v1, $0.0e+00  }
0x1ee: {  	v1 =	vsel vm0, v5, v2  }
0x1ef: {  	[tilespmem:$0xB380] =	vst v1  }
0x1f0: {  	v1 =	vld.idx.msk [tilespmem:v3+s20+$0x0], $0xffff  }
0x1f1: {  	v2 =	vld.idx.msk [tilespmem:v4+s20+$0x0], $0xffff;
	_ =	sdelay $0x4  }
0x1f2: {  	v1 =	vand.u32 $0xFFFF0000, v1;
	v2 =	vshll.u32 v2, $0x10  }
0x1f3: {  	v1 =	vadd.f32 v2, v1;
	_ =	sdelay $0x1  }
0x1f4: {  	v2 =	vand.u32 $0x7FFFFFFF, v1  }
0x1f5: {  	v2 =	vadd.f32 v2, v2;
	_ =	sdelay $0x1  }
0x1f6: {  	v2 =	vmul.f32 $1.442695020e+00, v2;
	_ =	sdelay $0x1  }
0x1f7: {  	(erf) = vpow2.f32 v2;
	_ =	sdelay $0x8  }
0x1f8: {  	v2 =	vpop (erf)  }
0x1f9: {  	v2 =	vadd.f32 $1.000000000e+00, v2;
	_ =	sdelay $0x1  }
0x1fa: {  	(erf) = vrcp.f32 v2;
	_ =	sdelay $0x8  }
0x1fb: {  	v2 =	vpop (erf)  }
0x1fc: {  	v3 =	vld [tilespmem:$0xB5A0];
	v2 =	vadd.f32 v2, v2  }
0x1fd: {  	v4 =	vld [tilespmem:$0xB420]  }
0x1fe: {  	v2 =	vsub.f32 $1.000000000e+00, v2;
	_ =	sdelay $0x1  }
0x1ff: {  	v5 =	vsub.f32 $0.0e+00, v2  }
0x200: {  	vm13 =	vlt.f32 v1, $0.0e+00  }
0x201: {  	v1 =	vsel vm13, v5, v2  }
0x202: {  	[tilespmem:$0xB390] =	vst v1  }
0x203: {  	v1 =	vld.idx.msk [tilespmem:v3+s20+$0x0], $0xffff  }
0x204: {  	v2 =	vld.idx.msk [tilespmem:v4+s20+$0x0], $0xffff;
	_ =	sdelay $0x4  }
0x205: {  	v1 =	vand.u32 $0xFFFF0000, v1;
	v2 =	vshll.u32 v2, $0x10  }
0x206: {  	v1 =	vadd.f32 v2, v1;
	_ =	sdelay $0x1  }
0x207: {  	v2 =	vand.u32 $0x7FFFFFFF, v1  }
0x208: {  	v2 =	vadd.f32 v2, v2;
	_ =	sdelay $0x1  }
0x209: {  	v2 =	vmul.f32 $1.442695020e+00, v2;
	_ =	sdelay $0x1  }
0x20a: {  	(erf) = vpow2.f32 v2;
	_ =	sdelay $0x8  }
0x20b: {  	v2 =	vpop (erf)  }
0x20c: {  	v2 =	vadd.f32 $1.000000000e+00, v2;
	_ =	sdelay $0x1  }
0x20d: {  	(erf) = vrcp.f32 v2;
	_ =	sdelay $0x8  }
0x20e: {  	v2 =	vpop (erf)  }
0x20f: {  	v3 =	vld [tilespmem:$0xB5B0];
	v2 =	vadd.f32 v2, v2  }
0x210: {  	v4 =	vld [tilespmem:$0xB430]  }
0x211: {  	v2 =	vsub.f32 $1.000000000e+00, v2;
	_ =	sdelay $0x1  }
0x212: {  	v5 =	vsub.f32 $0.0e+00, v2  }
0x213: {  	vm14 =	vlt.f32 v1, $0.0e+00  }
0x214: {  	v1 =	vsel vm14, v5, v2  }
0x215: {  	[tilespmem:$0xB3A0] =	vst v1  }
0x216: {  	v1 =	vld.idx.msk [tilespmem:v3+s20+$0x0], $0xffff  }
0x217: {  	v2 =	vld.idx.msk [tilespmem:v4+s20+$0x0], $0xffff;
	_ =	sdelay $0x4  }
0x218: {  	v1 =	vand.u32 $0xFFFF0000, v1;
	v2 =	vshll.u32 v2, $0x10  }
0x219: {  	v1 =	vadd.f32 v2, v1;
	_ =	sdelay $0x1  }
0x21a: {  	v2 =	vand.u32 $0x7FFFFFFF, v1  }
0x21b: {  	v2 =	vadd.f32 v2, v2;
	_ =	sdelay $0x1  }
0x21c: {  	v2 =	vmul.f32 $1.442695020e+00, v2;
	_ =	sdelay $0x1  }
0x21d: {  	(erf) = vpow2.f32 v2;
	_ =	sdelay $0x8  }
0x21e: {  	v2 =	vpop (erf)  }
0x21f: {  	v2 =	vadd.f32 $1.000000000e+00, v2;
	_ =	sdelay $0x1  }
0x220: {  	(erf) = vrcp.f32 v2;
	_ =	sdelay $0x8  }
0x221: {  	v2 =	vpop (erf)  }
0x222: {  	v2 =	vadd.f32 v2, v2;
	_ =	sdelay $0x1  }
0x223: {  	v2 =	vsub.f32 $1.000000000e+00, v2;
	_ =	sdelay $0x1  }
0x224: {  	v3 =	vsub.f32 $0.0e+00, v2  }
0x225: {  	vm15 =	vlt.f32 v1, $0.0e+00  }
0x226: {  	v1 =	vsel vm15, v3, v2  }
0x227: {  	s13 =	simm.s32 $0x1;
	s10 =	simm.s32 $0x5400;
	[tilespmem:$0xB3B0] =	vst v1  }
0x228: {  	v1 =	vmov s13;
	v6 =	vld [tilespmem:s10+$0xFFFFFFF0]  }
0x229: {  	v5 =	vld [tilespmem:s10+$0x50]  }
0x22a: {  	v10 =	vld [tilespmem:s10+$0xFFFFFFD0]  }
0x22b: {  	s14 =	simm.s32 $0x0;
	v3 =	vld [tilespmem:s10+$0x60]  }
0x22c: {  	v2 =	vmov s14;
	v4 =	vld [tilespmem:s10+$0x70]  }
0x22d: {  	v2 =	vand.u32 $0xFFFFFFFE, v2;
	v7 =	vld.idx.msk [tilespmem:v1+s30+$0x0], $0xffff  }
0x22e: {  	v1 =	vbroadcast v2, $0x0;
	v2 =	vld [tilespmem:s10+$0x0]  }
0x22f: {  	v8 =	vld [tilespmem:s10+$0x10]  }
0x230: {  	v9 =	vld [tilespmem:s10+$0x20]  }
0x231: {  	v11 =	vld [tilespmem:s10+$0x30]  }
0x232: {  	v12 =	vld [tilespmem:s10+$0x40]  }
0x233: {  	v13 =	vld [tilespmem:s10+$0xFFFFFF80];
	v14 =	vmul.f32 v2, v7  }
0x234: {  	v15 =	vld [tilespmem:s10+$0xFFFFFFA0];
	v8 =	vmul.f32 v8, v7  }
0x235: {  	v9 =	vmul.f32 v9, v7;
	v2 =	vld.idx.msk [tilespmem:v1+s30+$0x0], $0xffff;
	[tilespmem:s10+$0x0] =	vst v14  }
0x236: {  	v11 =	vmul.f32 v11, v7;
	v63 =	vmul.f32 v5, v7;
	v5 =	vld [tilespmem:s10+$0xFFFFFF90];
	[tilespmem:s10+$0x10] =	vst v8  }
0x237: {  	v1 =	vmul.f32 v3, v7;
	v3 =	vld [tilespmem:s10+$0xFFFFFFE0];
	[tilespmem:s10+$0x20] =	vst v9  }
0x238: {  	v12 =	vmul.f32 v12, v7;
	v4 =	vmul.f32 v4, v7;
	v7 =	vld [tilespmem:s10+$0xFFFFFFC0];
	[tilespmem:s10+$0x30] =	vst v11  }
0x239: {  	[tilespmem:s10+$0x60] =	vst v1;
	v1 =	vld [tilespmem:s10+$0xFFFFFFB0]  }
0x23a: {  	[tilespmem:s10+$0x40] =	vst v12;
	v8 =	vmul.f32 v13, v2;
	v9 =	vmul.f32 v6, v2  }
0x23b: {  	s11 =	simm.s32 $0x2;
	s12 =	simm.s32 $0x5400;
	[tilespmem:s10+$0x50] =	vst v63;
	v6 =	vmul.f32 v15, v2;
	v10 =	vmul.f32 v10, v2  }
.LBB2_7:
0x23c: {  	p0 =	sne.s32 s11, $0x3E  }
0x23d: {  	v5 =	vmul.f32 v5, v2;
	v3 =	vmul.f32 v3, v2;
	[tilespmem:s10+$0x70] =	vst v4;
	s12 =	sadd.s32 $0x100, s12;
	s13 =	smov.u32 s11;
	s11 =	sadd.s32 $0x2, s11  }
0x23e: {  	v1 =	vmul.f32 v1, v2;
	v2 =	vmul.f32 v7, v2;
	[tilespmem:s10+$0xFFFFFFF0] =	vst v9  }
0x23f: {  	[tilespmem:s10+$0xFFFFFF80] =	vst v8  }
0x240: {  	s14 =	sadd.s32 $0x1, s13;
	v9 =	vld [tilespmem:s12+$0xFFFFFFF0];
	[tilespmem:s10+$0xFFFFFFD0] =	vst v10  }
0x241: {  	v4 =	vmov s14;
	v8 =	vld [tilespmem:s12+$0x50];
	[tilespmem:s10+$0xFFFFFFA0] =	vst v6  }
0x242: {  	v10 =	vld [tilespmem:s12+$0xFFFFFFD0];
	[tilespmem:s10+$0xFFFFFFB0] =	vst v1  }
0x243: {  	v1 =	vld [tilespmem:s12+$0xFFFFFFB0];
	[tilespmem:s10+$0xFFFFFFC0] =	vst v2  }
0x244: {  	v6 =	vld [tilespmem:s12+$0x60];
	[tilespmem:s10+$0xFFFFFFE0] =	vst v3  }
0x245: {  	v2 =	vmov s13;
	v3 =	vld [tilespmem:s12+$0x70];
	[tilespmem:s10+$0xFFFFFF90] =	vst v5;
	s10 =	smov.u32 s12  }
0x246: {  	v2 =	vand.u32 $0xFFFFFFFE, v2;
	v11 =	vld.idx.msk [tilespmem:v4+s30+$0x0], $0xffff  }
0x247: {  	v2 =	vbroadcast v2, $0x0;
	v4 =	vld [tilespmem:s12+$0x0]  }
0x248: {  	v5 =	vld [tilespmem:s12+$0x10]  }
0x249: {  	v7 =	vld [tilespmem:s12+$0x20]  }
0x24a: {  	v12 =	vld [tilespmem:s12+$0x30]  }
0x24b: {  	v13 =	vld [tilespmem:s12+$0x40]  }
0x24c: {  	v14 =	vld [tilespmem:s12+$0xFFFFFF80];
	v15 =	vmul.f32 v4, v11;
	v4 =	vmul.f32 v3, v11  }
0x24d: {  	v2 =	vld.idx.msk [tilespmem:v2+s30+$0x0], $0xffff;
	v16 =	vmul.f32 v5, v11;
	v5 =	vmul.f32 v6, v11  }
0x24e: {  	v6 =	vld [tilespmem:s12+$0xFFFFFFA0];
	[tilespmem:s12+$0x0] =	vst v15;
	v15 =	vmul.f32 v7, v11  }
0x24f: {  	v3 =	vld [tilespmem:s12+$0xFFFFFFE0];
	v12 =	vmul.f32 v12, v11;
	[tilespmem:s12+$0x60] =	vst v5  }
.Ltmp11:
0x250: {  	v5 =	vld [tilespmem:s12+$0xFFFFFF90];
	[tilespmem:s12+$0x10] =	vst v16;
	v13 =	vmul.f32 v13, v11;
	(pc) =	sbr.rel @p0 .LBB2_7-.Ltmp11, $4  }
0x251: {  	v11 =	vmul.f32 v8, v11;
	v7 =	vld [tilespmem:s12+$0xFFFFFFC0];
	[tilespmem:s12+$0x20] =	vst v15  }
0x252: {  	[tilespmem:s12+$0x30] =	vst v12  }
0x253: {  	v8 =	vmul.f32 v14, v2;
	v9 =	vmul.f32 v9, v2;
	[tilespmem:s12+$0x40] =	vst v13  }
0x254: {  	v10 =	vmul.f32 v10, v2;
	v6 =	vmul.f32 v6, v2;
	[tilespmem:s12+$0x50] =	vst v11  }
0x255: {  	[tilespmem:s10+$0x70] =	vst v4  }
0x256: {  	[tilespmem:s10+$0xFFFFFFF0] =	vst v9  }
0x257: {  	[tilespmem:s10+$0xFFFFFF80] =	vst v8  }
0x258: {  	v1 =	vmul.f32 v1, v2;
	[tilespmem:s10+$0xFFFFFFD0] =	vst v10  }
0x259: {  	v3 =	vmul.f32 v3, v2;
	[tilespmem:s10+$0xFFFFFFA0] =	vst v6  }
.Ltmp12:
0x25a: {  	v63 =	vmul.f32 v7, v2;
	[tilespmem:s10+$0xFFFFFFB0] =	vst v1;
	(pc) =	sbr.rel .LBB2_15-.Ltmp12, $4  }
0x25b: {  	v1 =	vmul.f32 v5, v2;
	[tilespmem:s10+$0xFFFFFFE0] =	vst v3  }
0x25c: {  	[tilespmem:s10+$0xFFFFFFC0] =	vst v63  }
0x25d: {  	[tilespmem:s10+$0xFFFFFF90] =	vst v1  }
0x25e: {  	[spmem:s4] =	stream.indirect.scatter.add.f32 [tilespmem:s22], [sflag:$0x4], $0x80, s6, s23, $0xb8;
	[tilespmem:$0x1F700] =	vst v63  }
.LBB2_17:
0x25f: {  	_ =	sfence.sel $0x180000  }
0x260: {  	[bflag:$0x0] =	sbarrier.arrive $0xFFFF  }
0x261: {  	_ =	strace $0x90000047  }
0x262: {  	s0 =	stileid.u32;
	[bflag:$0x2] =	sbarrier.arrive $0xFFFF  }
0x263: {  	p0 =	sne.s32 s0, $0x0;
	s0 =	rddreg [dreg:$0x3]  }
0x264: {  	s0 =	sadd.s32 @!p0 $0x100000, s0  }
0x265: {  	[sflag:s0] =	ssyncadd.tile.s32 @!p0 $0x1;
	_ =	shalt  }
.Lfunc_end2:
_tile_overlayer_lowered:
.L_overlay_start_2:
0x266: {  	(tag) =	ssettag $0x2  }
0x267: {  	s0 =	rddreg [dreg:$0x0];
	s2 =	stileid.u32  }
0x268: {  	s1 =	rddreg [dreg:$0x1];
	p0 =	sne.s32 s2, $0x0  }
0x269: {  	s3 =	rddreg [dreg:$0x2];
	[bflag:$0x3] =	sbarrier.arrive $0xFFFF;
	s2 =	simm.s32 @!p0 $0x1C07  }
0x26a: {  	[timem:s3], [sflag:s2] =	dma.local @!p0 [hbm:s0], s1  }
0x26b: {  	s0 =	simm.s32 @!p0 $0x7  }
0x26c: {  	_ =	swait.ge @!p0 [sflag:s0], s1  }
0x26d: {  	s1 =	ssub.s32 @!p0 $0x0, s1;
	[sflag:s0] =	ssyncset.done @!p0 $0x0  }
0x26e: {  	[sflag:s0] =	ssyncadd.s32 @!p0 s1  }
0x26f: {  	[bflag:$0x3] =	sbarrier.arrive $0xFFFF  }
0x270: {  	_ =	shalt  }

</sc_bundles>
